<compile_context>
chip_gen: v7x
topology: tpu7x:2x2x1
jax: 0.10.2.dev20260603
libtpu: 0.0.44.dev20260713+nightly
codegen_flags: <defaults>
</compile_context>

<pallas_src>
import jax
import jax.numpy as jnp
from jax import lax
from jax.experimental import pallas as pl
from jax.experimental.pallas import tpu as pltpu
from jax.experimental.pallas import tpu_sc as plsc

B = 8
C_IN = 96
C_OUT = 192
H = 224
W = 224
N_PLANES = B * C_IN
NW = 32
NS = 16
PPW = N_PLANES // NW
NBUF = 2
ZR = 16

_mesh = plsc.VectorSubcoreMesh(core_axis_name="c", subcore_axis_name="s")


def _body(x_hbm, out_hbm, b0, b1, zseed, zshared, si0, si1, so0, so1, sz):
    cid = lax.axis_index("c")
    sid = lax.axis_index("s")
    wid = sid * 2 + cid

    bufs = [b0, b1]
    sem_in = [si0, si1]
    sem_out = [so0, so1]

    inh = [None] * PPW

    for j in range(NBUF):
        inh[j] = pltpu.async_copy(x_hbm.at[j * NW + wid], bufs[j], sem_in[j])

    zeros16 = jnp.zeros((16,), jnp.float32)

    def zrow(i, carry):
        def zcol(j, carry2):
            zseed[i, pl.ds(j * 16, 16)] = zeros16
            return carry2

        return lax.fori_loop(0, W // 16, zcol, carry)

    lax.fori_loop(0, ZR, zrow, 0)
    pltpu.sync_copy(zseed, zshared.at[pl.ds(sid * ZR, ZR)])
    plsc.subcore_barrier()
    zsrc = zshared.at[pl.ds(0, H)]

    outh = [None] * PPW
    zh = []
    for j in range(PPW + 1):
        if j < PPW:
            b = j % NBUF
            if j >= NBUF:
                outh[j - NBUF].wait()
                inh[j] = pltpu.async_copy(
                    x_hbm.at[j * NW + wid], bufs[b], sem_in[b])
            zh.append(pltpu.async_copy(
                zsrc, out_hbm.at[2 * (j * NW + wid) + 1], sz))
        if j >= 1:
            jj = j - 1
            inh[jj].wait()
            outh[jj] = pltpu.async_copy(
                bufs[jj % NBUF], out_hbm.at[2 * (jj * NW + wid)],
                sem_out[jj % NBUF])
    for j in range(PPW - NBUF, PPW):
        outh[j].wait()
    for h in zh:
        h.wait()


def kernel(x):
    xr = x.reshape(N_PLANES, H, W)
    fn = pl.kernel(
        _body,
        out_type=jax.ShapeDtypeStruct((2 * N_PLANES, H, W), jnp.float32),
        mesh=_mesh,
        scratch_types=(
            [pltpu.VMEM((H, W), jnp.float32) for _ in range(NBUF)]
            + [pltpu.VMEM((ZR, W), jnp.float32)]
            + [pltpu.VMEM_SHARED((NS * ZR, W), jnp.float32)]
            + [pltpu.SemaphoreType.DMA for _ in range(2 * NBUF + 1)]
        ),
    )
    out = fn(xr)
    return out.reshape(B, C_OUT, H, W)

# --- scband reference (transcript-rebuilt; emitter-appended) ---
"""Pipeline reference for scband-channel-pad-43688407335220 (READ-ONLY COPY).

The authoritative reference and input builder live on the scoring server;
editing this copy changes nothing except your own understanding.
"""

import jax, jax.numpy as jnp
import numpy as np

IN_CHANNELS = 96
OUT_CHANNELS = 192
_spacing = OUT_CHANNELS / IN_CHANNELS
INDICES = jnp.asarray(np.array([int(i * _spacing) for i in range(IN_CHANNELS)], dtype=np.int32))


def setup_inputs(seed: int = 0) -> dict:
    key = jax.random.key(seed)
    x = jax.random.normal(key, (8, IN_CHANNELS, 224, 224), dtype=jnp.float32)
    return {"x": x}


def reference(x):
    b, c, h, w = x.shape
    result = jnp.zeros((b, OUT_CHANNELS, h, w), dtype=x.dtype)
    # scatter-overwrite: result[:, indices[i]] = x[:, i] for each i
    result = result.at[:, INDICES].set(x)
    return result

if __name__ == "__main__":
    import jax
    _d = setup_inputs()
    print(jax.jit(kernel)(*tuple(_d.values())))

</pallas_src>

<mosaic_0001>
#map = affine_map<(d0, d1) -> (0, 0, 0)>
module attributes {stable_mosaic.version = 14 : i64} {
  func.func @_body(%arg0: i32, %arg1: i32, %arg2: memref<768x224x224xf32, #tpu.memory_space<hbm>>, %arg3: memref<1536x224x224xf32, #tpu.memory_space<hbm>>, %arg4: memref<224x224xf32, #tpu.memory_space<vmem>>, %arg5: memref<224x224xf32, #tpu.memory_space<vmem>>, %arg6: memref<16x224xf32, #tpu.memory_space<vmem>>, %arg7: memref<256x224xf32, #tpu.memory_space<vmem_shared>>, %arg8: memref<!tpu.dma_semaphore, #tpu.memory_space<semaphore_mem>>, %arg9: memref<!tpu.dma_semaphore, #tpu.memory_space<semaphore_mem>>, %arg10: memref<!tpu.dma_semaphore, #tpu.memory_space<semaphore_mem>>, %arg11: memref<!tpu.dma_semaphore, #tpu.memory_space<semaphore_mem>>, %arg12: memref<!tpu.dma_semaphore, #tpu.memory_space<semaphore_mem>>) attributes {dimension_semantics = [#tpu.dimension_semantics<core_parallel>, #tpu.dimension_semantics<subcore_parallel>], iteration_bounds = array<i64: 2, 16>, scalar_prefetch = 0 : i64, scratch_operands = 9 : i64, tpu.core_type = #tpu.core_type<sc_vector_subcore>, window_params = [{transform_indices = #map}, {transform_indices = #map}]} {
    %mul3A = arith.constant 2 : i32
    %mul3A_0 = arith.muli %arg1, %mul3A : i32
    %add3A = arith.addi %mul3A_0, %arg0 : i32
    %add3A_1 = arith.constant 0 : i32
    %add3A_2 = arith.addi %add3A_1, %add3A : i32
    %dma_start3A = arith.constant 0 : i32
    %dma_start3A_3 = arith.constant 0 : i32
    %dma_start3A_4 = tpu.memref_slice %arg2[%add3A_2, %dma_start3A, %dma_start3A_3] : memref<768x224x224xf32, #tpu.memory_space<hbm>> -> memref<1x224x224xf32, #tpu.memory_space<hbm>>
    %dma_start3A_5 = tpu.memref_squeeze %dma_start3A_4 : memref<1x224x224xf32, #tpu.memory_space<hbm>> -> memref<224x224xf32, #tpu.memory_space<hbm>>
    %dma_start3A_6 = arith.constant 0 : i32
    %dma_start3A_7 = arith.constant 0 : i32
    %dma_start3A_8 = tpu.memref_slice %arg2[%add3A_2, %dma_start3A_6, %dma_start3A_7] : memref<768x224x224xf32, #tpu.memory_space<hbm>> -> memref<1x224x224xf32, #tpu.memory_space<hbm>>
    %dma_start3A_9 = tpu.memref_squeeze %dma_start3A_8 : memref<1x224x224xf32, #tpu.memory_space<hbm>> -> memref<224x224xf32, #tpu.memory_space<hbm>>
    tpu.enqueue_dma source(%dma_start3A_9 : memref<224x224xf32, #tpu.memory_space<hbm>>) target(%arg4 : memref<224x224xf32, #tpu.memory_space<vmem>>) target_semaphore(%arg8 : memref<!tpu.dma_semaphore, #tpu.memory_space<semaphore_mem>>)
    %add3A_10 = arith.constant 32 : i32
    %add3A_11 = arith.addi %add3A_10, %add3A : i32
    %dma_start3A_12 = arith.constant 0 : i32
    %dma_start3A_13 = arith.constant 0 : i32
    %dma_start3A_14 = tpu.memref_slice %arg2[%add3A_11, %dma_start3A_12, %dma_start3A_13] : memref<768x224x224xf32, #tpu.memory_space<hbm>> -> memref<1x224x224xf32, #tpu.memory_space<hbm>>
    %dma_start3A_15 = tpu.memref_squeeze %dma_start3A_14 : memref<1x224x224xf32, #tpu.memory_space<hbm>> -> memref<224x224xf32, #tpu.memory_space<hbm>>
    %dma_start3A_16 = arith.constant 0 : i32
    %dma_start3A_17 = arith.constant 0 : i32
    %dma_start3A_18 = tpu.memref_slice %arg2[%add3A_11, %dma_start3A_16, %dma_start3A_17] : memref<768x224x224xf32, #tpu.memory_space<hbm>> -> memref<1x224x224xf32, #tpu.memory_space<hbm>>
    %dma_start3A_19 = tpu.memref_squeeze %dma_start3A_18 : memref<1x224x224xf32, #tpu.memory_space<hbm>> -> memref<224x224xf32, #tpu.memory_space<hbm>>
    tpu.enqueue_dma source(%dma_start3A_19 : memref<224x224xf32, #tpu.memory_space<hbm>>) target(%arg5 : memref<224x224xf32, #tpu.memory_space<vmem>>) target_semaphore(%arg9 : memref<!tpu.dma_semaphore, #tpu.memory_space<semaphore_mem>>)
    %broadcast_in_dim3A = arith.constant 0.000000e+00 : f32
    %broadcast_in_dim3A_20 = vector.broadcast %broadcast_in_dim3A : f32 to vector<16xf32>
    %scan3A = arith.constant 0 : i32
    %scan3A_21 = arith.constant 0 : i32
    %scan3A_22 = arith.constant 16 : i32
    %scan3A_23 = arith.addi %scan3A_21, %scan3A_22 : i32
    %scan3A_24 = arith.constant 1 : i32
    scf.for %scan3A_1399 = %scan3A_21 to %scan3A_23 step %scan3A_24  : i32 {
      %scan3A_1400 = arith.constant 0 : i32
      %scan3A_1401 = arith.constant 14 : i32
      %scan3A_1402 = arith.addi %scan3A_1400, %scan3A_1401 : i32
      %scan3A_1403 = arith.constant 1 : i32
      scf.for %scan3A_1405 = %scan3A_1400 to %scan3A_1402 step %scan3A_1403  : i32 {
        %mul3A_1406 = arith.constant 16 : i32
        %mul3A_1407 = arith.muli %scan3A_1405, %mul3A_1406 : i32
        %swap3A = arith.index_cast %scan3A_1399 : i32 to index
        %swap3A_1408 = arith.index_cast %mul3A_1407 : i32 to index
        %swap3A_1409 = tpu.vector_load %arg6[%swap3A, %swap3A_1408] {strides = array<i32>} : memref<16x224xf32, #tpu.memory_space<vmem>>, vector<1x16xf32>,
        %swap3A_1410 = vector.shape_cast %swap3A_1409 : vector<1x16xf32> to vector<16xf32>
        %swap3A_1411 = vector.shape_cast %broadcast_in_dim3A_20 : vector<16xf32> to vector<1x16xf32>
        tpu.vector_store %arg6[%swap3A, %swap3A_1408], %swap3A_1411 {strides = array<i32>} : memref<16x224xf32, #tpu.memory_space<vmem>>, vector<1x16xf32>,
      }
      %scan3A_1404 = arith.constant 14 : i32
    }
    %scan3A_25 = arith.constant 16 : i32
    %mul3A_26 = arith.constant 16 : i32
    %mul3A_27 = arith.muli %arg1, %mul3A_26 : i32
    "tpu.region"() ({
      %run_scoped3A = tpu.sem_alloc : memref<!tpu.dma_semaphore, #tpu.memory_space<semaphore_mem>>
      %dma_start3A_1399 = arith.constant 0 : i32
      %dma_start3A_1400 = tpu.memref_slice %arg7[%mul3A_27, %dma_start3A_1399] : memref<256x224xf32, #tpu.memory_space<vmem_shared>> -> memref<16x224xf32, #tpu.memory_space<vmem_shared>>
      %dma_start3A_1401 = arith.constant 0 : i32
      %dma_start3A_1402 = tpu.memref_slice %arg7[%mul3A_27, %dma_start3A_1401] : memref<256x224xf32, #tpu.memory_space<vmem_shared>> -> memref<16x224xf32, #tpu.memory_space<vmem_shared>>
      tpu.enqueue_dma source(%arg6 : memref<16x224xf32, #tpu.memory_space<vmem>>) target(%dma_start3A_1402 : memref<16x224xf32, #tpu.memory_space<vmem_shared>>) target_semaphore(%run_scoped3A : memref<!tpu.dma_semaphore, #tpu.memory_space<semaphore_mem>>)
      %dma_wait3A_1403 = arith.constant 0 : i32
      %dma_wait3A_1404 = tpu.memref_slice %arg7[%mul3A_27, %dma_wait3A_1403] : memref<256x224xf32, #tpu.memory_space<vmem_shared>> -> memref<16x224xf32, #tpu.memory_space<vmem_shared>>
      %dma_wait3A_1405 = arith.constant 0 : i32
      %dma_wait3A_1406 = tpu.memref_slice %arg7[%mul3A_27, %dma_wait3A_1405] : memref<256x224xf32, #tpu.memory_space<vmem_shared>> -> memref<16x224xf32, #tpu.memory_space<vmem_shared>>
      tpu.wait_dma2 semaphore(%run_scoped3A : memref<!tpu.dma_semaphore, #tpu.memory_space<semaphore_mem>>) src(%arg6 : memref<16x224xf32, #tpu.memory_space<vmem>>) dst(%dma_wait3A_1406 : memref<16x224xf32, #tpu.memory_space<vmem_shared>>)
      tpu.yield
    }) : () -> ()
    %barrier3A = arith.constant 0 : index
    tpu.barrier barrier_id(%barrier3A)
    %add3A_28 = arith.constant 0 : i32
    %add3A_29 = arith.addi %add3A_28, %add3A : i32
    %mul3A_30 = arith.constant 2 : i32
    %mul3A_31 = arith.muli %mul3A_30, %add3A_29 : i32
    %add3A_32 = arith.constant 1 : i32
    %add3A_33 = arith.addi %mul3A_31, %add3A_32 : i32
    %dma_start3A_34 = arith.constant 0 : i32
    %dma_start3A_35 = arith.constant 0 : i32
    %dma_start3A_36 = tpu.memref_slice %arg3[%add3A_33, %dma_start3A_34, %dma_start3A_35] : memref<1536x224x224xf32, #tpu.memory_space<hbm>> -> memref<1x224x224xf32, #tpu.memory_space<hbm>>
    %dma_start3A_37 = tpu.memref_squeeze %dma_start3A_36 : memref<1x224x224xf32, #tpu.memory_space<hbm>> -> memref<224x224xf32, #tpu.memory_space<hbm>>
    %dma_start3A_38 = arith.constant 0 : i32
    %dma_start3A_39 = arith.constant 0 : i32
    %dma_start3A_40 = tpu.memref_slice %arg7[%dma_start3A_38, %dma_start3A_39] : memref<256x224xf32, #tpu.memory_space<vmem_shared>> -> memref<224x224xf32, #tpu.memory_space<vmem_shared>>
    tpu.enqueue_dma source(%dma_start3A_40 : memref<224x224xf32, #tpu.memory_space<vmem_shared>>) target(%dma_start3A_37 : memref<224x224xf32, #tpu.memory_space<hbm>>) target_semaphore(%arg12 : memref<!tpu.dma_semaphore, #tpu.memory_space<semaphore_mem>>)
    %add3A_41 = arith.constant 32 : i32
    %add3A_42 = arith.addi %add3A_41, %add3A : i32
    %mul3A_43 = arith.constant 2 : i32
    %mul3A_44 = arith.muli %mul3A_43, %add3A_42 : i32
    %add3A_45 = arith.constant 1 : i32
    %add3A_46 = arith.addi %mul3A_44, %add3A_45 : i32
    %dma_start3A_47 = arith.constant 0 : i32
    %dma_start3A_48 = arith.constant 0 : i32
    %dma_start3A_49 = tpu.memref_slice %arg3[%add3A_46, %dma_start3A_47, %dma_start3A_48] : memref<1536x224x224xf32, #tpu.memory_space<hbm>> -> memref<1x224x224xf32, #tpu.memory_space<hbm>>
    %dma_start3A_50 = tpu.memref_squeeze %dma_start3A_49 : memref<1x224x224xf32, #tpu.memory_space<hbm>> -> memref<224x224xf32, #tpu.memory_space<hbm>>
    %dma_start3A_51 = arith.constant 0 : i32
    %dma_start3A_52 = arith.constant 0 : i32
    %dma_start3A_53 = tpu.memref_slice %arg7[%dma_start3A_51, %dma_start3A_52] : memref<256x224xf32, #tpu.memory_space<vmem_shared>> -> memref<224x224xf32, #tpu.memory_space<vmem_shared>>
    tpu.enqueue_dma source(%dma_start3A_53 : memref<224x224xf32, #tpu.memory_space<vmem_shared>>) target(%dma_start3A_50 : memref<224x224xf32, #tpu.memory_space<hbm>>) target_semaphore(%arg12 : memref<!tpu.dma_semaphore, #tpu.memory_space<semaphore_mem>>)
    %dma_wait3A = arith.constant 0 : i32
    %dma_wait3A_54 = arith.constant 0 : i32
    %dma_wait3A_55 = tpu.memref_slice %arg2[%add3A_2, %dma_wait3A, %dma_wait3A_54] : memref<768x224x224xf32, #tpu.memory_space<hbm>> -> memref<1x224x224xf32, #tpu.memory_space<hbm>>
    %dma_wait3A_56 = tpu.memref_squeeze %dma_wait3A_55 : memref<1x224x224xf32, #tpu.memory_space<hbm>> -> memref<224x224xf32, #tpu.memory_space<hbm>>
    %dma_wait3A_57 = arith.constant 0 : i32
    %dma_wait3A_58 = arith.constant 0 : i32
    %dma_wait3A_59 = tpu.memref_slice %arg2[%add3A_2, %dma_wait3A_57, %dma_wait3A_58] : memref<768x224x224xf32, #tpu.memory_space<hbm>> -> memref<1x224x224xf32, #tpu.memory_space<hbm>>
    %dma_wait3A_60 = tpu.memref_squeeze %dma_wait3A_59 : memref<1x224x224xf32, #tpu.memory_space<hbm>> -> memref<224x224xf32, #tpu.memory_space<hbm>>
    tpu.wait_dma2 semaphore(%arg8 : memref<!tpu.dma_semaphore, #tpu.memory_space<semaphore_mem>>) src(%dma_wait3A_60 : memref<224x224xf32, #tpu.memory_space<hbm>>) dst(%arg4 : memref<224x224xf32, #tpu.memory_space<vmem>>)
    %add3A_61 = arith.constant 0 : i32
    %add3A_62 = arith.addi %add3A_61, %add3A : i32
    %mul3A_63 = arith.constant 2 : i32
    %mul3A_64 = arith.muli %mul3A_63, %add3A_62 : i32
    %dma_start3A_65 = arith.constant 0 : i32
    %dma_start3A_66 = arith.constant 0 : i32
    %dma_start3A_67 = tpu.memref_slice %arg3[%mul3A_64, %dma_start3A_65, %dma_start3A_66] : memref<1536x224x224xf32, #tpu.memory_space<hbm>> -> memref<1x224x224xf32, #tpu.memory_space<hbm>>
    %dma_start3A_68 = tpu.memref_squeeze %dma_start3A_67 : memref<1x224x224xf32, #tpu.memory_space<hbm>> -> memref<224x224xf32, #tpu.memory_space<hbm>>
    %dma_start3A_69 = arith.constant 0 : i32
    %dma_start3A_70 = arith.constant 0 : i32
    %dma_start3A_71 = tpu.memref_slice %arg3[%mul3A_64, %dma_start3A_69, %dma_start3A_70] : memref<1536x224x224xf32, #tpu.memory_space<hbm>> -> memref<1x224x224xf32, #tpu.memory_space<hbm>>
    %dma_start3A_72 = tpu.memref_squeeze %dma_start3A_71 : memref<1x224x224xf32, #tpu.memory_space<hbm>> -> memref<224x224xf32, #tpu.memory_space<hbm>>
    tpu.enqueue_dma source(%arg4 : memref<224x224xf32, #tpu.memory_space<vmem>>) target(%dma_start3A_72 : memref<224x224xf32, #tpu.memory_space<hbm>>) target_semaphore(%arg10 : memref<!tpu.dma_semaphore, #tpu.memory_space<semaphore_mem>>)
    %dma_wait3A_73 = arith.constant 0 : i32
    %dma_wait3A_74 = arith.constant 0 : i32
    %dma_wait3A_75 = tpu.memref_slice %arg3[%mul3A_64, %dma_wait3A_73, %dma_wait3A_74] : memref<1536x224x224xf32, #tpu.memory_space<hbm>> -> memref<1x224x224xf32, #tpu.memory_space<hbm>>
    %dma_wait3A_76 = tpu.memref_squeeze %dma_wait3A_75 : memref<1x224x224xf32, #tpu.memory_space<hbm>> -> memref<224x224xf32, #tpu.memory_space<hbm>>
    %dma_wait3A_77 = arith.constant 0 : i32
    %dma_wait3A_78 = arith.constant 0 : i32
    %dma_wait3A_79 = tpu.memref_slice %arg3[%mul3A_64, %dma_wait3A_77, %dma_wait3A_78] : memref<1536x224x224xf32, #tpu.memory_space<hbm>> -> memref<1x224x224xf32, #tpu.memory_space<hbm>>
    %dma_wait3A_80 = tpu.memref_squeeze %dma_wait3A_79 : memref<1x224x224xf32, #tpu.memory_space<hbm>> -> memref<224x224xf32, #tpu.memory_space<hbm>>
    tpu.wait_dma2 semaphore(%arg10 : memref<!tpu.dma_semaphore, #tpu.memory_space<semaphore_mem>>) src(%arg4 : memref<224x224xf32, #tpu.memory_space<vmem>>) dst(%dma_wait3A_80 : memref<224x224xf32, #tpu.memory_space<hbm>>)
    %add3A_81 = arith.constant 64 : i32
    %add3A_82 = arith.addi %add3A_81, %add3A : i32
    %dma_start3A_83 = arith.constant 0 : i32
    %dma_start3A_84 = arith.constant 0 : i32
    %dma_start3A_85 = tpu.memref_slice %arg2[%add3A_82, %dma_start3A_83, %dma_start3A_84] : memref<768x224x224xf32, #tpu.memory_space<hbm>> -> memref<1x224x224xf32, #tpu.memory_space<hbm>>
    %dma_start3A_86 = tpu.memref_squeeze %dma_start3A_85 : memref<1x224x224xf32, #tpu.memory_space<hbm>> -> memref<224x224xf32, #tpu.memory_space<hbm>>
    %dma_start3A_87 = arith.constant 0 : i32
    %dma_start3A_88 = arith.constant 0 : i32
    %dma_start3A_89 = tpu.memref_slice %arg2[%add3A_82, %dma_start3A_87, %dma_start3A_88] : memref<768x224x224xf32, #tpu.memory_space<hbm>> -> memref<1x224x224xf32, #tpu.memory_space<hbm>>
    %dma_start3A_90 = tpu.memref_squeeze %dma_start3A_89 : memref<1x224x224xf32, #tpu.memory_space<hbm>> -> memref<224x224xf32, #tpu.memory_space<hbm>>
    tpu.enqueue_dma source(%dma_start3A_90 : memref<224x224xf32, #tpu.memory_space<hbm>>) target(%arg4 : memref<224x224xf32, #tpu.memory_space<vmem>>) target_semaphore(%arg8 : memref<!tpu.dma_semaphore, #tpu.memory_space<semaphore_mem>>)
    %add3A_91 = arith.constant 64 : i32
    %add3A_92 = arith.addi %add3A_91, %add3A : i32
    %mul3A_93 = arith.constant 2 : i32
    %mul3A_94 = arith.muli %mul3A_93, %add3A_92 : i32
    %add3A_95 = arith.constant 1 : i32
    %add3A_96 = arith.addi %mul3A_94, %add3A_95 : i32
    %dma_start3A_97 = arith.constant 0 : i32
    %dma_start3A_98 = arith.constant 0 : i32
    %dma_start3A_99 = tpu.memref_slice %arg3[%add3A_96, %dma_start3A_97, %dma_start3A_98] : memref<1536x224x224xf32, #tpu.memory_space<hbm>> -> memref<1x224x224xf32, #tpu.memory_space<hbm>>
    %dma_start3A_100 = tpu.memref_squeeze %dma_start3A_99 : memref<1x224x224xf32, #tpu.memory_space<hbm>> -> memref<224x224xf32, #tpu.memory_space<hbm>>
    %dma_start3A_101 = arith.constant 0 : i32
    %dma_start3A_102 = arith.constant 0 : i32
    %dma_start3A_103 = tpu.memref_slice %arg7[%dma_start3A_101, %dma_start3A_102] : memref<256x224xf32, #tpu.memory_space<vmem_shared>> -> memref<224x224xf32, #tpu.memory_space<vmem_shared>>
    tpu.enqueue_dma source(%dma_start3A_103 : memref<224x224xf32, #tpu.memory_space<vmem_shared>>) target(%dma_start3A_100 : memref<224x224xf32, #tpu.memory_space<hbm>>) target_semaphore(%arg12 : memref<!tpu.dma_semaphore, #tpu.memory_space<semaphore_mem>>)
    %dma_wait3A_104 = arith.constant 0 : i32
    %dma_wait3A_105 = arith.constant 0 : i32
    %dma_wait3A_106 = tpu.memref_slice %arg2[%add3A_11, %dma_wait3A_104, %dma_wait3A_105] : memref<768x224x224xf32, #tpu.memory_space<hbm>> -> memref<1x224x224xf32, #tpu.memory_space<hbm>>
    %dma_wait3A_107 = tpu.memref_squeeze %dma_wait3A_106 : memref<1x224x224xf32, #tpu.memory_space<hbm>> -> memref<224x224xf32, #tpu.memory_space<hbm>>
    %dma_wait3A_108 = arith.constant 0 : i32
    %dma_wait3A_109 = arith.constant 0 : i32
    %dma_wait3A_110 = tpu.memref_slice %arg2[%add3A_11, %dma_wait3A_108, %dma_wait3A_109] : memref<768x224x224xf32, #tpu.memory_space<hbm>> -> memref<1x224x224xf32, #tpu.memory_space<hbm>>
    %dma_wait3A_111 = tpu.memref_squeeze %dma_wait3A_110 : memref<1x224x224xf32, #tpu.memory_space<hbm>> -> memref<224x224xf32, #tpu.memory_space<hbm>>
    tpu.wait_dma2 semaphore(%arg9 : memref<!tpu.dma_semaphore, #tpu.memory_space<semaphore_mem>>) src(%dma_wait3A_111 : memref<224x224xf32, #tpu.memory_space<hbm>>) dst(%arg5 : memref<224x224xf32, #tpu.memory_space<vmem>>)
    %add3A_112 = arith.constant 32 : i32
    %add3A_113 = arith.addi %add3A_112, %add3A : i32
    %mul3A_114 = arith.constant 2 : i32
    %mul3A_115 = arith.muli %mul3A_114, %add3A_113 : i32
    %dma_start3A_116 = arith.constant 0 : i32
    %dma_start3A_117 = arith.constant 0 : i32
    %dma_start3A_118 = tpu.memref_slice %arg3[%mul3A_115, %dma_start3A_116, %dma_start3A_117] : memref<1536x224x224xf32, #tpu.memory_space<hbm>> -> memref<1x224x224xf32, #tpu.memory_space<hbm>>
    %dma_start3A_119 = tpu.memref_squeeze %dma_start3A_118 : memref<1x224x224xf32, #tpu.memory_space<hbm>> -> memref<224x224xf32, #tpu.memory_space<hbm>>
    %dma_start3A_120 = arith.constant 0 : i32
    %dma_start3A_121 = arith.constant 0 : i32
    %dma_start3A_122 = tpu.memref_slice %arg3[%mul3A_115, %dma_start3A_120, %dma_start3A_121] : memref<1536x224x224xf32, #tpu.memory_space<hbm>> -> memref<1x224x224xf32, #tpu.memory_space<hbm>>
    %dma_start3A_123 = tpu.memref_squeeze %dma_start3A_122 : memref<1x224x224xf32, #tpu.memory_space<hbm>> -> memref<224x224xf32, #tpu.memory_space<hbm>>
    tpu.enqueue_dma source(%arg5 : memref<224x224xf32, #tpu.memory_space<vmem>>) target(%dma_start3A_123 : memref<224x224xf32, #tpu.memory_space<hbm>>) target_semaphore(%arg11 : memref<!tpu.dma_semaphore, #tpu.memory_space<semaphore_mem>>)
    %dma_wait3A_124 = arith.constant 0 : i32
    %dma_wait3A_125 = arith.constant 0 : i32
    %dma_wait3A_126 = tpu.memref_slice %arg3[%mul3A_115, %dma_wait3A_124, %dma_wait3A_125] : memref<1536x224x224xf32, #tpu.memory_space<hbm>> -> memref<1x224x224xf32, #tpu.memory_space<hbm>>
    %dma_wait3A_127 = tpu.memref_squeeze %dma_wait3A_126 : memref<1x224x224xf32, #tpu.memory_space<hbm>> -> memref<224x224xf32, #tpu.memory_space<hbm>>
    %dma_wait3A_128 = arith.constant 0 : i32
    %dma_wait3A_129 = arith.constant 0 : i32
    %dma_wait3A_130 = tpu.memref_slice %arg3[%mul3A_115, %dma_wait3A_128, %dma_wait3A_129] : memref<1536x224x224xf32, #tpu.memory_space<hbm>> -> memref<1x224x224xf32, #tpu.memory_space<hbm>>
    %dma_wait3A_131 = tpu.memref_squeeze %dma_wait3A_130 : memref<1x224x224xf32, #tpu.memory_space<hbm>> -> memref<224x224xf32, #tpu.memory_space<hbm>>
    tpu.wait_dma2 semaphore(%arg11 : memref<!tpu.dma_semaphore, #tpu.memory_space<semaphore_mem>>) src(%arg5 : memref<224x224xf32, #tpu.memory_space<vmem>>) dst(%dma_wait3A_131 : memref<224x224xf32, #tpu.memory_space<hbm>>)
    %add3A_132 = arith.constant 96 : i32
    %add3A_133 = arith.addi %add3A_132, %add3A : i32
    %dma_start3A_134 = arith.constant 0 : i32
    %dma_start3A_135 = arith.constant 0 : i32
    %dma_start3A_136 = tpu.memref_slice %arg2[%add3A_133, %dma_start3A_134, %dma_start3A_135] : memref<768x224x224xf32, #tpu.memory_space<hbm>> -> memref<1x224x224xf32, #tpu.memory_space<hbm>>
    %dma_start3A_137 = tpu.memref_squeeze %dma_start3A_136 : memref<1x224x224xf32, #tpu.memory_space<hbm>> -> memref<224x224xf32, #tpu.memory_space<hbm>>
    %dma_start3A_138 = arith.constant 0 : i32
    %dma_start3A_139 = arith.constant 0 : i32
    %dma_start3A_140 = tpu.memref_slice %arg2[%add3A_133, %dma_start3A_138, %dma_start3A_139] : memref<768x224x224xf32, #tpu.memory_space<hbm>> -> memref<1x224x224xf32, #tpu.memory_space<hbm>>
    %dma_start3A_141 = tpu.memref_squeeze %dma_start3A_140 : memref<1x224x224xf32, #tpu.memory_space<hbm>> -> memref<224x224xf32, #tpu.memory_space<hbm>>
    tpu.enqueue_dma source(%dma_start3A_141 : memref<224x224xf32, #tpu.memory_space<hbm>>) target(%arg5 : memref<224x224xf32, #tpu.memory_space<vmem>>) target_semaphore(%arg9 : memref<!tpu.dma_semaphore, #tpu.memory_space<semaphore_mem>>)
    %add3A_142 = arith.constant 96 : i32
    %add3A_143 = arith.addi %add3A_142, %add3A : i32
    %mul3A_144 = arith.constant 2 : i32
    %mul3A_145 = arith.muli %mul3A_144, %add3A_143 : i32
    %add3A_146 = arith.constant 1 : i32
    %add3A_147 = arith.addi %mul3A_145, %add3A_146 : i32
    %dma_start3A_148 = arith.constant 0 : i32
    %dma_start3A_149 = arith.constant 0 : i32
    %dma_start3A_150 = tpu.memref_slice %arg3[%add3A_147, %dma_start3A_148, %dma_start3A_149] : memref<1536x224x224xf32, #tpu.memory_space<hbm>> -> memref<1x224x224xf32, #tpu.memory_space<hbm>>
    %dma_start3A_151 = tpu.memref_squeeze %dma_start3A_150 : memref<1x224x224xf32, #tpu.memory_space<hbm>> -> memref<224x224xf32, #tpu.memory_space<hbm>>
    %dma_start3A_152 = arith.constant 0 : i32
    %dma_start3A_153 = arith.constant 0 : i32
    %dma_start3A_154 = tpu.memref_slice %arg7[%dma_start3A_152, %dma_start3A_153] : memref<256x224xf32, #tpu.memory_space<vmem_shared>> -> memref<224x224xf32, #tpu.memory_space<vmem_shared>>
    tpu.enqueue_dma source(%dma_start3A_154 : memref<224x224xf32, #tpu.memory_space<vmem_shared>>) target(%dma_start3A_151 : memref<224x224xf32, #tpu.memory_space<hbm>>) target_semaphore(%arg12 : memref<!tpu.dma_semaphore, #tpu.memory_space<semaphore_mem>>)
    %dma_wait3A_155 = arith.constant 0 : i32
    %dma_wait3A_156 = arith.constant 0 : i32
    %dma_wait3A_157 = tpu.memref_slice %arg2[%add3A_82, %dma_wait3A_155, %dma_wait3A_156] : memref<768x224x224xf32, #tpu.memory_space<hbm>> -> memref<1x224x224xf32, #tpu.memory_space<hbm>>
    %dma_wait3A_158 = tpu.memref_squeeze %dma_wait3A_157 : memref<1x224x224xf32, #tpu.memory_space<hbm>> -> memref<224x224xf32, #tpu.memory_space<hbm>>
    %dma_wait3A_159 = arith.constant 0 : i32
    %dma_wait3A_160 = arith.constant 0 : i32
    %dma_wait3A_161 = tpu.memref_slice %arg2[%add3A_82, %dma_wait3A_159, %dma_wait3A_160] : memref<768x224x224xf32, #tpu.memory_space<hbm>> -> memref<1x224x224xf32, #tpu.memory_space<hbm>>
    %dma_wait3A_162 = tpu.memref_squeeze %dma_wait3A_161 : memref<1x224x224xf32, #tpu.memory_space<hbm>> -> memref<224x224xf32, #tpu.memory_space<hbm>>
    tpu.wait_dma2 semaphore(%arg8 : memref<!tpu.dma_semaphore, #tpu.memory_space<semaphore_mem>>) src(%dma_wait3A_162 : memref<224x224xf32, #tpu.memory_space<hbm>>) dst(%arg4 : memref<224x224xf32, #tpu.memory_space<vmem>>)
    %add3A_163 = arith.constant 64 : i32
    %add3A_164 = arith.addi %add3A_163, %add3A : i32
    %mul3A_165 = arith.constant 2 : i32
    %mul3A_166 = arith.muli %mul3A_165, %add3A_164 : i32
    %dma_start3A_167 = arith.constant 0 : i32
    %dma_start3A_168 = arith.constant 0 : i32
    %dma_start3A_169 = tpu.memref_slice %arg3[%mul3A_166, %dma_start3A_167, %dma_start3A_168] : memref<1536x224x224xf32, #tpu.memory_space<hbm>> -> memref<1x224x224xf32, #tpu.memory_space<hbm>>
    %dma_start3A_170 = tpu.memref_squeeze %dma_start3A_169 : memref<1x224x224xf32, #tpu.memory_space<hbm>> -> memref<224x224xf32, #tpu.memory_space<hbm>>
    %dma_start3A_171 = arith.constant 0 : i32
    %dma_start3A_172 = arith.constant 0 : i32
    %dma_start3A_173 = tpu.memref_slice %arg3[%mul3A_166, %dma_start3A_171, %dma_start3A_172] : memref<1536x224x224xf32, #tpu.memory_space<hbm>> -> memref<1x224x224xf32, #tpu.memory_space<hbm>>
    %dma_start3A_174 = tpu.memref_squeeze %dma_start3A_173 : memref<1x224x224xf32, #tpu.memory_space<hbm>> -> memref<224x224xf32, #tpu.memory_space<hbm>>
    tpu.enqueue_dma source(%arg4 : memref<224x224xf32, #tpu.memory_space<vmem>>) target(%dma_start3A_174 : memref<224x224xf32, #tpu.memory_space<hbm>>) target_semaphore(%arg10 : memref<!tpu.dma_semaphore, #tpu.memory_space<semaphore_mem>>)
    %dma_wait3A_175 = arith.constant 0 : i32
    %dma_wait3A_176 = arith.constant 0 : i32
    %dma_wait3A_177 = tpu.memref_slice %arg3[%mul3A_166, %dma_wait3A_175, %dma_wait3A_176] : memref<1536x224x224xf32, #tpu.memory_space<hbm>> -> memref<1x224x224xf32, #tpu.memory_space<hbm>>
    %dma_wait3A_178 = tpu.memref_squeeze %dma_wait3A_177 : memref<1x224x224xf32, #tpu.memory_space<hbm>> -> memref<224x224xf32, #tpu.memory_space<hbm>>
    %dma_wait3A_179 = arith.constant 0 : i32
    %dma_wait3A_180 = arith.constant 0 : i32
    %dma_wait3A_181 = tpu.memref_slice %arg3[%mul3A_166, %dma_wait3A_179, %dma_wait3A_180] : memref<1536x224x224xf32, #tpu.memory_space<hbm>> -> memref<1x224x224xf32, #tpu.memory_space<hbm>>
    %dma_wait3A_182 = tpu.memref_squeeze %dma_wait3A_181 : memref<1x224x224xf32, #tpu.memory_space<hbm>> -> memref<224x224xf32, #tpu.memory_space<hbm>>
    tpu.wait_dma2 semaphore(%arg10 : memref<!tpu.dma_semaphore, #tpu.memory_space<semaphore_mem>>) src(%arg4 : memref<224x224xf32, #tpu.memory_space<vmem>>) dst(%dma_wait3A_182 : memref<224x224xf32, #tpu.memory_space<hbm>>)
    %add3A_183 = arith.constant 128 : i32
    %add3A_184 = arith.addi %add3A_183, %add3A : i32
    %dma_start3A_185 = arith.constant 0 : i32
    %dma_start3A_186 = arith.constant 0 : i32
    %dma_start3A_187 = tpu.memref_slice %arg2[%add3A_184, %dma_start3A_185, %dma_start3A_186] : memref<768x224x224xf32, #tpu.memory_space<hbm>> -> memref<1x224x224xf32, #tpu.memory_space<hbm>>
    %dma_start3A_188 = tpu.memref_squeeze %dma_start3A_187 : memref<1x224x224xf32, #tpu.memory_space<hbm>> -> memref<224x224xf32, #tpu.memory_space<hbm>>
    %dma_start3A_189 = arith.constant 0 : i32
    %dma_start3A_190 = arith.constant 0 : i32
    %dma_start3A_191 = tpu.memref_slice %arg2[%add3A_184, %dma_start3A_189, %dma_start3A_190] : memref<768x224x224xf32, #tpu.memory_space<hbm>> -> memref<1x224x224xf32, #tpu.memory_space<hbm>>
    %dma_start3A_192 = tpu.memref_squeeze %dma_start3A_191 : memref<1x224x224xf32, #tpu.memory_space<hbm>> -> memref<224x224xf32, #tpu.memory_space<hbm>>
    tpu.enqueue_dma source(%dma_start3A_192 : memref<224x224xf32, #tpu.memory_space<hbm>>) target(%arg4 : memref<224x224xf32, #tpu.memory_space<vmem>>) target_semaphore(%arg8 : memref<!tpu.dma_semaphore, #tpu.memory_space<semaphore_mem>>)
    %add3A_193 = arith.constant 128 : i32
    %add3A_194 = arith.addi %add3A_193, %add3A : i32
    %mul3A_195 = arith.constant 2 : i32
    %mul3A_196 = arith.muli %mul3A_195, %add3A_194 : i32
    %add3A_197 = arith.constant 1 : i32
    %add3A_198 = arith.addi %mul3A_196, %add3A_197 : i32
    %dma_start3A_199 = arith.constant 0 : i32
    %dma_start3A_200 = arith.constant 0 : i32
    %dma_start3A_201 = tpu.memref_slice %arg3[%add3A_198, %dma_start3A_199, %dma_start3A_200] : memref<1536x224x224xf32, #tpu.memory_space<hbm>> -> memref<1x224x224xf32, #tpu.memory_space<hbm>>
    %dma_start3A_202 = tpu.memref_squeeze %dma_start3A_201 : memref<1x224x224xf32, #tpu.memory_space<hbm>> -> memref<224x224xf32, #tpu.memory_space<hbm>>
    %dma_start3A_203 = arith.constant 0 : i32
    %dma_start3A_204 = arith.constant 0 : i32
    %dma_start3A_205 = tpu.memref_slice %arg7[%dma_start3A_203, %dma_start3A_204] : memref<256x224xf32, #tpu.memory_space<vmem_shared>> -> memref<224x224xf32, #tpu.memory_space<vmem_shared>>
    tpu.enqueue_dma source(%dma_start3A_205 : memref<224x224xf32, #tpu.memory_space<vmem_shared>>) target(%dma_start3A_202 : memref<224x224xf32, #tpu.memory_space<hbm>>) target_semaphore(%arg12 : memref<!tpu.dma_semaphore, #tpu.memory_space<semaphore_mem>>)
    %dma_wait3A_206 = arith.constant 0 : i32
    %dma_wait3A_207 = arith.constant 0 : i32
    %dma_wait3A_208 = tpu.memref_slice %arg2[%add3A_133, %dma_wait3A_206, %dma_wait3A_207] : memref<768x224x224xf32, #tpu.memory_space<hbm>> -> memref<1x224x224xf32, #tpu.memory_space<hbm>>
    %dma_wait3A_209 = tpu.memref_squeeze %dma_wait3A_208 : memref<1x224x224xf32, #tpu.memory_space<hbm>> -> memref<224x224xf32, #tpu.memory_space<hbm>>
    %dma_wait3A_210 = arith.constant 0 : i32
    %dma_wait3A_211 = arith.constant 0 : i32
    %dma_wait3A_212 = tpu.memref_slice %arg2[%add3A_133, %dma_wait3A_210, %dma_wait3A_211] : memref<768x224x224xf32, #tpu.memory_space<hbm>> -> memref<1x224x224xf32, #tpu.memory_space<hbm>>
    %dma_wait3A_213 = tpu.memref_squeeze %dma_wait3A_212 : memref<1x224x224xf32, #tpu.memory_space<hbm>> -> memref<224x224xf32, #tpu.memory_space<hbm>>
    tpu.wait_dma2 semaphore(%arg9 : memref<!tpu.dma_semaphore, #tpu.memory_space<semaphore_mem>>) src(%dma_wait3A_213 : memref<224x224xf32, #tpu.memory_space<hbm>>) dst(%arg5 : memref<224x224xf32, #tpu.memory_space<vmem>>)
    %add3A_214 = arith.constant 96 : i32
    %add3A_215 = arith.addi %add3A_214, %add3A : i32
    %mul3A_216 = arith.constant 2 : i32
    %mul3A_217 = arith.muli %mul3A_216, %add3A_215 : i32
    %dma_start3A_218 = arith.constant 0 : i32
    %dma_start3A_219 = arith.constant 0 : i32
    %dma_start3A_220 = tpu.memref_slice %arg3[%mul3A_217, %dma_start3A_218, %dma_start3A_219] : memref<1536x224x224xf32, #tpu.memory_space<hbm>> -> memref<1x224x224xf32, #tpu.memory_space<hbm>>
    %dma_start3A_221 = tpu.memref_squeeze %dma_start3A_220 : memref<1x224x224xf32, #tpu.memory_space<hbm>> -> memref<224x224xf32, #tpu.memory_space<hbm>>
    %dma_start3A_222 = arith.constant 0 : i32
    %dma_start3A_223 = arith.constant 0 : i32
    %dma_start3A_224 = tpu.memref_slice %arg3[%mul3A_217, %dma_start3A_222, %dma_start3A_223] : memref<1536x224x224xf32, #tpu.memory_space<hbm>> -> memref<1x224x224xf32, #tpu.memory_space<hbm>>
    %dma_start3A_225 = tpu.memref_squeeze %dma_start3A_224 : memref<1x224x224xf32, #tpu.memory_space<hbm>> -> memref<224x224xf32, #tpu.memory_space<hbm>>
    tpu.enqueue_dma source(%arg5 : memref<224x224xf32, #tpu.memory_space<vmem>>) target(%dma_start3A_225 : memref<224x224xf32, #tpu.memory_space<hbm>>) target_semaphore(%arg11 : memref<!tpu.dma_semaphore, #tpu.memory_space<semaphore_mem>>)
    %dma_wait3A_226 = arith.constant 0 : i32
    %dma_wait3A_227 = arith.constant 0 : i32
    %dma_wait3A_228 = tpu.memref_slice %arg3[%mul3A_217, %dma_wait3A_226, %dma_wait3A_227] : memref<1536x224x224xf32, #tpu.memory_space<hbm>> -> memref<1x224x224xf32, #tpu.memory_space<hbm>>
    %dma_wait3A_229 = tpu.memref_squeeze %dma_wait3A_228 : memref<1x224x224xf32, #tpu.memory_space<hbm>> -> memref<224x224xf32, #tpu.memory_space<hbm>>
    %dma_wait3A_230 = arith.constant 0 : i32
    %dma_wait3A_231 = arith.constant 0 : i32
    %dma_wait3A_232 = tpu.memref_slice %arg3[%mul3A_217, %dma_wait3A_230, %dma_wait3A_231] : memref<1536x224x224xf32, #tpu.memory_space<hbm>> -> memref<1x224x224xf32, #tpu.memory_space<hbm>>
    %dma_wait3A_233 = tpu.memref_squeeze %dma_wait3A_232 : memref<1x224x224xf32, #tpu.memory_space<hbm>> -> memref<224x224xf32, #tpu.memory_space<hbm>>
    tpu.wait_dma2 semaphore(%arg11 : memref<!tpu.dma_semaphore, #tpu.memory_space<semaphore_mem>>) src(%arg5 : memref<224x224xf32, #tpu.memory_space<vmem>>) dst(%dma_wait3A_233 : memref<224x224xf32, #tpu.memory_space<hbm>>)
    %add3A_234 = arith.constant 160 : i32
    %add3A_235 = arith.addi %add3A_234, %add3A : i32
    %dma_start3A_236 = arith.constant 0 : i32
    %dma_start3A_237 = arith.constant 0 : i32
    %dma_start3A_238 = tpu.memref_slice %arg2[%add3A_235, %dma_start3A_236, %dma_start3A_237] : memref<768x224x224xf32, #tpu.memory_space<hbm>> -> memref<1x224x224xf32, #tpu.memory_space<hbm>>
    %dma_start3A_239 = tpu.memref_squeeze %dma_start3A_238 : memref<1x224x224xf32, #tpu.memory_space<hbm>> -> memref<224x224xf32, #tpu.memory_space<hbm>>
    %dma_start3A_240 = arith.constant 0 : i32
    %dma_start3A_241 = arith.constant 0 : i32
    %dma_start3A_242 = tpu.memref_slice %arg2[%add3A_235, %dma_start3A_240, %dma_start3A_241] : memref<768x224x224xf32, #tpu.memory_space<hbm>> -> memref<1x224x224xf32, #tpu.memory_space<hbm>>
    %dma_start3A_243 = tpu.memref_squeeze %dma_start3A_242 : memref<1x224x224xf32, #tpu.memory_space<hbm>> -> memref<224x224xf32, #tpu.memory_space<hbm>>
    tpu.enqueue_dma source(%dma_start3A_243 : memref<224x224xf32, #tpu.memory_space<hbm>>) target(%arg5 : memref<224x224xf32, #tpu.memory_space<vmem>>) target_semaphore(%arg9 : memref<!tpu.dma_semaphore, #tpu.memory_space<semaphore_mem>>)
    %add3A_244 = arith.constant 160 : i32
    %add3A_245 = arith.addi %add3A_244, %add3A : i32
    %mul3A_246 = arith.constant 2 : i32
    %mul3A_247 = arith.muli %mul3A_246, %add3A_245 : i32
    %add3A_248 = arith.constant 1 : i32
    %add3A_249 = arith.addi %mul3A_247, %add3A_248 : i32
    %dma_start3A_250 = arith.constant 0 : i32
    %dma_start3A_251 = arith.constant 0 : i32
    %dma_start3A_252 = tpu.memref_slice %arg3[%add3A_249, %dma_start3A_250, %dma_start3A_251] : memref<1536x224x224xf32, #tpu.memory_space<hbm>> -> memref<1x224x224xf32, #tpu.memory_space<hbm>>
    %dma_start3A_253 = tpu.memref_squeeze %dma_start3A_252 : memref<1x224x224xf32, #tpu.memory_space<hbm>> -> memref<224x224xf32, #tpu.memory_space<hbm>>
    %dma_start3A_254 = arith.constant 0 : i32
    %dma_start3A_255 = arith.constant 0 : i32
    %dma_start3A_256 = tpu.memref_slice %arg7[%dma_start3A_254, %dma_start3A_255] : memref<256x224xf32, #tpu.memory_space<vmem_shared>> -> memref<224x224xf32, #tpu.memory_space<vmem_shared>>
    tpu.enqueue_dma source(%dma_start3A_256 : memref<224x224xf32, #tpu.memory_space<vmem_shared>>) target(%dma_start3A_253 : memref<224x224xf32, #tpu.memory_space<hbm>>) target_semaphore(%arg12 : memref<!tpu.dma_semaphore, #tpu.memory_space<semaphore_mem>>)
    %dma_wait3A_257 = arith.constant 0 : i32
    %dma_wait3A_258 = arith.constant 0 : i32
    %dma_wait3A_259 = tpu.memref_slice %arg2[%add3A_184, %dma_wait3A_257, %dma_wait3A_258] : memref<768x224x224xf32, #tpu.memory_space<hbm>> -> memref<1x224x224xf32, #tpu.memory_space<hbm>>
    %dma_wait3A_260 = tpu.memref_squeeze %dma_wait3A_259 : memref<1x224x224xf32, #tpu.memory_space<hbm>> -> memref<224x224xf32, #tpu.memory_space<hbm>>
    %dma_wait3A_261 = arith.constant 0 : i32
    %dma_wait3A_262 = arith.constant 0 : i32
    %dma_wait3A_263 = tpu.memref_slice %arg2[%add3A_184, %dma_wait3A_261, %dma_wait3A_262] : memref<768x224x224xf32, #tpu.memory_space<hbm>> -> memref<1x224x224xf32, #tpu.memory_space<hbm>>
    %dma_wait3A_264 = tpu.memref_squeeze %dma_wait3A_263 : memref<1x224x224xf32, #tpu.memory_space<hbm>> -> memref<224x224xf32, #tpu.memory_space<hbm>>
    tpu.wait_dma2 semaphore(%arg8 : memref<!tpu.dma_semaphore, #tpu.memory_space<semaphore_mem>>) src(%dma_wait3A_264 : memref<224x224xf32, #tpu.memory_space<hbm>>) dst(%arg4 : memref<224x224xf32, #tpu.memory_space<vmem>>)
    %add3A_265 = arith.constant 128 : i32
    %add3A_266 = arith.addi %add3A_265, %add3A : i32
    %mul3A_267 = arith.constant 2 : i32
    %mul3A_268 = arith.muli %mul3A_267, %add3A_266 : i32
    %dma_start3A_269 = arith.constant 0 : i32
    %dma_start3A_270 = arith.constant 0 : i32
    %dma_start3A_271 = tpu.memref_slice %arg3[%mul3A_268, %dma_start3A_269, %dma_start3A_270] : memref<1536x224x224xf32, #tpu.memory_space<hbm>> -> memref<1x224x224xf32, #tpu.memory_space<hbm>>
    %dma_start3A_272 = tpu.memref_squeeze %dma_start3A_271 : memref<1x224x224xf32, #tpu.memory_space<hbm>> -> memref<224x224xf32, #tpu.memory_space<hbm>>
    %dma_start3A_273 = arith.constant 0 : i32
    %dma_start3A_274 = arith.constant 0 : i32
    %dma_start3A_275 = tpu.memref_slice %arg3[%mul3A_268, %dma_start3A_273, %dma_start3A_274] : memref<1536x224x224xf32, #tpu.memory_space<hbm>> -> memref<1x224x224xf32, #tpu.memory_space<hbm>>
    %dma_start3A_276 = tpu.memref_squeeze %dma_start3A_275 : memref<1x224x224xf32, #tpu.memory_space<hbm>> -> memref<224x224xf32, #tpu.memory_space<hbm>>
    tpu.enqueue_dma source(%arg4 : memref<224x224xf32, #tpu.memory_space<vmem>>) target(%dma_start3A_276 : memref<224x224xf32, #tpu.memory_space<hbm>>) target_semaphore(%arg10 : memref<!tpu.dma_semaphore, #tpu.memory_space<semaphore_mem>>)
    %dma_wait3A_277 = arith.constant 0 : i32
    %dma_wait3A_278 = arith.constant 0 : i32
    %dma_wait3A_279 = tpu.memref_slice %arg3[%mul3A_268, %dma_wait3A_277, %dma_wait3A_278] : memref<1536x224x224xf32, #tpu.memory_space<hbm>> -> memref<1x224x224xf32, #tpu.memory_space<hbm>>
    %dma_wait3A_280 = tpu.memref_squeeze %dma_wait3A_279 : memref<1x224x224xf32, #tpu.memory_space<hbm>> -> memref<224x224xf32, #tpu.memory_space<hbm>>
    %dma_wait3A_281 = arith.constant 0 : i32
    %dma_wait3A_282 = arith.constant 0 : i32
    %dma_wait3A_283 = tpu.memref_slice %arg3[%mul3A_268, %dma_wait3A_281, %dma_wait3A_282] : memref<1536x224x224xf32, #tpu.memory_space<hbm>> -> memref<1x224x224xf32, #tpu.memory_space<hbm>>
    %dma_wait3A_284 = tpu.memref_squeeze %dma_wait3A_283 : memref<1x224x224xf32, #tpu.memory_space<hbm>> -> memref<224x224xf32, #tpu.memory_space<hbm>>
    tpu.wait_dma2 semaphore(%arg10 : memref<!tpu.dma_semaphore, #tpu.memory_space<semaphore_mem>>) src(%arg4 : memref<224x224xf32, #tpu.memory_space<vmem>>) dst(%dma_wait3A_284 : memref<224x224xf32, #tpu.memory_space<hbm>>)
    %add3A_285 = arith.constant 192 : i32
    %add3A_286 = arith.addi %add3A_285, %add3A : i32
    %dma_start3A_287 = arith.constant 0 : i32
    %dma_start3A_288 = arith.constant 0 : i32
    %dma_start3A_289 = tpu.memref_slice %arg2[%add3A_286, %dma_start3A_287, %dma_start3A_288] : memref<768x224x224xf32, #tpu.memory_space<hbm>> -> memref<1x224x224xf32, #tpu.memory_space<hbm>>
    %dma_start3A_290 = tpu.memref_squeeze %dma_start3A_289 : memref<1x224x224xf32, #tpu.memory_space<hbm>> -> memref<224x224xf32, #tpu.memory_space<hbm>>
    %dma_start3A_291 = arith.constant 0 : i32
    %dma_start3A_292 = arith.constant 0 : i32
    %dma_start3A_293 = tpu.memref_slice %arg2[%add3A_286, %dma_start3A_291, %dma_start3A_292] : memref<768x224x224xf32, #tpu.memory_space<hbm>> -> memref<1x224x224xf32, #tpu.memory_space<hbm>>
    %dma_start3A_294 = tpu.memref_squeeze %dma_start3A_293 : memref<1x224x224xf32, #tpu.memory_space<hbm>> -> memref<224x224xf32, #tpu.memory_space<hbm>>
    tpu.enqueue_dma source(%dma_start3A_294 : memref<224x224xf32, #tpu.memory_space<hbm>>) target(%arg4 : memref<224x224xf32, #tpu.memory_space<vmem>>) target_semaphore(%arg8 : memref<!tpu.dma_semaphore, #tpu.memory_space<semaphore_mem>>)
    %add3A_295 = arith.constant 192 : i32
    %add3A_296 = arith.addi %add3A_295, %add3A : i32
    %mul3A_297 = arith.constant 2 : i32
    %mul3A_298 = arith.muli %mul3A_297, %add3A_296 : i32
    %add3A_299 = arith.constant 1 : i32
    %add3A_300 = arith.addi %mul3A_298, %add3A_299 : i32
    %dma_start3A_301 = arith.constant 0 : i32
    %dma_start3A_302 = arith.constant 0 : i32
    %dma_start3A_303 = tpu.memref_slice %arg3[%add3A_300, %dma_start3A_301, %dma_start3A_302] : memref<1536x224x224xf32, #tpu.memory_space<hbm>> -> memref<1x224x224xf32, #tpu.memory_space<hbm>>
    %dma_start3A_304 = tpu.memref_squeeze %dma_start3A_303 : memref<1x224x224xf32, #tpu.memory_space<hbm>> -> memref<224x224xf32, #tpu.memory_space<hbm>>
    %dma_start3A_305 = arith.constant 0 : i32
    %dma_start3A_306 = arith.constant 0 : i32
    %dma_start3A_307 = tpu.memref_slice %arg7[%dma_start3A_305, %dma_start3A_306] : memref<256x224xf32, #tpu.memory_space<vmem_shared>> -> memref<224x224xf32, #tpu.memory_space<vmem_shared>>
    tpu.enqueue_dma source(%dma_start3A_307 : memref<224x224xf32, #tpu.memory_space<vmem_shared>>) target(%dma_start3A_304 : memref<224x224xf32, #tpu.memory_space<hbm>>) target_semaphore(%arg12 : memref<!tpu.dma_semaphore, #tpu.memory_space<semaphore_mem>>)
    %dma_wait3A_308 = arith.constant 0 : i32
    %dma_wait3A_309 = arith.constant 0 : i32
    %dma_wait3A_310 = tpu.memref_slice %arg2[%add3A_235, %dma_wait3A_308, %dma_wait3A_309] : memref<768x224x224xf32, #tpu.memory_space<hbm>> -> memref<1x224x224xf32, #tpu.memory_space<hbm>>
    %dma_wait3A_311 = tpu.memref_squeeze %dma_wait3A_310 : memref<1x224x224xf32, #tpu.memory_space<hbm>> -> memref<224x224xf32, #tpu.memory_space<hbm>>
    %dma_wait3A_312 = arith.constant 0 : i32
    %dma_wait3A_313 = arith.constant 0 : i32
    %dma_wait3A_314 = tpu.memref_slice %arg2[%add3A_235, %dma_wait3A_312, %dma_wait3A_313] : memref<768x224x224xf32, #tpu.memory_space<hbm>> -> memref<1x224x224xf32, #tpu.memory_space<hbm>>
    %dma_wait3A_315 = tpu.memref_squeeze %dma_wait3A_314 : memref<1x224x224xf32, #tpu.memory_space<hbm>> -> memref<224x224xf32, #tpu.memory_space<hbm>>
    tpu.wait_dma2 semaphore(%arg9 : memref<!tpu.dma_semaphore, #tpu.memory_space<semaphore_mem>>) src(%dma_wait3A_315 : memref<224x224xf32, #tpu.memory_space<hbm>>) dst(%arg5 : memref<224x224xf32, #tpu.memory_space<vmem>>)
    %add3A_316 = arith.constant 160 : i32
    %add3A_317 = arith.addi %add3A_316, %add3A : i32
    %mul3A_318 = arith.constant 2 : i32
    %mul3A_319 = arith.muli %mul3A_318, %add3A_317 : i32
    %dma_start3A_320 = arith.constant 0 : i32
    %dma_start3A_321 = arith.constant 0 : i32
    %dma_start3A_322 = tpu.memref_slice %arg3[%mul3A_319, %dma_start3A_320, %dma_start3A_321] : memref<1536x224x224xf32, #tpu.memory_space<hbm>> -> memref<1x224x224xf32, #tpu.memory_space<hbm>>
    %dma_start3A_323 = tpu.memref_squeeze %dma_start3A_322 : memref<1x224x224xf32, #tpu.memory_space<hbm>> -> memref<224x224xf32, #tpu.memory_space<hbm>>
    %dma_start3A_324 = arith.constant 0 : i32
    %dma_start3A_325 = arith.constant 0 : i32
    %dma_start3A_326 = tpu.memref_slice %arg3[%mul3A_319, %dma_start3A_324, %dma_start3A_325] : memref<1536x224x224xf32, #tpu.memory_space<hbm>> -> memref<1x224x224xf32, #tpu.memory_space<hbm>>
    %dma_start3A_327 = tpu.memref_squeeze %dma_start3A_326 : memref<1x224x224xf32, #tpu.memory_space<hbm>> -> memref<224x224xf32, #tpu.memory_space<hbm>>
    tpu.enqueue_dma source(%arg5 : memref<224x224xf32, #tpu.memory_space<vmem>>) target(%dma_start3A_327 : memref<224x224xf32, #tpu.memory_space<hbm>>) target_semaphore(%arg11 : memref<!tpu.dma_semaphore, #tpu.memory_space<semaphore_mem>>)
    %dma_wait3A_328 = arith.constant 0 : i32
    %dma_wait3A_329 = arith.constant 0 : i32
    %dma_wait3A_330 = tpu.memref_slice %arg3[%mul3A_319, %dma_wait3A_328, %dma_wait3A_329] : memref<1536x224x224xf32, #tpu.memory_space<hbm>> -> memref<1x224x224xf32, #tpu.memory_space<hbm>>
    %dma_wait3A_331 = tpu.memref_squeeze %dma_wait3A_330 : memref<1x224x224xf32, #tpu.memory_space<hbm>> -> memref<224x224xf32, #tpu.memory_space<hbm>>
    %dma_wait3A_332 = arith.constant 0 : i32
    %dma_wait3A_333 = arith.constant 0 : i32
    %dma_wait3A_334 = tpu.memref_slice %arg3[%mul3A_319, %dma_wait3A_332, %dma_wait3A_333] : memref<1536x224x224xf32, #tpu.memory_space<hbm>> -> memref<1x224x224xf32, #tpu.memory_space<hbm>>
    %dma_wait3A_335 = tpu.memref_squeeze %dma_wait3A_334 : memref<1x224x224xf32, #tpu.memory_space<hbm>> -> memref<224x224xf32, #tpu.memory_space<hbm>>
    tpu.wait_dma2 semaphore(%arg11 : memref<!tpu.dma_semaphore, #tpu.memory_space<semaphore_mem>>) src(%arg5 : memref<224x224xf32, #tpu.memory_space<vmem>>) dst(%dma_wait3A_335 : memref<224x224xf32, #tpu.memory_space<hbm>>)
    %add3A_336 = arith.constant 224 : i32
    %add3A_337 = arith.addi %add3A_336, %add3A : i32
    %dma_start3A_338 = arith.constant 0 : i32
    %dma_start3A_339 = arith.constant 0 : i32
    %dma_start3A_340 = tpu.memref_slice %arg2[%add3A_337, %dma_start3A_338, %dma_start3A_339] : memref<768x224x224xf32, #tpu.memory_space<hbm>> -> memref<1x224x224xf32, #tpu.memory_space<hbm>>
    %dma_start3A_341 = tpu.memref_squeeze %dma_start3A_340 : memref<1x224x224xf32, #tpu.memory_space<hbm>> -> memref<224x224xf32, #tpu.memory_space<hbm>>
    %dma_start3A_342 = arith.constant 0 : i32
    %dma_start3A_343 = arith.constant 0 : i32
    %dma_start3A_344 = tpu.memref_slice %arg2[%add3A_337, %dma_start3A_342, %dma_start3A_343] : memref<768x224x224xf32, #tpu.memory_space<hbm>> -> memref<1x224x224xf32, #tpu.memory_space<hbm>>
    %dma_start3A_345 = tpu.memref_squeeze %dma_start3A_344 : memref<1x224x224xf32, #tpu.memory_space<hbm>> -> memref<224x224xf32, #tpu.memory_space<hbm>>
    tpu.enqueue_dma source(%dma_start3A_345 : memref<224x224xf32, #tpu.memory_space<hbm>>) target(%arg5 : memref<224x224xf32, #tpu.memory_space<vmem>>) target_semaphore(%arg9 : memref<!tpu.dma_semaphore, #tpu.memory_space<semaphore_mem>>)
    %add3A_346 = arith.constant 224 : i32
    %add3A_347 = arith.addi %add3A_346, %add3A : i32
    %mul3A_348 = arith.constant 2 : i32
    %mul3A_349 = arith.muli %mul3A_348, %add3A_347 : i32
    %add3A_350 = arith.constant 1 : i32
    %add3A_351 = arith.addi %mul3A_349, %add3A_350 : i32
    %dma_start3A_352 = arith.constant 0 : i32
    %dma_start3A_353 = arith.constant 0 : i32
    %dma_start3A_354 = tpu.memref_slice %arg3[%add3A_351, %dma_start3A_352, %dma_start3A_353] : memref<1536x224x224xf32, #tpu.memory_space<hbm>> -> memref<1x224x224xf32, #tpu.memory_space<hbm>>
    %dma_start3A_355 = tpu.memref_squeeze %dma_start3A_354 : memref<1x224x224xf32, #tpu.memory_space<hbm>> -> memref<224x224xf32, #tpu.memory_space<hbm>>
    %dma_start3A_356 = arith.constant 0 : i32
    %dma_start3A_357 = arith.constant 0 : i32
    %dma_start3A_358 = tpu.memref_slice %arg7[%dma_start3A_356, %dma_start3A_357] : memref<256x224xf32, #tpu.memory_space<vmem_shared>> -> memref<224x224xf32, #tpu.memory_space<vmem_shared>>
    tpu.enqueue_dma source(%dma_start3A_358 : memref<224x224xf32, #tpu.memory_space<vmem_shared>>) target(%dma_start3A_355 : memref<224x224xf32, #tpu.memory_space<hbm>>) target_semaphore(%arg12 : memref<!tpu.dma_semaphore, #tpu.memory_space<semaphore_mem>>)
    %dma_wait3A_359 = arith.constant 0 : i32
    %dma_wait3A_360 = arith.constant 0 : i32
    %dma_wait3A_361 = tpu.memref_slice %arg2[%add3A_286, %dma_wait3A_359, %dma_wait3A_360] : memref<768x224x224xf32, #tpu.memory_space<hbm>> -> memref<1x224x224xf32, #tpu.memory_space<hbm>>
    %dma_wait3A_362 = tpu.memref_squeeze %dma_wait3A_361 : memref<1x224x224xf32, #tpu.memory_space<hbm>> -> memref<224x224xf32, #tpu.memory_space<hbm>>
    %dma_wait3A_363 = arith.constant 0 : i32
    %dma_wait3A_364 = arith.constant 0 : i32
    %dma_wait3A_365 = tpu.memref_slice %arg2[%add3A_286, %dma_wait3A_363, %dma_wait3A_364] : memref<768x224x224xf32, #tpu.memory_space<hbm>> -> memref<1x224x224xf32, #tpu.memory_space<hbm>>
    %dma_wait3A_366 = tpu.memref_squeeze %dma_wait3A_365 : memref<1x224x224xf32, #tpu.memory_space<hbm>> -> memref<224x224xf32, #tpu.memory_space<hbm>>
    tpu.wait_dma2 semaphore(%arg8 : memref<!tpu.dma_semaphore, #tpu.memory_space<semaphore_mem>>) src(%dma_wait3A_366 : memref<224x224xf32, #tpu.memory_space<hbm>>) dst(%arg4 : memref<224x224xf32, #tpu.memory_space<vmem>>)
    %add3A_367 = arith.constant 192 : i32
    %add3A_368 = arith.addi %add3A_367, %add3A : i32
    %mul3A_369 = arith.constant 2 : i32
    %mul3A_370 = arith.muli %mul3A_369, %add3A_368 : i32
    %dma_start3A_371 = arith.constant 0 : i32
    %dma_start3A_372 = arith.constant 0 : i32
    %dma_start3A_373 = tpu.memref_slice %arg3[%mul3A_370, %dma_start3A_371, %dma_start3A_372] : memref<1536x224x224xf32, #tpu.memory_space<hbm>> -> memref<1x224x224xf32, #tpu.memory_space<hbm>>
    %dma_start3A_374 = tpu.memref_squeeze %dma_start3A_373 : memref<1x224x224xf32, #tpu.memory_space<hbm>> -> memref<224x224xf32, #tpu.memory_space<hbm>>
    %dma_start3A_375 = arith.constant 0 : i32
    %dma_start3A_376 = arith.constant 0 : i32
    %dma_start3A_377 = tpu.memref_slice %arg3[%mul3A_370, %dma_start3A_375, %dma_start3A_376] : memref<1536x224x224xf32, #tpu.memory_space<hbm>> -> memref<1x224x224xf32, #tpu.memory_space<hbm>>
    %dma_start3A_378 = tpu.memref_squeeze %dma_start3A_377 : memref<1x224x224xf32, #tpu.memory_space<hbm>> -> memref<224x224xf32, #tpu.memory_space<hbm>>
    tpu.enqueue_dma source(%arg4 : memref<224x224xf32, #tpu.memory_space<vmem>>) target(%dma_start3A_378 : memref<224x224xf32, #tpu.memory_space<hbm>>) target_semaphore(%arg10 : memref<!tpu.dma_semaphore, #tpu.memory_space<semaphore_mem>>)
    %dma_wait3A_379 = arith.constant 0 : i32
    %dma_wait3A_380 = arith.constant 0 : i32
    %dma_wait3A_381 = tpu.memref_slice %arg3[%mul3A_370, %dma_wait3A_379, %dma_wait3A_380] : memref<1536x224x224xf32, #tpu.memory_space<hbm>> -> memref<1x224x224xf32, #tpu.memory_space<hbm>>
    %dma_wait3A_382 = tpu.memref_squeeze %dma_wait3A_381 : memref<1x224x224xf32, #tpu.memory_space<hbm>> -> memref<224x224xf32, #tpu.memory_space<hbm>>
    %dma_wait3A_383 = arith.constant 0 : i32
    %dma_wait3A_384 = arith.constant 0 : i32
    %dma_wait3A_385 = tpu.memref_slice %arg3[%mul3A_370, %dma_wait3A_383, %dma_wait3A_384] : memref<1536x224x224xf32, #tpu.memory_space<hbm>> -> memref<1x224x224xf32, #tpu.memory_space<hbm>>
    %dma_wait3A_386 = tpu.memref_squeeze %dma_wait3A_385 : memref<1x224x224xf32, #tpu.memory_space<hbm>> -> memref<224x224xf32, #tpu.memory_space<hbm>>
    tpu.wait_dma2 semaphore(%arg10 : memref<!tpu.dma_semaphore, #tpu.memory_space<semaphore_mem>>) src(%arg4 : memref<224x224xf32, #tpu.memory_space<vmem>>) dst(%dma_wait3A_386 : memref<224x224xf32, #tpu.memory_space<hbm>>)
    %add3A_387 = arith.constant 256 : i32
    %add3A_388 = arith.addi %add3A_387, %add3A : i32
    %dma_start3A_389 = arith.constant 0 : i32
    %dma_start3A_390 = arith.constant 0 : i32
    %dma_start3A_391 = tpu.memref_slice %arg2[%add3A_388, %dma_start3A_389, %dma_start3A_390] : memref<768x224x224xf32, #tpu.memory_space<hbm>> -> memref<1x224x224xf32, #tpu.memory_space<hbm>>
    %dma_start3A_392 = tpu.memref_squeeze %dma_start3A_391 : memref<1x224x224xf32, #tpu.memory_space<hbm>> -> memref<224x224xf32, #tpu.memory_space<hbm>>
    %dma_start3A_393 = arith.constant 0 : i32
    %dma_start3A_394 = arith.constant 0 : i32
    %dma_start3A_395 = tpu.memref_slice %arg2[%add3A_388, %dma_start3A_393, %dma_start3A_394] : memref<768x224x224xf32, #tpu.memory_space<hbm>> -> memref<1x224x224xf32, #tpu.memory_space<hbm>>
    %dma_start3A_396 = tpu.memref_squeeze %dma_start3A_395 : memref<1x224x224xf32, #tpu.memory_space<hbm>> -> memref<224x224xf32, #tpu.memory_space<hbm>>
    tpu.enqueue_dma source(%dma_start3A_396 : memref<224x224xf32, #tpu.memory_space<hbm>>) target(%arg4 : memref<224x224xf32, #tpu.memory_space<vmem>>) target_semaphore(%arg8 : memref<!tpu.dma_semaphore, #tpu.memory_space<semaphore_mem>>)
    %add3A_397 = arith.constant 256 : i32
    %add3A_398 = arith.addi %add3A_397, %add3A : i32
    %mul3A_399 = arith.constant 2 : i32
    %mul3A_400 = arith.muli %mul3A_399, %add3A_398 : i32
    %add3A_401 = arith.constant 1 : i32
    %add3A_402 = arith.addi %mul3A_400, %add3A_401 : i32
    %dma_start3A_403 = arith.constant 0 : i32
    %dma_start3A_404 = arith.constant 0 : i32
    %dma_start3A_405 = tpu.memref_slice %arg3[%add3A_402, %dma_start3A_403, %dma_start3A_404] : memref<1536x224x224xf32, #tpu.memory_space<hbm>> -> memref<1x224x224xf32, #tpu.memory_space<hbm>>
    %dma_start3A_406 = tpu.memref_squeeze %dma_start3A_405 : memref<1x224x224xf32, #tpu.memory_space<hbm>> -> memref<224x224xf32, #tpu.memory_space<hbm>>
    %dma_start3A_407 = arith.constant 0 : i32
    %dma_start3A_408 = arith.constant 0 : i32
    %dma_start3A_409 = tpu.memref_slice %arg7[%dma_start3A_407, %dma_start3A_408] : memref<256x224xf32, #tpu.memory_space<vmem_shared>> -> memref<224x224xf32, #tpu.memory_space<vmem_shared>>
    tpu.enqueue_dma source(%dma_start3A_409 : memref<224x224xf32, #tpu.memory_space<vmem_shared>>) target(%dma_start3A_406 : memref<224x224xf32, #tpu.memory_space<hbm>>) target_semaphore(%arg12 : memref<!tpu.dma_semaphore, #tpu.memory_space<semaphore_mem>>)
    %dma_wait3A_410 = arith.constant 0 : i32
    %dma_wait3A_411 = arith.constant 0 : i32
    %dma_wait3A_412 = tpu.memref_slice %arg2[%add3A_337, %dma_wait3A_410, %dma_wait3A_411] : memref<768x224x224xf32, #tpu.memory_space<hbm>> -> memref<1x224x224xf32, #tpu.memory_space<hbm>>
    %dma_wait3A_413 = tpu.memref_squeeze %dma_wait3A_412 : memref<1x224x224xf32, #tpu.memory_space<hbm>> -> memref<224x224xf32, #tpu.memory_space<hbm>>
    %dma_wait3A_414 = arith.constant 0 : i32
    %dma_wait3A_415 = arith.constant 0 : i32
    %dma_wait3A_416 = tpu.memref_slice %arg2[%add3A_337, %dma_wait3A_414, %dma_wait3A_415] : memref<768x224x224xf32, #tpu.memory_space<hbm>> -> memref<1x224x224xf32, #tpu.memory_space<hbm>>
    %dma_wait3A_417 = tpu.memref_squeeze %dma_wait3A_416 : memref<1x224x224xf32, #tpu.memory_space<hbm>> -> memref<224x224xf32, #tpu.memory_space<hbm>>
    tpu.wait_dma2 semaphore(%arg9 : memref<!tpu.dma_semaphore, #tpu.memory_space<semaphore_mem>>) src(%dma_wait3A_417 : memref<224x224xf32, #tpu.memory_space<hbm>>) dst(%arg5 : memref<224x224xf32, #tpu.memory_space<vmem>>)
    %add3A_418 = arith.constant 224 : i32
    %add3A_419 = arith.addi %add3A_418, %add3A : i32
    %mul3A_420 = arith.constant 2 : i32
    %mul3A_421 = arith.muli %mul3A_420, %add3A_419 : i32
    %dma_start3A_422 = arith.constant 0 : i32
    %dma_start3A_423 = arith.constant 0 : i32
    %dma_start3A_424 = tpu.memref_slice %arg3[%mul3A_421, %dma_start3A_422, %dma_start3A_423] : memref<1536x224x224xf32, #tpu.memory_space<hbm>> -> memref<1x224x224xf32, #tpu.memory_space<hbm>>
    %dma_start3A_425 = tpu.memref_squeeze %dma_start3A_424 : memref<1x224x224xf32, #tpu.memory_space<hbm>> -> memref<224x224xf32, #tpu.memory_space<hbm>>
    %dma_start3A_426 = arith.constant 0 : i32
    %dma_start3A_427 = arith.constant 0 : i32
    %dma_start3A_428 = tpu.memref_slice %arg3[%mul3A_421, %dma_start3A_426, %dma_start3A_427] : memref<1536x224x224xf32, #tpu.memory_space<hbm>> -> memref<1x224x224xf32, #tpu.memory_space<hbm>>
    %dma_start3A_429 = tpu.memref_squeeze %dma_start3A_428 : memref<1x224x224xf32, #tpu.memory_space<hbm>> -> memref<224x224xf32, #tpu.memory_space<hbm>>
    tpu.enqueue_dma source(%arg5 : memref<224x224xf32, #tpu.memory_space<vmem>>) target(%dma_start3A_429 : memref<224x224xf32, #tpu.memory_space<hbm>>) target_semaphore(%arg11 : memref<!tpu.dma_semaphore, #tpu.memory_space<semaphore_mem>>)
    %dma_wait3A_430 = arith.constant 0 : i32
    %dma_wait3A_431 = arith.constant 0 : i32
    %dma_wait3A_432 = tpu.memref_slice %arg3[%mul3A_421, %dma_wait3A_430, %dma_wait3A_431] : memref<1536x224x224xf32, #tpu.memory_space<hbm>> -> memref<1x224x224xf32, #tpu.memory_space<hbm>>
    %dma_wait3A_433 = tpu.memref_squeeze %dma_wait3A_432 : memref<1x224x224xf32, #tpu.memory_space<hbm>> -> memref<224x224xf32, #tpu.memory_space<hbm>>
    %dma_wait3A_434 = arith.constant 0 : i32
    %dma_wait3A_435 = arith.constant 0 : i32
    %dma_wait3A_436 = tpu.memref_slice %arg3[%mul3A_421, %dma_wait3A_434, %dma_wait3A_435] : memref<1536x224x224xf32, #tpu.memory_space<hbm>> -> memref<1x224x224xf32, #tpu.memory_space<hbm>>
    %dma_wait3A_437 = tpu.memref_squeeze %dma_wait3A_436 : memref<1x224x224xf32, #tpu.memory_space<hbm>> -> memref<224x224xf32, #tpu.memory_space<hbm>>
    tpu.wait_dma2 semaphore(%arg11 : memref<!tpu.dma_semaphore, #tpu.memory_space<semaphore_mem>>) src(%arg5 : memref<224x224xf32, #tpu.memory_space<vmem>>) dst(%dma_wait3A_437 : memref<224x224xf32, #tpu.memory_space<hbm>>)
    %add3A_438 = arith.constant 288 : i32
    %add3A_439 = arith.addi %add3A_438, %add3A : i32
    %dma_start3A_440 = arith.constant 0 : i32
    %dma_start3A_441 = arith.constant 0 : i32
    %dma_start3A_442 = tpu.memref_slice %arg2[%add3A_439, %dma_start3A_440, %dma_start3A_441] : memref<768x224x224xf32, #tpu.memory_space<hbm>> -> memref<1x224x224xf32, #tpu.memory_space<hbm>>
    %dma_start3A_443 = tpu.memref_squeeze %dma_start3A_442 : memref<1x224x224xf32, #tpu.memory_space<hbm>> -> memref<224x224xf32, #tpu.memory_space<hbm>>
    %dma_start3A_444 = arith.constant 0 : i32
    %dma_start3A_445 = arith.constant 0 : i32
    %dma_start3A_446 = tpu.memref_slice %arg2[%add3A_439, %dma_start3A_444, %dma_start3A_445] : memref<768x224x224xf32, #tpu.memory_space<hbm>> -> memref<1x224x224xf32, #tpu.memory_space<hbm>>
    %dma_start3A_447 = tpu.memref_squeeze %dma_start3A_446 : memref<1x224x224xf32, #tpu.memory_space<hbm>> -> memref<224x224xf32, #tpu.memory_space<hbm>>
    tpu.enqueue_dma source(%dma_start3A_447 : memref<224x224xf32, #tpu.memory_space<hbm>>) target(%arg5 : memref<224x224xf32, #tpu.memory_space<vmem>>) target_semaphore(%arg9 : memref<!tpu.dma_semaphore, #tpu.memory_space<semaphore_mem>>)
    %add3A_448 = arith.constant 288 : i32
    %add3A_449 = arith.addi %add3A_448, %add3A : i32
    %mul3A_450 = arith.constant 2 : i32
    %mul3A_451 = arith.muli %mul3A_450, %add3A_449 : i32
    %add3A_452 = arith.constant 1 : i32
    %add3A_453 = arith.addi %mul3A_451, %add3A_452 : i32
    %dma_start3A_454 = arith.constant 0 : i32
    %dma_start3A_455 = arith.constant 0 : i32
    %dma_start3A_456 = tpu.memref_slice %arg3[%add3A_453, %dma_start3A_454, %dma_start3A_455] : memref<1536x224x224xf32, #tpu.memory_space<hbm>> -> memref<1x224x224xf32, #tpu.memory_space<hbm>>
    %dma_start3A_457 = tpu.memref_squeeze %dma_start3A_456 : memref<1x224x224xf32, #tpu.memory_space<hbm>> -> memref<224x224xf32, #tpu.memory_space<hbm>>
    %dma_start3A_458 = arith.constant 0 : i32
    %dma_start3A_459 = arith.constant 0 : i32
    %dma_start3A_460 = tpu.memref_slice %arg7[%dma_start3A_458, %dma_start3A_459] : memref<256x224xf32, #tpu.memory_space<vmem_shared>> -> memref<224x224xf32, #tpu.memory_space<vmem_shared>>
    tpu.enqueue_dma source(%dma_start3A_460 : memref<224x224xf32, #tpu.memory_space<vmem_shared>>) target(%dma_start3A_457 : memref<224x224xf32, #tpu.memory_space<hbm>>) target_semaphore(%arg12 : memref<!tpu.dma_semaphore, #tpu.memory_space<semaphore_mem>>)
    %dma_wait3A_461 = arith.constant 0 : i32
    %dma_wait3A_462 = arith.constant 0 : i32
    %dma_wait3A_463 = tpu.memref_slice %arg2[%add3A_388, %dma_wait3A_461, %dma_wait3A_462] : memref<768x224x224xf32, #tpu.memory_space<hbm>> -> memref<1x224x224xf32, #tpu.memory_space<hbm>>
    %dma_wait3A_464 = tpu.memref_squeeze %dma_wait3A_463 : memref<1x224x224xf32, #tpu.memory_space<hbm>> -> memref<224x224xf32, #tpu.memory_space<hbm>>
    %dma_wait3A_465 = arith.constant 0 : i32
    %dma_wait3A_466 = arith.constant 0 : i32
    %dma_wait3A_467 = tpu.memref_slice %arg2[%add3A_388, %dma_wait3A_465, %dma_wait3A_466] : memref<768x224x224xf32, #tpu.memory_space<hbm>> -> memref<1x224x224xf32, #tpu.memory_space<hbm>>
    %dma_wait3A_468 = tpu.memref_squeeze %dma_wait3A_467 : memref<1x224x224xf32, #tpu.memory_space<hbm>> -> memref<224x224xf32, #tpu.memory_space<hbm>>
    tpu.wait_dma2 semaphore(%arg8 : memref<!tpu.dma_semaphore, #tpu.memory_space<semaphore_mem>>) src(%dma_wait3A_468 : memref<224x224xf32, #tpu.memory_space<hbm>>) dst(%arg4 : memref<224x224xf32, #tpu.memory_space<vmem>>)
    %add3A_469 = arith.constant 256 : i32
    %add3A_470 = arith.addi %add3A_469, %add3A : i32
    %mul3A_471 = arith.constant 2 : i32
    %mul3A_472 = arith.muli %mul3A_471, %add3A_470 : i32
    %dma_start3A_473 = arith.constant 0 : i32
    %dma_start3A_474 = arith.constant 0 : i32
    %dma_start3A_475 = tpu.memref_slice %arg3[%mul3A_472, %dma_start3A_473, %dma_start3A_474] : memref<1536x224x224xf32, #tpu.memory_space<hbm>> -> memref<1x224x224xf32, #tpu.memory_space<hbm>>
    %dma_start3A_476 = tpu.memref_squeeze %dma_start3A_475 : memref<1x224x224xf32, #tpu.memory_space<hbm>> -> memref<224x224xf32, #tpu.memory_space<hbm>>
    %dma_start3A_477 = arith.constant 0 : i32
    %dma_start3A_478 = arith.constant 0 : i32
    %dma_start3A_479 = tpu.memref_slice %arg3[%mul3A_472, %dma_start3A_477, %dma_start3A_478] : memref<1536x224x224xf32, #tpu.memory_space<hbm>> -> memref<1x224x224xf32, #tpu.memory_space<hbm>>
    %dma_start3A_480 = tpu.memref_squeeze %dma_start3A_479 : memref<1x224x224xf32, #tpu.memory_space<hbm>> -> memref<224x224xf32, #tpu.memory_space<hbm>>
    tpu.enqueue_dma source(%arg4 : memref<224x224xf32, #tpu.memory_space<vmem>>) target(%dma_start3A_480 : memref<224x224xf32, #tpu.memory_space<hbm>>) target_semaphore(%arg10 : memref<!tpu.dma_semaphore, #tpu.memory_space<semaphore_mem>>)
    %dma_wait3A_481 = arith.constant 0 : i32
    %dma_wait3A_482 = arith.constant 0 : i32
    %dma_wait3A_483 = tpu.memref_slice %arg3[%mul3A_472, %dma_wait3A_481, %dma_wait3A_482] : memref<1536x224x224xf32, #tpu.memory_space<hbm>> -> memref<1x224x224xf32, #tpu.memory_space<hbm>>
    %dma_wait3A_484 = tpu.memref_squeeze %dma_wait3A_483 : memref<1x224x224xf32, #tpu.memory_space<hbm>> -> memref<224x224xf32, #tpu.memory_space<hbm>>
    %dma_wait3A_485 = arith.constant 0 : i32
    %dma_wait3A_486 = arith.constant 0 : i32
    %dma_wait3A_487 = tpu.memref_slice %arg3[%mul3A_472, %dma_wait3A_485, %dma_wait3A_486] : memref<1536x224x224xf32, #tpu.memory_space<hbm>> -> memref<1x224x224xf32, #tpu.memory_space<hbm>>
    %dma_wait3A_488 = tpu.memref_squeeze %dma_wait3A_487 : memref<1x224x224xf32, #tpu.memory_space<hbm>> -> memref<224x224xf32, #tpu.memory_space<hbm>>
    tpu.wait_dma2 semaphore(%arg10 : memref<!tpu.dma_semaphore, #tpu.memory_space<semaphore_mem>>) src(%arg4 : memref<224x224xf32, #tpu.memory_space<vmem>>) dst(%dma_wait3A_488 : memref<224x224xf32, #tpu.memory_space<hbm>>)
    %add3A_489 = arith.constant 320 : i32
    %add3A_490 = arith.addi %add3A_489, %add3A : i32
    %dma_start3A_491 = arith.constant 0 : i32
    %dma_start3A_492 = arith.constant 0 : i32
    %dma_start3A_493 = tpu.memref_slice %arg2[%add3A_490, %dma_start3A_491, %dma_start3A_492] : memref<768x224x224xf32, #tpu.memory_space<hbm>> -> memref<1x224x224xf32, #tpu.memory_space<hbm>>
    %dma_start3A_494 = tpu.memref_squeeze %dma_start3A_493 : memref<1x224x224xf32, #tpu.memory_space<hbm>> -> memref<224x224xf32, #tpu.memory_space<hbm>>
    %dma_start3A_495 = arith.constant 0 : i32
    %dma_start3A_496 = arith.constant 0 : i32
    %dma_start3A_497 = tpu.memref_slice %arg2[%add3A_490, %dma_start3A_495, %dma_start3A_496] : memref<768x224x224xf32, #tpu.memory_space<hbm>> -> memref<1x224x224xf32, #tpu.memory_space<hbm>>
    %dma_start3A_498 = tpu.memref_squeeze %dma_start3A_497 : memref<1x224x224xf32, #tpu.memory_space<hbm>> -> memref<224x224xf32, #tpu.memory_space<hbm>>
    tpu.enqueue_dma source(%dma_start3A_498 : memref<224x224xf32, #tpu.memory_space<hbm>>) target(%arg4 : memref<224x224xf32, #tpu.memory_space<vmem>>) target_semaphore(%arg8 : memref<!tpu.dma_semaphore, #tpu.memory_space<semaphore_mem>>)
    %add3A_499 = arith.constant 320 : i32
    %add3A_500 = arith.addi %add3A_499, %add3A : i32
    %mul3A_501 = arith.constant 2 : i32
    %mul3A_502 = arith.muli %mul3A_501, %add3A_500 : i32
    %add3A_503 = arith.constant 1 : i32
    %add3A_504 = arith.addi %mul3A_502, %add3A_503 : i32
    %dma_start3A_505 = arith.constant 0 : i32
    %dma_start3A_506 = arith.constant 0 : i32
    %dma_start3A_507 = tpu.memref_slice %arg3[%add3A_504, %dma_start3A_505, %dma_start3A_506] : memref<1536x224x224xf32, #tpu.memory_space<hbm>> -> memref<1x224x224xf32, #tpu.memory_space<hbm>>
    %dma_start3A_508 = tpu.memref_squeeze %dma_start3A_507 : memref<1x224x224xf32, #tpu.memory_space<hbm>> -> memref<224x224xf32, #tpu.memory_space<hbm>>
    %dma_start3A_509 = arith.constant 0 : i32
    %dma_start3A_510 = arith.constant 0 : i32
    %dma_start3A_511 = tpu.memref_slice %arg7[%dma_start3A_509, %dma_start3A_510] : memref<256x224xf32, #tpu.memory_space<vmem_shared>> -> memref<224x224xf32, #tpu.memory_space<vmem_shared>>
    tpu.enqueue_dma source(%dma_start3A_511 : memref<224x224xf32, #tpu.memory_space<vmem_shared>>) target(%dma_start3A_508 : memref<224x224xf32, #tpu.memory_space<hbm>>) target_semaphore(%arg12 : memref<!tpu.dma_semaphore, #tpu.memory_space<semaphore_mem>>)
    %dma_wait3A_512 = arith.constant 0 : i32
    %dma_wait3A_513 = arith.constant 0 : i32
    %dma_wait3A_514 = tpu.memref_slice %arg2[%add3A_439, %dma_wait3A_512, %dma_wait3A_513] : memref<768x224x224xf32, #tpu.memory_space<hbm>> -> memref<1x224x224xf32, #tpu.memory_space<hbm>>
    %dma_wait3A_515 = tpu.memref_squeeze %dma_wait3A_514 : memref<1x224x224xf32, #tpu.memory_space<hbm>> -> memref<224x224xf32, #tpu.memory_space<hbm>>
    %dma_wait3A_516 = arith.constant 0 : i32
    %dma_wait3A_517 = arith.constant 0 : i32
    %dma_wait3A_518 = tpu.memref_slice %arg2[%add3A_439, %dma_wait3A_516, %dma_wait3A_517] : memref<768x224x224xf32, #tpu.memory_space<hbm>> -> memref<1x224x224xf32, #tpu.memory_space<hbm>>
    %dma_wait3A_519 = tpu.memref_squeeze %dma_wait3A_518 : memref<1x224x224xf32, #tpu.memory_space<hbm>> -> memref<224x224xf32, #tpu.memory_space<hbm>>
    tpu.wait_dma2 semaphore(%arg9 : memref<!tpu.dma_semaphore, #tpu.memory_space<semaphore_mem>>) src(%dma_wait3A_519 : memref<224x224xf32, #tpu.memory_space<hbm>>) dst(%arg5 : memref<224x224xf32, #tpu.memory_space<vmem>>)
    %add3A_520 = arith.constant 288 : i32
    %add3A_521 = arith.addi %add3A_520, %add3A : i32
    %mul3A_522 = arith.constant 2 : i32
    %mul3A_523 = arith.muli %mul3A_522, %add3A_521 : i32
    %dma_start3A_524 = arith.constant 0 : i32
    %dma_start3A_525 = arith.constant 0 : i32
    %dma_start3A_526 = tpu.memref_slice %arg3[%mul3A_523, %dma_start3A_524, %dma_start3A_525] : memref<1536x224x224xf32, #tpu.memory_space<hbm>> -> memref<1x224x224xf32, #tpu.memory_space<hbm>>
    %dma_start3A_527 = tpu.memref_squeeze %dma_start3A_526 : memref<1x224x224xf32, #tpu.memory_space<hbm>> -> memref<224x224xf32, #tpu.memory_space<hbm>>
    %dma_start3A_528 = arith.constant 0 : i32
    %dma_start3A_529 = arith.constant 0 : i32
    %dma_start3A_530 = tpu.memref_slice %arg3[%mul3A_523, %dma_start3A_528, %dma_start3A_529] : memref<1536x224x224xf32, #tpu.memory_space<hbm>> -> memref<1x224x224xf32, #tpu.memory_space<hbm>>
    %dma_start3A_531 = tpu.memref_squeeze %dma_start3A_530 : memref<1x224x224xf32, #tpu.memory_space<hbm>> -> memref<224x224xf32, #tpu.memory_space<hbm>>
    tpu.enqueue_dma source(%arg5 : memref<224x224xf32, #tpu.memory_space<vmem>>) target(%dma_start3A_531 : memref<224x224xf32, #tpu.memory_space<hbm>>) target_semaphore(%arg11 : memref<!tpu.dma_semaphore, #tpu.memory_space<semaphore_mem>>)
    %dma_wait3A_532 = arith.constant 0 : i32
    %dma_wait3A_533 = arith.constant 0 : i32
    %dma_wait3A_534 = tpu.memref_slice %arg3[%mul3A_523, %dma_wait3A_532, %dma_wait3A_533] : memref<1536x224x224xf32, #tpu.memory_space<hbm>> -> memref<1x224x224xf32, #tpu.memory_space<hbm>>
    %dma_wait3A_535 = tpu.memref_squeeze %dma_wait3A_534 : memref<1x224x224xf32, #tpu.memory_space<hbm>> -> memref<224x224xf32, #tpu.memory_space<hbm>>
    %dma_wait3A_536 = arith.constant 0 : i32
    %dma_wait3A_537 = arith.constant 0 : i32
    %dma_wait3A_538 = tpu.memref_slice %arg3[%mul3A_523, %dma_wait3A_536, %dma_wait3A_537] : memref<1536x224x224xf32, #tpu.memory_space<hbm>> -> memref<1x224x224xf32, #tpu.memory_space<hbm>>
    %dma_wait3A_539 = tpu.memref_squeeze %dma_wait3A_538 : memref<1x224x224xf32, #tpu.memory_space<hbm>> -> memref<224x224xf32, #tpu.memory_space<hbm>>
    tpu.wait_dma2 semaphore(%arg11 : memref<!tpu.dma_semaphore, #tpu.memory_space<semaphore_mem>>) src(%arg5 : memref<224x224xf32, #tpu.memory_space<vmem>>) dst(%dma_wait3A_539 : memref<224x224xf32, #tpu.memory_space<hbm>>)
    %add3A_540 = arith.constant 352 : i32
    %add3A_541 = arith.addi %add3A_540, %add3A : i32
    %dma_start3A_542 = arith.constant 0 : i32
    %dma_start3A_543 = arith.constant 0 : i32
    %dma_start3A_544 = tpu.memref_slice %arg2[%add3A_541, %dma_start3A_542, %dma_start3A_543] : memref<768x224x224xf32, #tpu.memory_space<hbm>> -> memref<1x224x224xf32, #tpu.memory_space<hbm>>
    %dma_start3A_545 = tpu.memref_squeeze %dma_start3A_544 : memref<1x224x224xf32, #tpu.memory_space<hbm>> -> memref<224x224xf32, #tpu.memory_space<hbm>>
    %dma_start3A_546 = arith.constant 0 : i32
    %dma_start3A_547 = arith.constant 0 : i32
    %dma_start3A_548 = tpu.memref_slice %arg2[%add3A_541, %dma_start3A_546, %dma_start3A_547] : memref<768x224x224xf32, #tpu.memory_space<hbm>> -> memref<1x224x224xf32, #tpu.memory_space<hbm>>
    %dma_start3A_549 = tpu.memref_squeeze %dma_start3A_548 : memref<1x224x224xf32, #tpu.memory_space<hbm>> -> memref<224x224xf32, #tpu.memory_space<hbm>>
    tpu.enqueue_dma source(%dma_start3A_549 : memref<224x224xf32, #tpu.memory_space<hbm>>) target(%arg5 : memref<224x224xf32, #tpu.memory_space<vmem>>) target_semaphore(%arg9 : memref<!tpu.dma_semaphore, #tpu.memory_space<semaphore_mem>>)
    %add3A_550 = arith.constant 352 : i32
    %add3A_551 = arith.addi %add3A_550, %add3A : i32
    %mul3A_552 = arith.constant 2 : i32
    %mul3A_553 = arith.muli %mul3A_552, %add3A_551 : i32
    %add3A_554 = arith.constant 1 : i32
    %add3A_555 = arith.addi %mul3A_553, %add3A_554 : i32
    %dma_start3A_556 = arith.constant 0 : i32
    %dma_start3A_557 = arith.constant 0 : i32
    %dma_start3A_558 = tpu.memref_slice %arg3[%add3A_555, %dma_start3A_556, %dma_start3A_557] : memref<1536x224x224xf32, #tpu.memory_space<hbm>> -> memref<1x224x224xf32, #tpu.memory_space<hbm>>
    %dma_start3A_559 = tpu.memref_squeeze %dma_start3A_558 : memref<1x224x224xf32, #tpu.memory_space<hbm>> -> memref<224x224xf32, #tpu.memory_space<hbm>>
    %dma_start3A_560 = arith.constant 0 : i32
    %dma_start3A_561 = arith.constant 0 : i32
    %dma_start3A_562 = tpu.memref_slice %arg7[%dma_start3A_560, %dma_start3A_561] : memref<256x224xf32, #tpu.memory_space<vmem_shared>> -> memref<224x224xf32, #tpu.memory_space<vmem_shared>>
    tpu.enqueue_dma source(%dma_start3A_562 : memref<224x224xf32, #tpu.memory_space<vmem_shared>>) target(%dma_start3A_559 : memref<224x224xf32, #tpu.memory_space<hbm>>) target_semaphore(%arg12 : memref<!tpu.dma_semaphore, #tpu.memory_space<semaphore_mem>>)
    %dma_wait3A_563 = arith.constant 0 : i32
    %dma_wait3A_564 = arith.constant 0 : i32
    %dma_wait3A_565 = tpu.memref_slice %arg2[%add3A_490, %dma_wait3A_563, %dma_wait3A_564] : memref<768x224x224xf32, #tpu.memory_space<hbm>> -> memref<1x224x224xf32, #tpu.memory_space<hbm>>
    %dma_wait3A_566 = tpu.memref_squeeze %dma_wait3A_565 : memref<1x224x224xf32, #tpu.memory_space<hbm>> -> memref<224x224xf32, #tpu.memory_space<hbm>>
    %dma_wait3A_567 = arith.constant 0 : i32
    %dma_wait3A_568 = arith.constant 0 : i32
    %dma_wait3A_569 = tpu.memref_slice %arg2[%add3A_490, %dma_wait3A_567, %dma_wait3A_568] : memref<768x224x224xf32, #tpu.memory_space<hbm>> -> memref<1x224x224xf32, #tpu.memory_space<hbm>>
    %dma_wait3A_570 = tpu.memref_squeeze %dma_wait3A_569 : memref<1x224x224xf32, #tpu.memory_space<hbm>> -> memref<224x224xf32, #tpu.memory_space<hbm>>
    tpu.wait_dma2 semaphore(%arg8 : memref<!tpu.dma_semaphore, #tpu.memory_space<semaphore_mem>>) src(%dma_wait3A_570 : memref<224x224xf32, #tpu.memory_space<hbm>>) dst(%arg4 : memref<224x224xf32, #tpu.memory_space<vmem>>)
    %add3A_571 = arith.constant 320 : i32
    %add3A_572 = arith.addi %add3A_571, %add3A : i32
    %mul3A_573 = arith.constant 2 : i32
    %mul3A_574 = arith.muli %mul3A_573, %add3A_572 : i32
    %dma_start3A_575 = arith.constant 0 : i32
    %dma_start3A_576 = arith.constant 0 : i32
    %dma_start3A_577 = tpu.memref_slice %arg3[%mul3A_574, %dma_start3A_575, %dma_start3A_576] : memref<1536x224x224xf32, #tpu.memory_space<hbm>> -> memref<1x224x224xf32, #tpu.memory_space<hbm>>
    %dma_start3A_578 = tpu.memref_squeeze %dma_start3A_577 : memref<1x224x224xf32, #tpu.memory_space<hbm>> -> memref<224x224xf32, #tpu.memory_space<hbm>>
    %dma_start3A_579 = arith.constant 0 : i32
    %dma_start3A_580 = arith.constant 0 : i32
    %dma_start3A_581 = tpu.memref_slice %arg3[%mul3A_574, %dma_start3A_579, %dma_start3A_580] : memref<1536x224x224xf32, #tpu.memory_space<hbm>> -> memref<1x224x224xf32, #tpu.memory_space<hbm>>
    %dma_start3A_582 = tpu.memref_squeeze %dma_start3A_581 : memref<1x224x224xf32, #tpu.memory_space<hbm>> -> memref<224x224xf32, #tpu.memory_space<hbm>>
    tpu.enqueue_dma source(%arg4 : memref<224x224xf32, #tpu.memory_space<vmem>>) target(%dma_start3A_582 : memref<224x224xf32, #tpu.memory_space<hbm>>) target_semaphore(%arg10 : memref<!tpu.dma_semaphore, #tpu.memory_space<semaphore_mem>>)
    %dma_wait3A_583 = arith.constant 0 : i32
    %dma_wait3A_584 = arith.constant 0 : i32
    %dma_wait3A_585 = tpu.memref_slice %arg3[%mul3A_574, %dma_wait3A_583, %dma_wait3A_584] : memref<1536x224x224xf32, #tpu.memory_space<hbm>> -> memref<1x224x224xf32, #tpu.memory_space<hbm>>
    %dma_wait3A_586 = tpu.memref_squeeze %dma_wait3A_585 : memref<1x224x224xf32, #tpu.memory_space<hbm>> -> memref<224x224xf32, #tpu.memory_space<hbm>>
    %dma_wait3A_587 = arith.constant 0 : i32
    %dma_wait3A_588 = arith.constant 0 : i32
    %dma_wait3A_589 = tpu.memref_slice %arg3[%mul3A_574, %dma_wait3A_587, %dma_wait3A_588] : memref<1536x224x224xf32, #tpu.memory_space<hbm>> -> memref<1x224x224xf32, #tpu.memory_space<hbm>>
    %dma_wait3A_590 = tpu.memref_squeeze %dma_wait3A_589 : memref<1x224x224xf32, #tpu.memory_space<hbm>> -> memref<224x224xf32, #tpu.memory_space<hbm>>
    tpu.wait_dma2 semaphore(%arg10 : memref<!tpu.dma_semaphore, #tpu.memory_space<semaphore_mem>>) src(%arg4 : memref<224x224xf32, #tpu.memory_space<vmem>>) dst(%dma_wait3A_590 : memref<224x224xf32, #tpu.memory_space<hbm>>)
    %add3A_591 = arith.constant 384 : i32
    %add3A_592 = arith.addi %add3A_591, %add3A : i32
    %dma_start3A_593 = arith.constant 0 : i32
    %dma_start3A_594 = arith.constant 0 : i32
    %dma_start3A_595 = tpu.memref_slice %arg2[%add3A_592, %dma_start3A_593, %dma_start3A_594] : memref<768x224x224xf32, #tpu.memory_space<hbm>> -> memref<1x224x224xf32, #tpu.memory_space<hbm>>
    %dma_start3A_596 = tpu.memref_squeeze %dma_start3A_595 : memref<1x224x224xf32, #tpu.memory_space<hbm>> -> memref<224x224xf32, #tpu.memory_space<hbm>>
    %dma_start3A_597 = arith.constant 0 : i32
    %dma_start3A_598 = arith.constant 0 : i32
    %dma_start3A_599 = tpu.memref_slice %arg2[%add3A_592, %dma_start3A_597, %dma_start3A_598] : memref<768x224x224xf32, #tpu.memory_space<hbm>> -> memref<1x224x224xf32, #tpu.memory_space<hbm>>
    %dma_start3A_600 = tpu.memref_squeeze %dma_start3A_599 : memref<1x224x224xf32, #tpu.memory_space<hbm>> -> memref<224x224xf32, #tpu.memory_space<hbm>>
    tpu.enqueue_dma source(%dma_start3A_600 : memref<224x224xf32, #tpu.memory_space<hbm>>) target(%arg4 : memref<224x224xf32, #tpu.memory_space<vmem>>) target_semaphore(%arg8 : memref<!tpu.dma_semaphore, #tpu.memory_space<semaphore_mem>>)
    %add3A_601 = arith.constant 384 : i32
    %add3A_602 = arith.addi %add3A_601, %add3A : i32
    %mul3A_603 = arith.constant 2 : i32
    %mul3A_604 = arith.muli %mul3A_603, %add3A_602 : i32
    %add3A_605 = arith.constant 1 : i32
    %add3A_606 = arith.addi %mul3A_604, %add3A_605 : i32
    %dma_start3A_607 = arith.constant 0 : i32
    %dma_start3A_608 = arith.constant 0 : i32
    %dma_start3A_609 = tpu.memref_slice %arg3[%add3A_606, %dma_start3A_607, %dma_start3A_608] : memref<1536x224x224xf32, #tpu.memory_space<hbm>> -> memref<1x224x224xf32, #tpu.memory_space<hbm>>
    %dma_start3A_610 = tpu.memref_squeeze %dma_start3A_609 : memref<1x224x224xf32, #tpu.memory_space<hbm>> -> memref<224x224xf32, #tpu.memory_space<hbm>>
    %dma_start3A_611 = arith.constant 0 : i32
    %dma_start3A_612 = arith.constant 0 : i32
    %dma_start3A_613 = tpu.memref_slice %arg7[%dma_start3A_611, %dma_start3A_612] : memref<256x224xf32, #tpu.memory_space<vmem_shared>> -> memref<224x224xf32, #tpu.memory_space<vmem_shared>>
    tpu.enqueue_dma source(%dma_start3A_613 : memref<224x224xf32, #tpu.memory_space<vmem_shared>>) target(%dma_start3A_610 : memref<224x224xf32, #tpu.memory_space<hbm>>) target_semaphore(%arg12 : memref<!tpu.dma_semaphore, #tpu.memory_space<semaphore_mem>>)
    %dma_wait3A_614 = arith.constant 0 : i32
    %dma_wait3A_615 = arith.constant 0 : i32
    %dma_wait3A_616 = tpu.memref_slice %arg2[%add3A_541, %dma_wait3A_614, %dma_wait3A_615] : memref<768x224x224xf32, #tpu.memory_space<hbm>> -> memref<1x224x224xf32, #tpu.memory_space<hbm>>
    %dma_wait3A_617 = tpu.memref_squeeze %dma_wait3A_616 : memref<1x224x224xf32, #tpu.memory_space<hbm>> -> memref<224x224xf32, #tpu.memory_space<hbm>>
    %dma_wait3A_618 = arith.constant 0 : i32
    %dma_wait3A_619 = arith.constant 0 : i32
    %dma_wait3A_620 = tpu.memref_slice %arg2[%add3A_541, %dma_wait3A_618, %dma_wait3A_619] : memref<768x224x224xf32, #tpu.memory_space<hbm>> -> memref<1x224x224xf32, #tpu.memory_space<hbm>>
    %dma_wait3A_621 = tpu.memref_squeeze %dma_wait3A_620 : memref<1x224x224xf32, #tpu.memory_space<hbm>> -> memref<224x224xf32, #tpu.memory_space<hbm>>
    tpu.wait_dma2 semaphore(%arg9 : memref<!tpu.dma_semaphore, #tpu.memory_space<semaphore_mem>>) src(%dma_wait3A_621 : memref<224x224xf32, #tpu.memory_space<hbm>>) dst(%arg5 : memref<224x224xf32, #tpu.memory_space<vmem>>)
    %add3A_622 = arith.constant 352 : i32
    %add3A_623 = arith.addi %add3A_622, %add3A : i32
    %mul3A_624 = arith.constant 2 : i32
    %mul3A_625 = arith.muli %mul3A_624, %add3A_623 : i32
    %dma_start3A_626 = arith.constant 0 : i32
    %dma_start3A_627 = arith.constant 0 : i32
    %dma_start3A_628 = tpu.memref_slice %arg3[%mul3A_625, %dma_start3A_626, %dma_start3A_627] : memref<1536x224x224xf32, #tpu.memory_space<hbm>> -> memref<1x224x224xf32, #tpu.memory_space<hbm>>
    %dma_start3A_629 = tpu.memref_squeeze %dma_start3A_628 : memref<1x224x224xf32, #tpu.memory_space<hbm>> -> memref<224x224xf32, #tpu.memory_space<hbm>>
    %dma_start3A_630 = arith.constant 0 : i32
    %dma_start3A_631 = arith.constant 0 : i32
    %dma_start3A_632 = tpu.memref_slice %arg3[%mul3A_625, %dma_start3A_630, %dma_start3A_631] : memref<1536x224x224xf32, #tpu.memory_space<hbm>> -> memref<1x224x224xf32, #tpu.memory_space<hbm>>
    %dma_start3A_633 = tpu.memref_squeeze %dma_start3A_632 : memref<1x224x224xf32, #tpu.memory_space<hbm>> -> memref<224x224xf32, #tpu.memory_space<hbm>>
    tpu.enqueue_dma source(%arg5 : memref<224x224xf32, #tpu.memory_space<vmem>>) target(%dma_start3A_633 : memref<224x224xf32, #tpu.memory_space<hbm>>) target_semaphore(%arg11 : memref<!tpu.dma_semaphore, #tpu.memory_space<semaphore_mem>>)
    %dma_wait3A_634 = arith.constant 0 : i32
    %dma_wait3A_635 = arith.constant 0 : i32
    %dma_wait3A_636 = tpu.memref_slice %arg3[%mul3A_625, %dma_wait3A_634, %dma_wait3A_635] : memref<1536x224x224xf32, #tpu.memory_space<hbm>> -> memref<1x224x224xf32, #tpu.memory_space<hbm>>
    %dma_wait3A_637 = tpu.memref_squeeze %dma_wait3A_636 : memref<1x224x224xf32, #tpu.memory_space<hbm>> -> memref<224x224xf32, #tpu.memory_space<hbm>>
    %dma_wait3A_638 = arith.constant 0 : i32
    %dma_wait3A_639 = arith.constant 0 : i32
    %dma_wait3A_640 = tpu.memref_slice %arg3[%mul3A_625, %dma_wait3A_638, %dma_wait3A_639] : memref<1536x224x224xf32, #tpu.memory_space<hbm>> -> memref<1x224x224xf32, #tpu.memory_space<hbm>>
    %dma_wait3A_641 = tpu.memref_squeeze %dma_wait3A_640 : memref<1x224x224xf32, #tpu.memory_space<hbm>> -> memref<224x224xf32, #tpu.memory_space<hbm>>
    tpu.wait_dma2 semaphore(%arg11 : memref<!tpu.dma_semaphore, #tpu.memory_space<semaphore_mem>>) src(%arg5 : memref<224x224xf32, #tpu.memory_space<vmem>>) dst(%dma_wait3A_641 : memref<224x224xf32, #tpu.memory_space<hbm>>)
    %add3A_642 = arith.constant 416 : i32
    %add3A_643 = arith.addi %add3A_642, %add3A : i32
    %dma_start3A_644 = arith.constant 0 : i32
    %dma_start3A_645 = arith.constant 0 : i32
    %dma_start3A_646 = tpu.memref_slice %arg2[%add3A_643, %dma_start3A_644, %dma_start3A_645] : memref<768x224x224xf32, #tpu.memory_space<hbm>> -> memref<1x224x224xf32, #tpu.memory_space<hbm>>
    %dma_start3A_647 = tpu.memref_squeeze %dma_start3A_646 : memref<1x224x224xf32, #tpu.memory_space<hbm>> -> memref<224x224xf32, #tpu.memory_space<hbm>>
    %dma_start3A_648 = arith.constant 0 : i32
    %dma_start3A_649 = arith.constant 0 : i32
    %dma_start3A_650 = tpu.memref_slice %arg2[%add3A_643, %dma_start3A_648, %dma_start3A_649] : memref<768x224x224xf32, #tpu.memory_space<hbm>> -> memref<1x224x224xf32, #tpu.memory_space<hbm>>
    %dma_start3A_651 = tpu.memref_squeeze %dma_start3A_650 : memref<1x224x224xf32, #tpu.memory_space<hbm>> -> memref<224x224xf32, #tpu.memory_space<hbm>>
    tpu.enqueue_dma source(%dma_start3A_651 : memref<224x224xf32, #tpu.memory_space<hbm>>) target(%arg5 : memref<224x224xf32, #tpu.memory_space<vmem>>) target_semaphore(%arg9 : memref<!tpu.dma_semaphore, #tpu.memory_space<semaphore_mem>>)
    %add3A_652 = arith.constant 416 : i32
    %add3A_653 = arith.addi %add3A_652, %add3A : i32
    %mul3A_654 = arith.constant 2 : i32
    %mul3A_655 = arith.muli %mul3A_654, %add3A_653 : i32
    %add3A_656 = arith.constant 1 : i32
    %add3A_657 = arith.addi %mul3A_655, %add3A_656 : i32
    %dma_start3A_658 = arith.constant 0 : i32
    %dma_start3A_659 = arith.constant 0 : i32
    %dma_start3A_660 = tpu.memref_slice %arg3[%add3A_657, %dma_start3A_658, %dma_start3A_659] : memref<1536x224x224xf32, #tpu.memory_space<hbm>> -> memref<1x224x224xf32, #tpu.memory_space<hbm>>
    %dma_start3A_661 = tpu.memref_squeeze %dma_start3A_660 : memref<1x224x224xf32, #tpu.memory_space<hbm>> -> memref<224x224xf32, #tpu.memory_space<hbm>>
    %dma_start3A_662 = arith.constant 0 : i32
    %dma_start3A_663 = arith.constant 0 : i32
    %dma_start3A_664 = tpu.memref_slice %arg7[%dma_start3A_662, %dma_start3A_663] : memref<256x224xf32, #tpu.memory_space<vmem_shared>> -> memref<224x224xf32, #tpu.memory_space<vmem_shared>>
    tpu.enqueue_dma source(%dma_start3A_664 : memref<224x224xf32, #tpu.memory_space<vmem_shared>>) target(%dma_start3A_661 : memref<224x224xf32, #tpu.memory_space<hbm>>) target_semaphore(%arg12 : memref<!tpu.dma_semaphore, #tpu.memory_space<semaphore_mem>>)
    %dma_wait3A_665 = arith.constant 0 : i32
    %dma_wait3A_666 = arith.constant 0 : i32
    %dma_wait3A_667 = tpu.memref_slice %arg2[%add3A_592, %dma_wait3A_665, %dma_wait3A_666] : memref<768x224x224xf32, #tpu.memory_space<hbm>> -> memref<1x224x224xf32, #tpu.memory_space<hbm>>
    %dma_wait3A_668 = tpu.memref_squeeze %dma_wait3A_667 : memref<1x224x224xf32, #tpu.memory_space<hbm>> -> memref<224x224xf32, #tpu.memory_space<hbm>>
    %dma_wait3A_669 = arith.constant 0 : i32
    %dma_wait3A_670 = arith.constant 0 : i32
    %dma_wait3A_671 = tpu.memref_slice %arg2[%add3A_592, %dma_wait3A_669, %dma_wait3A_670] : memref<768x224x224xf32, #tpu.memory_space<hbm>> -> memref<1x224x224xf32, #tpu.memory_space<hbm>>
    %dma_wait3A_672 = tpu.memref_squeeze %dma_wait3A_671 : memref<1x224x224xf32, #tpu.memory_space<hbm>> -> memref<224x224xf32, #tpu.memory_space<hbm>>
    tpu.wait_dma2 semaphore(%arg8 : memref<!tpu.dma_semaphore, #tpu.memory_space<semaphore_mem>>) src(%dma_wait3A_672 : memref<224x224xf32, #tpu.memory_space<hbm>>) dst(%arg4 : memref<224x224xf32, #tpu.memory_space<vmem>>)
    %add3A_673 = arith.constant 384 : i32
    %add3A_674 = arith.addi %add3A_673, %add3A : i32
    %mul3A_675 = arith.constant 2 : i32
    %mul3A_676 = arith.muli %mul3A_675, %add3A_674 : i32
    %dma_start3A_677 = arith.constant 0 : i32
    %dma_start3A_678 = arith.constant 0 : i32
    %dma_start3A_679 = tpu.memref_slice %arg3[%mul3A_676, %dma_start3A_677, %dma_start3A_678] : memref<1536x224x224xf32, #tpu.memory_space<hbm>> -> memref<1x224x224xf32, #tpu.memory_space<hbm>>
    %dma_start3A_680 = tpu.memref_squeeze %dma_start3A_679 : memref<1x224x224xf32, #tpu.memory_space<hbm>> -> memref<224x224xf32, #tpu.memory_space<hbm>>
    %dma_start3A_681 = arith.constant 0 : i32
    %dma_start3A_682 = arith.constant 0 : i32
    %dma_start3A_683 = tpu.memref_slice %arg3[%mul3A_676, %dma_start3A_681, %dma_start3A_682] : memref<1536x224x224xf32, #tpu.memory_space<hbm>> -> memref<1x224x224xf32, #tpu.memory_space<hbm>>
    %dma_start3A_684 = tpu.memref_squeeze %dma_start3A_683 : memref<1x224x224xf32, #tpu.memory_space<hbm>> -> memref<224x224xf32, #tpu.memory_space<hbm>>
    tpu.enqueue_dma source(%arg4 : memref<224x224xf32, #tpu.memory_space<vmem>>) target(%dma_start3A_684 : memref<224x224xf32, #tpu.memory_space<hbm>>) target_semaphore(%arg10 : memref<!tpu.dma_semaphore, #tpu.memory_space<semaphore_mem>>)
    %dma_wait3A_685 = arith.constant 0 : i32
    %dma_wait3A_686 = arith.constant 0 : i32
    %dma_wait3A_687 = tpu.memref_slice %arg3[%mul3A_676, %dma_wait3A_685, %dma_wait3A_686] : memref<1536x224x224xf32, #tpu.memory_space<hbm>> -> memref<1x224x224xf32, #tpu.memory_space<hbm>>
    %dma_wait3A_688 = tpu.memref_squeeze %dma_wait3A_687 : memref<1x224x224xf32, #tpu.memory_space<hbm>> -> memref<224x224xf32, #tpu.memory_space<hbm>>
    %dma_wait3A_689 = arith.constant 0 : i32
    %dma_wait3A_690 = arith.constant 0 : i32
    %dma_wait3A_691 = tpu.memref_slice %arg3[%mul3A_676, %dma_wait3A_689, %dma_wait3A_690] : memref<1536x224x224xf32, #tpu.memory_space<hbm>> -> memref<1x224x224xf32, #tpu.memory_space<hbm>>
    %dma_wait3A_692 = tpu.memref_squeeze %dma_wait3A_691 : memref<1x224x224xf32, #tpu.memory_space<hbm>> -> memref<224x224xf32, #tpu.memory_space<hbm>>
    tpu.wait_dma2 semaphore(%arg10 : memref<!tpu.dma_semaphore, #tpu.memory_space<semaphore_mem>>) src(%arg4 : memref<224x224xf32, #tpu.memory_space<vmem>>) dst(%dma_wait3A_692 : memref<224x224xf32, #tpu.memory_space<hbm>>)
    %add3A_693 = arith.constant 448 : i32
    %add3A_694 = arith.addi %add3A_693, %add3A : i32
    %dma_start3A_695 = arith.constant 0 : i32
    %dma_start3A_696 = arith.constant 0 : i32
    %dma_start3A_697 = tpu.memref_slice %arg2[%add3A_694, %dma_start3A_695, %dma_start3A_696] : memref<768x224x224xf32, #tpu.memory_space<hbm>> -> memref<1x224x224xf32, #tpu.memory_space<hbm>>
    %dma_start3A_698 = tpu.memref_squeeze %dma_start3A_697 : memref<1x224x224xf32, #tpu.memory_space<hbm>> -> memref<224x224xf32, #tpu.memory_space<hbm>>
    %dma_start3A_699 = arith.constant 0 : i32
    %dma_start3A_700 = arith.constant 0 : i32
    %dma_start3A_701 = tpu.memref_slice %arg2[%add3A_694, %dma_start3A_699, %dma_start3A_700] : memref<768x224x224xf32, #tpu.memory_space<hbm>> -> memref<1x224x224xf32, #tpu.memory_space<hbm>>
    %dma_start3A_702 = tpu.memref_squeeze %dma_start3A_701 : memref<1x224x224xf32, #tpu.memory_space<hbm>> -> memref<224x224xf32, #tpu.memory_space<hbm>>
    tpu.enqueue_dma source(%dma_start3A_702 : memref<224x224xf32, #tpu.memory_space<hbm>>) target(%arg4 : memref<224x224xf32, #tpu.memory_space<vmem>>) target_semaphore(%arg8 : memref<!tpu.dma_semaphore, #tpu.memory_space<semaphore_mem>>)
    %add3A_703 = arith.constant 448 : i32
    %add3A_704 = arith.addi %add3A_703, %add3A : i32
    %mul3A_705 = arith.constant 2 : i32
    %mul3A_706 = arith.muli %mul3A_705, %add3A_704 : i32
    %add3A_707 = arith.constant 1 : i32
    %add3A_708 = arith.addi %mul3A_706, %add3A_707 : i32
    %dma_start3A_709 = arith.constant 0 : i32
    %dma_start3A_710 = arith.constant 0 : i32
    %dma_start3A_711 = tpu.memref_slice %arg3[%add3A_708, %dma_start3A_709, %dma_start3A_710] : memref<1536x224x224xf32, #tpu.memory_space<hbm>> -> memref<1x224x224xf32, #tpu.memory_space<hbm>>
    %dma_start3A_712 = tpu.memref_squeeze %dma_start3A_711 : memref<1x224x224xf32, #tpu.memory_space<hbm>> -> memref<224x224xf32, #tpu.memory_space<hbm>>
    %dma_start3A_713 = arith.constant 0 : i32
    %dma_start3A_714 = arith.constant 0 : i32
    %dma_start3A_715 = tpu.memref_slice %arg7[%dma_start3A_713, %dma_start3A_714] : memref<256x224xf32, #tpu.memory_space<vmem_shared>> -> memref<224x224xf32, #tpu.memory_space<vmem_shared>>
    tpu.enqueue_dma source(%dma_start3A_715 : memref<224x224xf32, #tpu.memory_space<vmem_shared>>) target(%dma_start3A_712 : memref<224x224xf32, #tpu.memory_space<hbm>>) target_semaphore(%arg12 : memref<!tpu.dma_semaphore, #tpu.memory_space<semaphore_mem>>)
    %dma_wait3A_716 = arith.constant 0 : i32
    %dma_wait3A_717 = arith.constant 0 : i32
    %dma_wait3A_718 = tpu.memref_slice %arg2[%add3A_643, %dma_wait3A_716, %dma_wait3A_717] : memref<768x224x224xf32, #tpu.memory_space<hbm>> -> memref<1x224x224xf32, #tpu.memory_space<hbm>>
    %dma_wait3A_719 = tpu.memref_squeeze %dma_wait3A_718 : memref<1x224x224xf32, #tpu.memory_space<hbm>> -> memref<224x224xf32, #tpu.memory_space<hbm>>
    %dma_wait3A_720 = arith.constant 0 : i32
    %dma_wait3A_721 = arith.constant 0 : i32
    %dma_wait3A_722 = tpu.memref_slice %arg2[%add3A_643, %dma_wait3A_720, %dma_wait3A_721] : memref<768x224x224xf32, #tpu.memory_space<hbm>> -> memref<1x224x224xf32, #tpu.memory_space<hbm>>
    %dma_wait3A_723 = tpu.memref_squeeze %dma_wait3A_722 : memref<1x224x224xf32, #tpu.memory_space<hbm>> -> memref<224x224xf32, #tpu.memory_space<hbm>>
    tpu.wait_dma2 semaphore(%arg9 : memref<!tpu.dma_semaphore, #tpu.memory_space<semaphore_mem>>) src(%dma_wait3A_723 : memref<224x224xf32, #tpu.memory_space<hbm>>) dst(%arg5 : memref<224x224xf32, #tpu.memory_space<vmem>>)
    %add3A_724 = arith.constant 416 : i32
    %add3A_725 = arith.addi %add3A_724, %add3A : i32
    %mul3A_726 = arith.constant 2 : i32
    %mul3A_727 = arith.muli %mul3A_726, %add3A_725 : i32
    %dma_start3A_728 = arith.constant 0 : i32
    %dma_start3A_729 = arith.constant 0 : i32
    %dma_start3A_730 = tpu.memref_slice %arg3[%mul3A_727, %dma_start3A_728, %dma_start3A_729] : memref<1536x224x224xf32, #tpu.memory_space<hbm>> -> memref<1x224x224xf32, #tpu.memory_space<hbm>>
    %dma_start3A_731 = tpu.memref_squeeze %dma_start3A_730 : memref<1x224x224xf32, #tpu.memory_space<hbm>> -> memref<224x224xf32, #tpu.memory_space<hbm>>
    %dma_start3A_732 = arith.constant 0 : i32
    %dma_start3A_733 = arith.constant 0 : i32
    %dma_start3A_734 = tpu.memref_slice %arg3[%mul3A_727, %dma_start3A_732, %dma_start3A_733] : memref<1536x224x224xf32, #tpu.memory_space<hbm>> -> memref<1x224x224xf32, #tpu.memory_space<hbm>>
    %dma_start3A_735 = tpu.memref_squeeze %dma_start3A_734 : memref<1x224x224xf32, #tpu.memory_space<hbm>> -> memref<224x224xf32, #tpu.memory_space<hbm>>
    tpu.enqueue_dma source(%arg5 : memref<224x224xf32, #tpu.memory_space<vmem>>) target(%dma_start3A_735 : memref<224x224xf32, #tpu.memory_space<hbm>>) target_semaphore(%arg11 : memref<!tpu.dma_semaphore, #tpu.memory_space<semaphore_mem>>)
    %dma_wait3A_736 = arith.constant 0 : i32
    %dma_wait3A_737 = arith.constant 0 : i32
    %dma_wait3A_738 = tpu.memref_slice %arg3[%mul3A_727, %dma_wait3A_736, %dma_wait3A_737] : memref<1536x224x224xf32, #tpu.memory_space<hbm>> -> memref<1x224x224xf32, #tpu.memory_space<hbm>>
    %dma_wait3A_739 = tpu.memref_squeeze %dma_wait3A_738 : memref<1x224x224xf32, #tpu.memory_space<hbm>> -> memref<224x224xf32, #tpu.memory_space<hbm>>
    %dma_wait3A_740 = arith.constant 0 : i32
    %dma_wait3A_741 = arith.constant 0 : i32
    %dma_wait3A_742 = tpu.memref_slice %arg3[%mul3A_727, %dma_wait3A_740, %dma_wait3A_741] : memref<1536x224x224xf32, #tpu.memory_space<hbm>> -> memref<1x224x224xf32, #tpu.memory_space<hbm>>
    %dma_wait3A_743 = tpu.memref_squeeze %dma_wait3A_742 : memref<1x224x224xf32, #tpu.memory_space<hbm>> -> memref<224x224xf32, #tpu.memory_space<hbm>>
    tpu.wait_dma2 semaphore(%arg11 : memref<!tpu.dma_semaphore, #tpu.memory_space<semaphore_mem>>) src(%arg5 : memref<224x224xf32, #tpu.memory_space<vmem>>) dst(%dma_wait3A_743 : memref<224x224xf32, #tpu.memory_space<hbm>>)
    %add3A_744 = arith.constant 480 : i32
    %add3A_745 = arith.addi %add3A_744, %add3A : i32
    %dma_start3A_746 = arith.constant 0 : i32
    %dma_start3A_747 = arith.constant 0 : i32
    %dma_start3A_748 = tpu.memref_slice %arg2[%add3A_745, %dma_start3A_746, %dma_start3A_747] : memref<768x224x224xf32, #tpu.memory_space<hbm>> -> memref<1x224x224xf32, #tpu.memory_space<hbm>>
    %dma_start3A_749 = tpu.memref_squeeze %dma_start3A_748 : memref<1x224x224xf32, #tpu.memory_space<hbm>> -> memref<224x224xf32, #tpu.memory_space<hbm>>
    %dma_start3A_750 = arith.constant 0 : i32
    %dma_start3A_751 = arith.constant 0 : i32
    %dma_start3A_752 = tpu.memref_slice %arg2[%add3A_745, %dma_start3A_750, %dma_start3A_751] : memref<768x224x224xf32, #tpu.memory_space<hbm>> -> memref<1x224x224xf32, #tpu.memory_space<hbm>>
    %dma_start3A_753 = tpu.memref_squeeze %dma_start3A_752 : memref<1x224x224xf32, #tpu.memory_space<hbm>> -> memref<224x224xf32, #tpu.memory_space<hbm>>
    tpu.enqueue_dma source(%dma_start3A_753 : memref<224x224xf32, #tpu.memory_space<hbm>>) target(%arg5 : memref<224x224xf32, #tpu.memory_space<vmem>>) target_semaphore(%arg9 : memref<!tpu.dma_semaphore, #tpu.memory_space<semaphore_mem>>)
    %add3A_754 = arith.constant 480 : i32
    %add3A_755 = arith.addi %add3A_754, %add3A : i32
    %mul3A_756 = arith.constant 2 : i32
    %mul3A_757 = arith.muli %mul3A_756, %add3A_755 : i32
    %add3A_758 = arith.constant 1 : i32
    %add3A_759 = arith.addi %mul3A_757, %add3A_758 : i32
    %dma_start3A_760 = arith.constant 0 : i32
    %dma_start3A_761 = arith.constant 0 : i32
    %dma_start3A_762 = tpu.memref_slice %arg3[%add3A_759, %dma_start3A_760, %dma_start3A_761] : memref<1536x224x224xf32, #tpu.memory_space<hbm>> -> memref<1x224x224xf32, #tpu.memory_space<hbm>>
    %dma_start3A_763 = tpu.memref_squeeze %dma_start3A_762 : memref<1x224x224xf32, #tpu.memory_space<hbm>> -> memref<224x224xf32, #tpu.memory_space<hbm>>
    %dma_start3A_764 = arith.constant 0 : i32
    %dma_start3A_765 = arith.constant 0 : i32
    %dma_start3A_766 = tpu.memref_slice %arg7[%dma_start3A_764, %dma_start3A_765] : memref<256x224xf32, #tpu.memory_space<vmem_shared>> -> memref<224x224xf32, #tpu.memory_space<vmem_shared>>
    tpu.enqueue_dma source(%dma_start3A_766 : memref<224x224xf32, #tpu.memory_space<vmem_shared>>) target(%dma_start3A_763 : memref<224x224xf32, #tpu.memory_space<hbm>>) target_semaphore(%arg12 : memref<!tpu.dma_semaphore, #tpu.memory_space<semaphore_mem>>)
    %dma_wait3A_767 = arith.constant 0 : i32
    %dma_wait3A_768 = arith.constant 0 : i32
    %dma_wait3A_769 = tpu.memref_slice %arg2[%add3A_694, %dma_wait3A_767, %dma_wait3A_768] : memref<768x224x224xf32, #tpu.memory_space<hbm>> -> memref<1x224x224xf32, #tpu.memory_space<hbm>>
    %dma_wait3A_770 = tpu.memref_squeeze %dma_wait3A_769 : memref<1x224x224xf32, #tpu.memory_space<hbm>> -> memref<224x224xf32, #tpu.memory_space<hbm>>
    %dma_wait3A_771 = arith.constant 0 : i32
    %dma_wait3A_772 = arith.constant 0 : i32
    %dma_wait3A_773 = tpu.memref_slice %arg2[%add3A_694, %dma_wait3A_771, %dma_wait3A_772] : memref<768x224x224xf32, #tpu.memory_space<hbm>> -> memref<1x224x224xf32, #tpu.memory_space<hbm>>
    %dma_wait3A_774 = tpu.memref_squeeze %dma_wait3A_773 : memref<1x224x224xf32, #tpu.memory_space<hbm>> -> memref<224x224xf32, #tpu.memory_space<hbm>>
    tpu.wait_dma2 semaphore(%arg8 : memref<!tpu.dma_semaphore, #tpu.memory_space<semaphore_mem>>) src(%dma_wait3A_774 : memref<224x224xf32, #tpu.memory_space<hbm>>) dst(%arg4 : memref<224x224xf32, #tpu.memory_space<vmem>>)
    %add3A_775 = arith.constant 448 : i32
    %add3A_776 = arith.addi %add3A_775, %add3A : i32
    %mul3A_777 = arith.constant 2 : i32
    %mul3A_778 = arith.muli %mul3A_777, %add3A_776 : i32
    %dma_start3A_779 = arith.constant 0 : i32
    %dma_start3A_780 = arith.constant 0 : i32
    %dma_start3A_781 = tpu.memref_slice %arg3[%mul3A_778, %dma_start3A_779, %dma_start3A_780] : memref<1536x224x224xf32, #tpu.memory_space<hbm>> -> memref<1x224x224xf32, #tpu.memory_space<hbm>>
    %dma_start3A_782 = tpu.memref_squeeze %dma_start3A_781 : memref<1x224x224xf32, #tpu.memory_space<hbm>> -> memref<224x224xf32, #tpu.memory_space<hbm>>
    %dma_start3A_783 = arith.constant 0 : i32
    %dma_start3A_784 = arith.constant 0 : i32
    %dma_start3A_785 = tpu.memref_slice %arg3[%mul3A_778, %dma_start3A_783, %dma_start3A_784] : memref<1536x224x224xf32, #tpu.memory_space<hbm>> -> memref<1x224x224xf32, #tpu.memory_space<hbm>>
    %dma_start3A_786 = tpu.memref_squeeze %dma_start3A_785 : memref<1x224x224xf32, #tpu.memory_space<hbm>> -> memref<224x224xf32, #tpu.memory_space<hbm>>
    tpu.enqueue_dma source(%arg4 : memref<224x224xf32, #tpu.memory_space<vmem>>) target(%dma_start3A_786 : memref<224x224xf32, #tpu.memory_space<hbm>>) target_semaphore(%arg10 : memref<!tpu.dma_semaphore, #tpu.memory_space<semaphore_mem>>)
    %dma_wait3A_787 = arith.constant 0 : i32
    %dma_wait3A_788 = arith.constant 0 : i32
    %dma_wait3A_789 = tpu.memref_slice %arg3[%mul3A_778, %dma_wait3A_787, %dma_wait3A_788] : memref<1536x224x224xf32, #tpu.memory_space<hbm>> -> memref<1x224x224xf32, #tpu.memory_space<hbm>>
    %dma_wait3A_790 = tpu.memref_squeeze %dma_wait3A_789 : memref<1x224x224xf32, #tpu.memory_space<hbm>> -> memref<224x224xf32, #tpu.memory_space<hbm>>
    %dma_wait3A_791 = arith.constant 0 : i32
    %dma_wait3A_792 = arith.constant 0 : i32
    %dma_wait3A_793 = tpu.memref_slice %arg3[%mul3A_778, %dma_wait3A_791, %dma_wait3A_792] : memref<1536x224x224xf32, #tpu.memory_space<hbm>> -> memref<1x224x224xf32, #tpu.memory_space<hbm>>
    %dma_wait3A_794 = tpu.memref_squeeze %dma_wait3A_793 : memref<1x224x224xf32, #tpu.memory_space<hbm>> -> memref<224x224xf32, #tpu.memory_space<hbm>>
    tpu.wait_dma2 semaphore(%arg10 : memref<!tpu.dma_semaphore, #tpu.memory_space<semaphore_mem>>) src(%arg4 : memref<224x224xf32, #tpu.memory_space<vmem>>) dst(%dma_wait3A_794 : memref<224x224xf32, #tpu.memory_space<hbm>>)
    %add3A_795 = arith.constant 512 : i32
    %add3A_796 = arith.addi %add3A_795, %add3A : i32
    %dma_start3A_797 = arith.constant 0 : i32
    %dma_start3A_798 = arith.constant 0 : i32
    %dma_start3A_799 = tpu.memref_slice %arg2[%add3A_796, %dma_start3A_797, %dma_start3A_798] : memref<768x224x224xf32, #tpu.memory_space<hbm>> -> memref<1x224x224xf32, #tpu.memory_space<hbm>>
    %dma_start3A_800 = tpu.memref_squeeze %dma_start3A_799 : memref<1x224x224xf32, #tpu.memory_space<hbm>> -> memref<224x224xf32, #tpu.memory_space<hbm>>
    %dma_start3A_801 = arith.constant 0 : i32
    %dma_start3A_802 = arith.constant 0 : i32
    %dma_start3A_803 = tpu.memref_slice %arg2[%add3A_796, %dma_start3A_801, %dma_start3A_802] : memref<768x224x224xf32, #tpu.memory_space<hbm>> -> memref<1x224x224xf32, #tpu.memory_space<hbm>>
    %dma_start3A_804 = tpu.memref_squeeze %dma_start3A_803 : memref<1x224x224xf32, #tpu.memory_space<hbm>> -> memref<224x224xf32, #tpu.memory_space<hbm>>
    tpu.enqueue_dma source(%dma_start3A_804 : memref<224x224xf32, #tpu.memory_space<hbm>>) target(%arg4 : memref<224x224xf32, #tpu.memory_space<vmem>>) target_semaphore(%arg8 : memref<!tpu.dma_semaphore, #tpu.memory_space<semaphore_mem>>)
    %add3A_805 = arith.constant 512 : i32
    %add3A_806 = arith.addi %add3A_805, %add3A : i32
    %mul3A_807 = arith.constant 2 : i32
    %mul3A_808 = arith.muli %mul3A_807, %add3A_806 : i32
    %add3A_809 = arith.constant 1 : i32
    %add3A_810 = arith.addi %mul3A_808, %add3A_809 : i32
    %dma_start3A_811 = arith.constant 0 : i32
    %dma_start3A_812 = arith.constant 0 : i32
    %dma_start3A_813 = tpu.memref_slice %arg3[%add3A_810, %dma_start3A_811, %dma_start3A_812] : memref<1536x224x224xf32, #tpu.memory_space<hbm>> -> memref<1x224x224xf32, #tpu.memory_space<hbm>>
    %dma_start3A_814 = tpu.memref_squeeze %dma_start3A_813 : memref<1x224x224xf32, #tpu.memory_space<hbm>> -> memref<224x224xf32, #tpu.memory_space<hbm>>
    %dma_start3A_815 = arith.constant 0 : i32
    %dma_start3A_816 = arith.constant 0 : i32
    %dma_start3A_817 = tpu.memref_slice %arg7[%dma_start3A_815, %dma_start3A_816] : memref<256x224xf32, #tpu.memory_space<vmem_shared>> -> memref<224x224xf32, #tpu.memory_space<vmem_shared>>
    tpu.enqueue_dma source(%dma_start3A_817 : memref<224x224xf32, #tpu.memory_space<vmem_shared>>) target(%dma_start3A_814 : memref<224x224xf32, #tpu.memory_space<hbm>>) target_semaphore(%arg12 : memref<!tpu.dma_semaphore, #tpu.memory_space<semaphore_mem>>)
    %dma_wait3A_818 = arith.constant 0 : i32
    %dma_wait3A_819 = arith.constant 0 : i32
    %dma_wait3A_820 = tpu.memref_slice %arg2[%add3A_745, %dma_wait3A_818, %dma_wait3A_819] : memref<768x224x224xf32, #tpu.memory_space<hbm>> -> memref<1x224x224xf32, #tpu.memory_space<hbm>>
    %dma_wait3A_821 = tpu.memref_squeeze %dma_wait3A_820 : memref<1x224x224xf32, #tpu.memory_space<hbm>> -> memref<224x224xf32, #tpu.memory_space<hbm>>
    %dma_wait3A_822 = arith.constant 0 : i32
    %dma_wait3A_823 = arith.constant 0 : i32
    %dma_wait3A_824 = tpu.memref_slice %arg2[%add3A_745, %dma_wait3A_822, %dma_wait3A_823] : memref<768x224x224xf32, #tpu.memory_space<hbm>> -> memref<1x224x224xf32, #tpu.memory_space<hbm>>
    %dma_wait3A_825 = tpu.memref_squeeze %dma_wait3A_824 : memref<1x224x224xf32, #tpu.memory_space<hbm>> -> memref<224x224xf32, #tpu.memory_space<hbm>>
    tpu.wait_dma2 semaphore(%arg9 : memref<!tpu.dma_semaphore, #tpu.memory_space<semaphore_mem>>) src(%dma_wait3A_825 : memref<224x224xf32, #tpu.memory_space<hbm>>) dst(%arg5 : memref<224x224xf32, #tpu.memory_space<vmem>>)
    %add3A_826 = arith.constant 480 : i32
    %add3A_827 = arith.addi %add3A_826, %add3A : i32
    %mul3A_828 = arith.constant 2 : i32
    %mul3A_829 = arith.muli %mul3A_828, %add3A_827 : i32
    %dma_start3A_830 = arith.constant 0 : i32
    %dma_start3A_831 = arith.constant 0 : i32
    %dma_start3A_832 = tpu.memref_slice %arg3[%mul3A_829, %dma_start3A_830, %dma_start3A_831] : memref<1536x224x224xf32, #tpu.memory_space<hbm>> -> memref<1x224x224xf32, #tpu.memory_space<hbm>>
    %dma_start3A_833 = tpu.memref_squeeze %dma_start3A_832 : memref<1x224x224xf32, #tpu.memory_space<hbm>> -> memref<224x224xf32, #tpu.memory_space<hbm>>
    %dma_start3A_834 = arith.constant 0 : i32
    %dma_start3A_835 = arith.constant 0 : i32
    %dma_start3A_836 = tpu.memref_slice %arg3[%mul3A_829, %dma_start3A_834, %dma_start3A_835] : memref<1536x224x224xf32, #tpu.memory_space<hbm>> -> memref<1x224x224xf32, #tpu.memory_space<hbm>>
    %dma_start3A_837 = tpu.memref_squeeze %dma_start3A_836 : memref<1x224x224xf32, #tpu.memory_space<hbm>> -> memref<224x224xf32, #tpu.memory_space<hbm>>
    tpu.enqueue_dma source(%arg5 : memref<224x224xf32, #tpu.memory_space<vmem>>) target(%dma_start3A_837 : memref<224x224xf32, #tpu.memory_space<hbm>>) target_semaphore(%arg11 : memref<!tpu.dma_semaphore, #tpu.memory_space<semaphore_mem>>)
    %dma_wait3A_838 = arith.constant 0 : i32
    %dma_wait3A_839 = arith.constant 0 : i32
    %dma_wait3A_840 = tpu.memref_slice %arg3[%mul3A_829, %dma_wait3A_838, %dma_wait3A_839] : memref<1536x224x224xf32, #tpu.memory_space<hbm>> -> memref<1x224x224xf32, #tpu.memory_space<hbm>>
    %dma_wait3A_841 = tpu.memref_squeeze %dma_wait3A_840 : memref<1x224x224xf32, #tpu.memory_space<hbm>> -> memref<224x224xf32, #tpu.memory_space<hbm>>
    %dma_wait3A_842 = arith.constant 0 : i32
    %dma_wait3A_843 = arith.constant 0 : i32
    %dma_wait3A_844 = tpu.memref_slice %arg3[%mul3A_829, %dma_wait3A_842, %dma_wait3A_843] : memref<1536x224x224xf32, #tpu.memory_space<hbm>> -> memref<1x224x224xf32, #tpu.memory_space<hbm>>
    %dma_wait3A_845 = tpu.memref_squeeze %dma_wait3A_844 : memref<1x224x224xf32, #tpu.memory_space<hbm>> -> memref<224x224xf32, #tpu.memory_space<hbm>>
    tpu.wait_dma2 semaphore(%arg11 : memref<!tpu.dma_semaphore, #tpu.memory_space<semaphore_mem>>) src(%arg5 : memref<224x224xf32, #tpu.memory_space<vmem>>) dst(%dma_wait3A_845 : memref<224x224xf32, #tpu.memory_space<hbm>>)
    %add3A_846 = arith.constant 544 : i32
    %add3A_847 = arith.addi %add3A_846, %add3A : i32
    %dma_start3A_848 = arith.constant 0 : i32
    %dma_start3A_849 = arith.constant 0 : i32
    %dma_start3A_850 = tpu.memref_slice %arg2[%add3A_847, %dma_start3A_848, %dma_start3A_849] : memref<768x224x224xf32, #tpu.memory_space<hbm>> -> memref<1x224x224xf32, #tpu.memory_space<hbm>>
    %dma_start3A_851 = tpu.memref_squeeze %dma_start3A_850 : memref<1x224x224xf32, #tpu.memory_space<hbm>> -> memref<224x224xf32, #tpu.memory_space<hbm>>
    %dma_start3A_852 = arith.constant 0 : i32
    %dma_start3A_853 = arith.constant 0 : i32
    %dma_start3A_854 = tpu.memref_slice %arg2[%add3A_847, %dma_start3A_852, %dma_start3A_853] : memref<768x224x224xf32, #tpu.memory_space<hbm>> -> memref<1x224x224xf32, #tpu.memory_space<hbm>>
    %dma_start3A_855 = tpu.memref_squeeze %dma_start3A_854 : memref<1x224x224xf32, #tpu.memory_space<hbm>> -> memref<224x224xf32, #tpu.memory_space<hbm>>
    tpu.enqueue_dma source(%dma_start3A_855 : memref<224x224xf32, #tpu.memory_space<hbm>>) target(%arg5 : memref<224x224xf32, #tpu.memory_space<vmem>>) target_semaphore(%arg9 : memref<!tpu.dma_semaphore, #tpu.memory_space<semaphore_mem>>)
    %add3A_856 = arith.constant 544 : i32
    %add3A_857 = arith.addi %add3A_856, %add3A : i32
    %mul3A_858 = arith.constant 2 : i32
    %mul3A_859 = arith.muli %mul3A_858, %add3A_857 : i32
    %add3A_860 = arith.constant 1 : i32
    %add3A_861 = arith.addi %mul3A_859, %add3A_860 : i32
    %dma_start3A_862 = arith.constant 0 : i32
    %dma_start3A_863 = arith.constant 0 : i32
    %dma_start3A_864 = tpu.memref_slice %arg3[%add3A_861, %dma_start3A_862, %dma_start3A_863] : memref<1536x224x224xf32, #tpu.memory_space<hbm>> -> memref<1x224x224xf32, #tpu.memory_space<hbm>>
    %dma_start3A_865 = tpu.memref_squeeze %dma_start3A_864 : memref<1x224x224xf32, #tpu.memory_space<hbm>> -> memref<224x224xf32, #tpu.memory_space<hbm>>
    %dma_start3A_866 = arith.constant 0 : i32
    %dma_start3A_867 = arith.constant 0 : i32
    %dma_start3A_868 = tpu.memref_slice %arg7[%dma_start3A_866, %dma_start3A_867] : memref<256x224xf32, #tpu.memory_space<vmem_shared>> -> memref<224x224xf32, #tpu.memory_space<vmem_shared>>
    tpu.enqueue_dma source(%dma_start3A_868 : memref<224x224xf32, #tpu.memory_space<vmem_shared>>) target(%dma_start3A_865 : memref<224x224xf32, #tpu.memory_space<hbm>>) target_semaphore(%arg12 : memref<!tpu.dma_semaphore, #tpu.memory_space<semaphore_mem>>)
    %dma_wait3A_869 = arith.constant 0 : i32
    %dma_wait3A_870 = arith.constant 0 : i32
    %dma_wait3A_871 = tpu.memref_slice %arg2[%add3A_796, %dma_wait3A_869, %dma_wait3A_870] : memref<768x224x224xf32, #tpu.memory_space<hbm>> -> memref<1x224x224xf32, #tpu.memory_space<hbm>>
    %dma_wait3A_872 = tpu.memref_squeeze %dma_wait3A_871 : memref<1x224x224xf32, #tpu.memory_space<hbm>> -> memref<224x224xf32, #tpu.memory_space<hbm>>
    %dma_wait3A_873 = arith.constant 0 : i32
    %dma_wait3A_874 = arith.constant 0 : i32
    %dma_wait3A_875 = tpu.memref_slice %arg2[%add3A_796, %dma_wait3A_873, %dma_wait3A_874] : memref<768x224x224xf32, #tpu.memory_space<hbm>> -> memref<1x224x224xf32, #tpu.memory_space<hbm>>
    %dma_wait3A_876 = tpu.memref_squeeze %dma_wait3A_875 : memref<1x224x224xf32, #tpu.memory_space<hbm>> -> memref<224x224xf32, #tpu.memory_space<hbm>>
    tpu.wait_dma2 semaphore(%arg8 : memref<!tpu.dma_semaphore, #tpu.memory_space<semaphore_mem>>) src(%dma_wait3A_876 : memref<224x224xf32, #tpu.memory_space<hbm>>) dst(%arg4 : memref<224x224xf32, #tpu.memory_space<vmem>>)
    %add3A_877 = arith.constant 512 : i32
    %add3A_878 = arith.addi %add3A_877, %add3A : i32
    %mul3A_879 = arith.constant 2 : i32
    %mul3A_880 = arith.muli %mul3A_879, %add3A_878 : i32
    %dma_start3A_881 = arith.constant 0 : i32
    %dma_start3A_882 = arith.constant 0 : i32
    %dma_start3A_883 = tpu.memref_slice %arg3[%mul3A_880, %dma_start3A_881, %dma_start3A_882] : memref<1536x224x224xf32, #tpu.memory_space<hbm>> -> memref<1x224x224xf32, #tpu.memory_space<hbm>>
    %dma_start3A_884 = tpu.memref_squeeze %dma_start3A_883 : memref<1x224x224xf32, #tpu.memory_space<hbm>> -> memref<224x224xf32, #tpu.memory_space<hbm>>
    %dma_start3A_885 = arith.constant 0 : i32
    %dma_start3A_886 = arith.constant 0 : i32
    %dma_start3A_887 = tpu.memref_slice %arg3[%mul3A_880, %dma_start3A_885, %dma_start3A_886] : memref<1536x224x224xf32, #tpu.memory_space<hbm>> -> memref<1x224x224xf32, #tpu.memory_space<hbm>>
    %dma_start3A_888 = tpu.memref_squeeze %dma_start3A_887 : memref<1x224x224xf32, #tpu.memory_space<hbm>> -> memref<224x224xf32, #tpu.memory_space<hbm>>
    tpu.enqueue_dma source(%arg4 : memref<224x224xf32, #tpu.memory_space<vmem>>) target(%dma_start3A_888 : memref<224x224xf32, #tpu.memory_space<hbm>>) target_semaphore(%arg10 : memref<!tpu.dma_semaphore, #tpu.memory_space<semaphore_mem>>)
    %dma_wait3A_889 = arith.constant 0 : i32
    %dma_wait3A_890 = arith.constant 0 : i32
    %dma_wait3A_891 = tpu.memref_slice %arg3[%mul3A_880, %dma_wait3A_889, %dma_wait3A_890] : memref<1536x224x224xf32, #tpu.memory_space<hbm>> -> memref<1x224x224xf32, #tpu.memory_space<hbm>>
    %dma_wait3A_892 = tpu.memref_squeeze %dma_wait3A_891 : memref<1x224x224xf32, #tpu.memory_space<hbm>> -> memref<224x224xf32, #tpu.memory_space<hbm>>
    %dma_wait3A_893 = arith.constant 0 : i32
    %dma_wait3A_894 = arith.constant 0 : i32
    %dma_wait3A_895 = tpu.memref_slice %arg3[%mul3A_880, %dma_wait3A_893, %dma_wait3A_894] : memref<1536x224x224xf32, #tpu.memory_space<hbm>> -> memref<1x224x224xf32, #tpu.memory_space<hbm>>
    %dma_wait3A_896 = tpu.memref_squeeze %dma_wait3A_895 : memref<1x224x224xf32, #tpu.memory_space<hbm>> -> memref<224x224xf32, #tpu.memory_space<hbm>>
    tpu.wait_dma2 semaphore(%arg10 : memref<!tpu.dma_semaphore, #tpu.memory_space<semaphore_mem>>) src(%arg4 : memref<224x224xf32, #tpu.memory_space<vmem>>) dst(%dma_wait3A_896 : memref<224x224xf32, #tpu.memory_space<hbm>>)
    %add3A_897 = arith.constant 576 : i32
    %add3A_898 = arith.addi %add3A_897, %add3A : i32
    %dma_start3A_899 = arith.constant 0 : i32
    %dma_start3A_900 = arith.constant 0 : i32
    %dma_start3A_901 = tpu.memref_slice %arg2[%add3A_898, %dma_start3A_899, %dma_start3A_900] : memref<768x224x224xf32, #tpu.memory_space<hbm>> -> memref<1x224x224xf32, #tpu.memory_space<hbm>>
    %dma_start3A_902 = tpu.memref_squeeze %dma_start3A_901 : memref<1x224x224xf32, #tpu.memory_space<hbm>> -> memref<224x224xf32, #tpu.memory_space<hbm>>
    %dma_start3A_903 = arith.constant 0 : i32
    %dma_start3A_904 = arith.constant 0 : i32
    %dma_start3A_905 = tpu.memref_slice %arg2[%add3A_898, %dma_start3A_903, %dma_start3A_904] : memref<768x224x224xf32, #tpu.memory_space<hbm>> -> memref<1x224x224xf32, #tpu.memory_space<hbm>>
    %dma_start3A_906 = tpu.memref_squeeze %dma_start3A_905 : memref<1x224x224xf32, #tpu.memory_space<hbm>> -> memref<224x224xf32, #tpu.memory_space<hbm>>
    tpu.enqueue_dma source(%dma_start3A_906 : memref<224x224xf32, #tpu.memory_space<hbm>>) target(%arg4 : memref<224x224xf32, #tpu.memory_space<vmem>>) target_semaphore(%arg8 : memref<!tpu.dma_semaphore, #tpu.memory_space<semaphore_mem>>)
    %add3A_907 = arith.constant 576 : i32
    %add3A_908 = arith.addi %add3A_907, %add3A : i32
    %mul3A_909 = arith.constant 2 : i32
    %mul3A_910 = arith.muli %mul3A_909, %add3A_908 : i32
    %add3A_911 = arith.constant 1 : i32
    %add3A_912 = arith.addi %mul3A_910, %add3A_911 : i32
    %dma_start3A_913 = arith.constant 0 : i32
    %dma_start3A_914 = arith.constant 0 : i32
    %dma_start3A_915 = tpu.memref_slice %arg3[%add3A_912, %dma_start3A_913, %dma_start3A_914] : memref<1536x224x224xf32, #tpu.memory_space<hbm>> -> memref<1x224x224xf32, #tpu.memory_space<hbm>>
    %dma_start3A_916 = tpu.memref_squeeze %dma_start3A_915 : memref<1x224x224xf32, #tpu.memory_space<hbm>> -> memref<224x224xf32, #tpu.memory_space<hbm>>
    %dma_start3A_917 = arith.constant 0 : i32
    %dma_start3A_918 = arith.constant 0 : i32
    %dma_start3A_919 = tpu.memref_slice %arg7[%dma_start3A_917, %dma_start3A_918] : memref<256x224xf32, #tpu.memory_space<vmem_shared>> -> memref<224x224xf32, #tpu.memory_space<vmem_shared>>
    tpu.enqueue_dma source(%dma_start3A_919 : memref<224x224xf32, #tpu.memory_space<vmem_shared>>) target(%dma_start3A_916 : memref<224x224xf32, #tpu.memory_space<hbm>>) target_semaphore(%arg12 : memref<!tpu.dma_semaphore, #tpu.memory_space<semaphore_mem>>)
    %dma_wait3A_920 = arith.constant 0 : i32
    %dma_wait3A_921 = arith.constant 0 : i32
    %dma_wait3A_922 = tpu.memref_slice %arg2[%add3A_847, %dma_wait3A_920, %dma_wait3A_921] : memref<768x224x224xf32, #tpu.memory_space<hbm>> -> memref<1x224x224xf32, #tpu.memory_space<hbm>>
    %dma_wait3A_923 = tpu.memref_squeeze %dma_wait3A_922 : memref<1x224x224xf32, #tpu.memory_space<hbm>> -> memref<224x224xf32, #tpu.memory_space<hbm>>
    %dma_wait3A_924 = arith.constant 0 : i32
    %dma_wait3A_925 = arith.constant 0 : i32
    %dma_wait3A_926 = tpu.memref_slice %arg2[%add3A_847, %dma_wait3A_924, %dma_wait3A_925] : memref<768x224x224xf32, #tpu.memory_space<hbm>> -> memref<1x224x224xf32, #tpu.memory_space<hbm>>
    %dma_wait3A_927 = tpu.memref_squeeze %dma_wait3A_926 : memref<1x224x224xf32, #tpu.memory_space<hbm>> -> memref<224x224xf32, #tpu.memory_space<hbm>>
    tpu.wait_dma2 semaphore(%arg9 : memref<!tpu.dma_semaphore, #tpu.memory_space<semaphore_mem>>) src(%dma_wait3A_927 : memref<224x224xf32, #tpu.memory_space<hbm>>) dst(%arg5 : memref<224x224xf32, #tpu.memory_space<vmem>>)
    %add3A_928 = arith.constant 544 : i32
    %add3A_929 = arith.addi %add3A_928, %add3A : i32
    %mul3A_930 = arith.constant 2 : i32
    %mul3A_931 = arith.muli %mul3A_930, %add3A_929 : i32
    %dma_start3A_932 = arith.constant 0 : i32
    %dma_start3A_933 = arith.constant 0 : i32
    %dma_start3A_934 = tpu.memref_slice %arg3[%mul3A_931, %dma_start3A_932, %dma_start3A_933] : memref<1536x224x224xf32, #tpu.memory_space<hbm>> -> memref<1x224x224xf32, #tpu.memory_space<hbm>>
    %dma_start3A_935 = tpu.memref_squeeze %dma_start3A_934 : memref<1x224x224xf32, #tpu.memory_space<hbm>> -> memref<224x224xf32, #tpu.memory_space<hbm>>
    %dma_start3A_936 = arith.constant 0 : i32
    %dma_start3A_937 = arith.constant 0 : i32
    %dma_start3A_938 = tpu.memref_slice %arg3[%mul3A_931, %dma_start3A_936, %dma_start3A_937] : memref<1536x224x224xf32, #tpu.memory_space<hbm>> -> memref<1x224x224xf32, #tpu.memory_space<hbm>>
    %dma_start3A_939 = tpu.memref_squeeze %dma_start3A_938 : memref<1x224x224xf32, #tpu.memory_space<hbm>> -> memref<224x224xf32, #tpu.memory_space<hbm>>
    tpu.enqueue_dma source(%arg5 : memref<224x224xf32, #tpu.memory_space<vmem>>) target(%dma_start3A_939 : memref<224x224xf32, #tpu.memory_space<hbm>>) target_semaphore(%arg11 : memref<!tpu.dma_semaphore, #tpu.memory_space<semaphore_mem>>)
    %dma_wait3A_940 = arith.constant 0 : i32
    %dma_wait3A_941 = arith.constant 0 : i32
    %dma_wait3A_942 = tpu.memref_slice %arg3[%mul3A_931, %dma_wait3A_940, %dma_wait3A_941] : memref<1536x224x224xf32, #tpu.memory_space<hbm>> -> memref<1x224x224xf32, #tpu.memory_space<hbm>>
    %dma_wait3A_943 = tpu.memref_squeeze %dma_wait3A_942 : memref<1x224x224xf32, #tpu.memory_space<hbm>> -> memref<224x224xf32, #tpu.memory_space<hbm>>
    %dma_wait3A_944 = arith.constant 0 : i32
    %dma_wait3A_945 = arith.constant 0 : i32
    %dma_wait3A_946 = tpu.memref_slice %arg3[%mul3A_931, %dma_wait3A_944, %dma_wait3A_945] : memref<1536x224x224xf32, #tpu.memory_space<hbm>> -> memref<1x224x224xf32, #tpu.memory_space<hbm>>
    %dma_wait3A_947 = tpu.memref_squeeze %dma_wait3A_946 : memref<1x224x224xf32, #tpu.memory_space<hbm>> -> memref<224x224xf32, #tpu.memory_space<hbm>>
    tpu.wait_dma2 semaphore(%arg11 : memref<!tpu.dma_semaphore, #tpu.memory_space<semaphore_mem>>) src(%arg5 : memref<224x224xf32, #tpu.memory_space<vmem>>) dst(%dma_wait3A_947 : memref<224x224xf32, #tpu.memory_space<hbm>>)
    %add3A_948 = arith.constant 608 : i32
    %add3A_949 = arith.addi %add3A_948, %add3A : i32
    %dma_start3A_950 = arith.constant 0 : i32
    %dma_start3A_951 = arith.constant 0 : i32
    %dma_start3A_952 = tpu.memref_slice %arg2[%add3A_949, %dma_start3A_950, %dma_start3A_951] : memref<768x224x224xf32, #tpu.memory_space<hbm>> -> memref<1x224x224xf32, #tpu.memory_space<hbm>>
    %dma_start3A_953 = tpu.memref_squeeze %dma_start3A_952 : memref<1x224x224xf32, #tpu.memory_space<hbm>> -> memref<224x224xf32, #tpu.memory_space<hbm>>
    %dma_start3A_954 = arith.constant 0 : i32
    %dma_start3A_955 = arith.constant 0 : i32
    %dma_start3A_956 = tpu.memref_slice %arg2[%add3A_949, %dma_start3A_954, %dma_start3A_955] : memref<768x224x224xf32, #tpu.memory_space<hbm>> -> memref<1x224x224xf32, #tpu.memory_space<hbm>>
    %dma_start3A_957 = tpu.memref_squeeze %dma_start3A_956 : memref<1x224x224xf32, #tpu.memory_space<hbm>> -> memref<224x224xf32, #tpu.memory_space<hbm>>
    tpu.enqueue_dma source(%dma_start3A_957 : memref<224x224xf32, #tpu.memory_space<hbm>>) target(%arg5 : memref<224x224xf32, #tpu.memory_space<vmem>>) target_semaphore(%arg9 : memref<!tpu.dma_semaphore, #tpu.memory_space<semaphore_mem>>)
    %add3A_958 = arith.constant 608 : i32
    %add3A_959 = arith.addi %add3A_958, %add3A : i32
    %mul3A_960 = arith.constant 2 : i32
    %mul3A_961 = arith.muli %mul3A_960, %add3A_959 : i32
    %add3A_962 = arith.constant 1 : i32
    %add3A_963 = arith.addi %mul3A_961, %add3A_962 : i32
    %dma_start3A_964 = arith.constant 0 : i32
    %dma_start3A_965 = arith.constant 0 : i32
    %dma_start3A_966 = tpu.memref_slice %arg3[%add3A_963, %dma_start3A_964, %dma_start3A_965] : memref<1536x224x224xf32, #tpu.memory_space<hbm>> -> memref<1x224x224xf32, #tpu.memory_space<hbm>>
    %dma_start3A_967 = tpu.memref_squeeze %dma_start3A_966 : memref<1x224x224xf32, #tpu.memory_space<hbm>> -> memref<224x224xf32, #tpu.memory_space<hbm>>
    %dma_start3A_968 = arith.constant 0 : i32
    %dma_start3A_969 = arith.constant 0 : i32
    %dma_start3A_970 = tpu.memref_slice %arg7[%dma_start3A_968, %dma_start3A_969] : memref<256x224xf32, #tpu.memory_space<vmem_shared>> -> memref<224x224xf32, #tpu.memory_space<vmem_shared>>
    tpu.enqueue_dma source(%dma_start3A_970 : memref<224x224xf32, #tpu.memory_space<vmem_shared>>) target(%dma_start3A_967 : memref<224x224xf32, #tpu.memory_space<hbm>>) target_semaphore(%arg12 : memref<!tpu.dma_semaphore, #tpu.memory_space<semaphore_mem>>)
    %dma_wait3A_971 = arith.constant 0 : i32
    %dma_wait3A_972 = arith.constant 0 : i32
    %dma_wait3A_973 = tpu.memref_slice %arg2[%add3A_898, %dma_wait3A_971, %dma_wait3A_972] : memref<768x224x224xf32, #tpu.memory_space<hbm>> -> memref<1x224x224xf32, #tpu.memory_space<hbm>>
    %dma_wait3A_974 = tpu.memref_squeeze %dma_wait3A_973 : memref<1x224x224xf32, #tpu.memory_space<hbm>> -> memref<224x224xf32, #tpu.memory_space<hbm>>
    %dma_wait3A_975 = arith.constant 0 : i32
    %dma_wait3A_976 = arith.constant 0 : i32
    %dma_wait3A_977 = tpu.memref_slice %arg2[%add3A_898, %dma_wait3A_975, %dma_wait3A_976] : memref<768x224x224xf32, #tpu.memory_space<hbm>> -> memref<1x224x224xf32, #tpu.memory_space<hbm>>
    %dma_wait3A_978 = tpu.memref_squeeze %dma_wait3A_977 : memref<1x224x224xf32, #tpu.memory_space<hbm>> -> memref<224x224xf32, #tpu.memory_space<hbm>>
    tpu.wait_dma2 semaphore(%arg8 : memref<!tpu.dma_semaphore, #tpu.memory_space<semaphore_mem>>) src(%dma_wait3A_978 : memref<224x224xf32, #tpu.memory_space<hbm>>) dst(%arg4 : memref<224x224xf32, #tpu.memory_space<vmem>>)
    %add3A_979 = arith.constant 576 : i32
    %add3A_980 = arith.addi %add3A_979, %add3A : i32
    %mul3A_981 = arith.constant 2 : i32
    %mul3A_982 = arith.muli %mul3A_981, %add3A_980 : i32
    %dma_start3A_983 = arith.constant 0 : i32
    %dma_start3A_984 = arith.constant 0 : i32
    %dma_start3A_985 = tpu.memref_slice %arg3[%mul3A_982, %dma_start3A_983, %dma_start3A_984] : memref<1536x224x224xf32, #tpu.memory_space<hbm>> -> memref<1x224x224xf32, #tpu.memory_space<hbm>>
    %dma_start3A_986 = tpu.memref_squeeze %dma_start3A_985 : memref<1x224x224xf32, #tpu.memory_space<hbm>> -> memref<224x224xf32, #tpu.memory_space<hbm>>
    %dma_start3A_987 = arith.constant 0 : i32
    %dma_start3A_988 = arith.constant 0 : i32
    %dma_start3A_989 = tpu.memref_slice %arg3[%mul3A_982, %dma_start3A_987, %dma_start3A_988] : memref<1536x224x224xf32, #tpu.memory_space<hbm>> -> memref<1x224x224xf32, #tpu.memory_space<hbm>>
    %dma_start3A_990 = tpu.memref_squeeze %dma_start3A_989 : memref<1x224x224xf32, #tpu.memory_space<hbm>> -> memref<224x224xf32, #tpu.memory_space<hbm>>
    tpu.enqueue_dma source(%arg4 : memref<224x224xf32, #tpu.memory_space<vmem>>) target(%dma_start3A_990 : memref<224x224xf32, #tpu.memory_space<hbm>>) target_semaphore(%arg10 : memref<!tpu.dma_semaphore, #tpu.memory_space<semaphore_mem>>)
    %dma_wait3A_991 = arith.constant 0 : i32
    %dma_wait3A_992 = arith.constant 0 : i32
    %dma_wait3A_993 = tpu.memref_slice %arg3[%mul3A_982, %dma_wait3A_991, %dma_wait3A_992] : memref<1536x224x224xf32, #tpu.memory_space<hbm>> -> memref<1x224x224xf32, #tpu.memory_space<hbm>>
    %dma_wait3A_994 = tpu.memref_squeeze %dma_wait3A_993 : memref<1x224x224xf32, #tpu.memory_space<hbm>> -> memref<224x224xf32, #tpu.memory_space<hbm>>
    %dma_wait3A_995 = arith.constant 0 : i32
    %dma_wait3A_996 = arith.constant 0 : i32
    %dma_wait3A_997 = tpu.memref_slice %arg3[%mul3A_982, %dma_wait3A_995, %dma_wait3A_996] : memref<1536x224x224xf32, #tpu.memory_space<hbm>> -> memref<1x224x224xf32, #tpu.memory_space<hbm>>
    %dma_wait3A_998 = tpu.memref_squeeze %dma_wait3A_997 : memref<1x224x224xf32, #tpu.memory_space<hbm>> -> memref<224x224xf32, #tpu.memory_space<hbm>>
    tpu.wait_dma2 semaphore(%arg10 : memref<!tpu.dma_semaphore, #tpu.memory_space<semaphore_mem>>) src(%arg4 : memref<224x224xf32, #tpu.memory_space<vmem>>) dst(%dma_wait3A_998 : memref<224x224xf32, #tpu.memory_space<hbm>>)
    %add3A_999 = arith.constant 640 : i32
    %add3A_1000 = arith.addi %add3A_999, %add3A : i32
    %dma_start3A_1001 = arith.constant 0 : i32
    %dma_start3A_1002 = arith.constant 0 : i32
    %dma_start3A_1003 = tpu.memref_slice %arg2[%add3A_1000, %dma_start3A_1001, %dma_start3A_1002] : memref<768x224x224xf32, #tpu.memory_space<hbm>> -> memref<1x224x224xf32, #tpu.memory_space<hbm>>
    %dma_start3A_1004 = tpu.memref_squeeze %dma_start3A_1003 : memref<1x224x224xf32, #tpu.memory_space<hbm>> -> memref<224x224xf32, #tpu.memory_space<hbm>>
    %dma_start3A_1005 = arith.constant 0 : i32
    %dma_start3A_1006 = arith.constant 0 : i32
    %dma_start3A_1007 = tpu.memref_slice %arg2[%add3A_1000, %dma_start3A_1005, %dma_start3A_1006] : memref<768x224x224xf32, #tpu.memory_space<hbm>> -> memref<1x224x224xf32, #tpu.memory_space<hbm>>
    %dma_start3A_1008 = tpu.memref_squeeze %dma_start3A_1007 : memref<1x224x224xf32, #tpu.memory_space<hbm>> -> memref<224x224xf32, #tpu.memory_space<hbm>>
    tpu.enqueue_dma source(%dma_start3A_1008 : memref<224x224xf32, #tpu.memory_space<hbm>>) target(%arg4 : memref<224x224xf32, #tpu.memory_space<vmem>>) target_semaphore(%arg8 : memref<!tpu.dma_semaphore, #tpu.memory_space<semaphore_mem>>)
    %add3A_1009 = arith.constant 640 : i32
    %add3A_1010 = arith.addi %add3A_1009, %add3A : i32
    %mul3A_1011 = arith.constant 2 : i32
    %mul3A_1012 = arith.muli %mul3A_1011, %add3A_1010 : i32
    %add3A_1013 = arith.constant 1 : i32
    %add3A_1014 = arith.addi %mul3A_1012, %add3A_1013 : i32
    %dma_start3A_1015 = arith.constant 0 : i32
    %dma_start3A_1016 = arith.constant 0 : i32
    %dma_start3A_1017 = tpu.memref_slice %arg3[%add3A_1014, %dma_start3A_1015, %dma_start3A_1016] : memref<1536x224x224xf32, #tpu.memory_space<hbm>> -> memref<1x224x224xf32, #tpu.memory_space<hbm>>
    %dma_start3A_1018 = tpu.memref_squeeze %dma_start3A_1017 : memref<1x224x224xf32, #tpu.memory_space<hbm>> -> memref<224x224xf32, #tpu.memory_space<hbm>>
    %dma_start3A_1019 = arith.constant 0 : i32
    %dma_start3A_1020 = arith.constant 0 : i32
    %dma_start3A_1021 = tpu.memref_slice %arg7[%dma_start3A_1019, %dma_start3A_1020] : memref<256x224xf32, #tpu.memory_space<vmem_shared>> -> memref<224x224xf32, #tpu.memory_space<vmem_shared>>
    tpu.enqueue_dma source(%dma_start3A_1021 : memref<224x224xf32, #tpu.memory_space<vmem_shared>>) target(%dma_start3A_1018 : memref<224x224xf32, #tpu.memory_space<hbm>>) target_semaphore(%arg12 : memref<!tpu.dma_semaphore, #tpu.memory_space<semaphore_mem>>)
    %dma_wait3A_1022 = arith.constant 0 : i32
    %dma_wait3A_1023 = arith.constant 0 : i32
    %dma_wait3A_1024 = tpu.memref_slice %arg2[%add3A_949, %dma_wait3A_1022, %dma_wait3A_1023] : memref<768x224x224xf32, #tpu.memory_space<hbm>> -> memref<1x224x224xf32, #tpu.memory_space<hbm>>
    %dma_wait3A_1025 = tpu.memref_squeeze %dma_wait3A_1024 : memref<1x224x224xf32, #tpu.memory_space<hbm>> -> memref<224x224xf32, #tpu.memory_space<hbm>>
    %dma_wait3A_1026 = arith.constant 0 : i32
    %dma_wait3A_1027 = arith.constant 0 : i32
    %dma_wait3A_1028 = tpu.memref_slice %arg2[%add3A_949, %dma_wait3A_1026, %dma_wait3A_1027] : memref<768x224x224xf32, #tpu.memory_space<hbm>> -> memref<1x224x224xf32, #tpu.memory_space<hbm>>
    %dma_wait3A_1029 = tpu.memref_squeeze %dma_wait3A_1028 : memref<1x224x224xf32, #tpu.memory_space<hbm>> -> memref<224x224xf32, #tpu.memory_space<hbm>>
    tpu.wait_dma2 semaphore(%arg9 : memref<!tpu.dma_semaphore, #tpu.memory_space<semaphore_mem>>) src(%dma_wait3A_1029 : memref<224x224xf32, #tpu.memory_space<hbm>>) dst(%arg5 : memref<224x224xf32, #tpu.memory_space<vmem>>)
    %add3A_1030 = arith.constant 608 : i32
    %add3A_1031 = arith.addi %add3A_1030, %add3A : i32
    %mul3A_1032 = arith.constant 2 : i32
    %mul3A_1033 = arith.muli %mul3A_1032, %add3A_1031 : i32
    %dma_start3A_1034 = arith.constant 0 : i32
    %dma_start3A_1035 = arith.constant 0 : i32
    %dma_start3A_1036 = tpu.memref_slice %arg3[%mul3A_1033, %dma_start3A_1034, %dma_start3A_1035] : memref<1536x224x224xf32, #tpu.memory_space<hbm>> -> memref<1x224x224xf32, #tpu.memory_space<hbm>>
    %dma_start3A_1037 = tpu.memref_squeeze %dma_start3A_1036 : memref<1x224x224xf32, #tpu.memory_space<hbm>> -> memref<224x224xf32, #tpu.memory_space<hbm>>
    %dma_start3A_1038 = arith.constant 0 : i32
    %dma_start3A_1039 = arith.constant 0 : i32
    %dma_start3A_1040 = tpu.memref_slice %arg3[%mul3A_1033, %dma_start3A_1038, %dma_start3A_1039] : memref<1536x224x224xf32, #tpu.memory_space<hbm>> -> memref<1x224x224xf32, #tpu.memory_space<hbm>>
    %dma_start3A_1041 = tpu.memref_squeeze %dma_start3A_1040 : memref<1x224x224xf32, #tpu.memory_space<hbm>> -> memref<224x224xf32, #tpu.memory_space<hbm>>
    tpu.enqueue_dma source(%arg5 : memref<224x224xf32, #tpu.memory_space<vmem>>) target(%dma_start3A_1041 : memref<224x224xf32, #tpu.memory_space<hbm>>) target_semaphore(%arg11 : memref<!tpu.dma_semaphore, #tpu.memory_space<semaphore_mem>>)
    %dma_wait3A_1042 = arith.constant 0 : i32
    %dma_wait3A_1043 = arith.constant 0 : i32
    %dma_wait3A_1044 = tpu.memref_slice %arg3[%mul3A_1033, %dma_wait3A_1042, %dma_wait3A_1043] : memref<1536x224x224xf32, #tpu.memory_space<hbm>> -> memref<1x224x224xf32, #tpu.memory_space<hbm>>
    %dma_wait3A_1045 = tpu.memref_squeeze %dma_wait3A_1044 : memref<1x224x224xf32, #tpu.memory_space<hbm>> -> memref<224x224xf32, #tpu.memory_space<hbm>>
    %dma_wait3A_1046 = arith.constant 0 : i32
    %dma_wait3A_1047 = arith.constant 0 : i32
    %dma_wait3A_1048 = tpu.memref_slice %arg3[%mul3A_1033, %dma_wait3A_1046, %dma_wait3A_1047] : memref<1536x224x224xf32, #tpu.memory_space<hbm>> -> memref<1x224x224xf32, #tpu.memory_space<hbm>>
    %dma_wait3A_1049 = tpu.memref_squeeze %dma_wait3A_1048 : memref<1x224x224xf32, #tpu.memory_space<hbm>> -> memref<224x224xf32, #tpu.memory_space<hbm>>
    tpu.wait_dma2 semaphore(%arg11 : memref<!tpu.dma_semaphore, #tpu.memory_space<semaphore_mem>>) src(%arg5 : memref<224x224xf32, #tpu.memory_space<vmem>>) dst(%dma_wait3A_1049 : memref<224x224xf32, #tpu.memory_space<hbm>>)
    %add3A_1050 = arith.constant 672 : i32
    %add3A_1051 = arith.addi %add3A_1050, %add3A : i32
    %dma_start3A_1052 = arith.constant 0 : i32
    %dma_start3A_1053 = arith.constant 0 : i32
    %dma_start3A_1054 = tpu.memref_slice %arg2[%add3A_1051, %dma_start3A_1052, %dma_start3A_1053] : memref<768x224x224xf32, #tpu.memory_space<hbm>> -> memref<1x224x224xf32, #tpu.memory_space<hbm>>
    %dma_start3A_1055 = tpu.memref_squeeze %dma_start3A_1054 : memref<1x224x224xf32, #tpu.memory_space<hbm>> -> memref<224x224xf32, #tpu.memory_space<hbm>>
    %dma_start3A_1056 = arith.constant 0 : i32
    %dma_start3A_1057 = arith.constant 0 : i32
    %dma_start3A_1058 = tpu.memref_slice %arg2[%add3A_1051, %dma_start3A_1056, %dma_start3A_1057] : memref<768x224x224xf32, #tpu.memory_space<hbm>> -> memref<1x224x224xf32, #tpu.memory_space<hbm>>
    %dma_start3A_1059 = tpu.memref_squeeze %dma_start3A_1058 : memref<1x224x224xf32, #tpu.memory_space<hbm>> -> memref<224x224xf32, #tpu.memory_space<hbm>>
    tpu.enqueue_dma source(%dma_start3A_1059 : memref<224x224xf32, #tpu.memory_space<hbm>>) target(%arg5 : memref<224x224xf32, #tpu.memory_space<vmem>>) target_semaphore(%arg9 : memref<!tpu.dma_semaphore, #tpu.memory_space<semaphore_mem>>)
    %add3A_1060 = arith.constant 672 : i32
    %add3A_1061 = arith.addi %add3A_1060, %add3A : i32
    %mul3A_1062 = arith.constant 2 : i32
    %mul3A_1063 = arith.muli %mul3A_1062, %add3A_1061 : i32
    %add3A_1064 = arith.constant 1 : i32
    %add3A_1065 = arith.addi %mul3A_1063, %add3A_1064 : i32
    %dma_start3A_1066 = arith.constant 0 : i32
    %dma_start3A_1067 = arith.constant 0 : i32
    %dma_start3A_1068 = tpu.memref_slice %arg3[%add3A_1065, %dma_start3A_1066, %dma_start3A_1067] : memref<1536x224x224xf32, #tpu.memory_space<hbm>> -> memref<1x224x224xf32, #tpu.memory_space<hbm>>
    %dma_start3A_1069 = tpu.memref_squeeze %dma_start3A_1068 : memref<1x224x224xf32, #tpu.memory_space<hbm>> -> memref<224x224xf32, #tpu.memory_space<hbm>>
    %dma_start3A_1070 = arith.constant 0 : i32
    %dma_start3A_1071 = arith.constant 0 : i32
    %dma_start3A_1072 = tpu.memref_slice %arg7[%dma_start3A_1070, %dma_start3A_1071] : memref<256x224xf32, #tpu.memory_space<vmem_shared>> -> memref<224x224xf32, #tpu.memory_space<vmem_shared>>
    tpu.enqueue_dma source(%dma_start3A_1072 : memref<224x224xf32, #tpu.memory_space<vmem_shared>>) target(%dma_start3A_1069 : memref<224x224xf32, #tpu.memory_space<hbm>>) target_semaphore(%arg12 : memref<!tpu.dma_semaphore, #tpu.memory_space<semaphore_mem>>)
    %dma_wait3A_1073 = arith.constant 0 : i32
    %dma_wait3A_1074 = arith.constant 0 : i32
    %dma_wait3A_1075 = tpu.memref_slice %arg2[%add3A_1000, %dma_wait3A_1073, %dma_wait3A_1074] : memref<768x224x224xf32, #tpu.memory_space<hbm>> -> memref<1x224x224xf32, #tpu.memory_space<hbm>>
    %dma_wait3A_1076 = tpu.memref_squeeze %dma_wait3A_1075 : memref<1x224x224xf32, #tpu.memory_space<hbm>> -> memref<224x224xf32, #tpu.memory_space<hbm>>
    %dma_wait3A_1077 = arith.constant 0 : i32
    %dma_wait3A_1078 = arith.constant 0 : i32
    %dma_wait3A_1079 = tpu.memref_slice %arg2[%add3A_1000, %dma_wait3A_1077, %dma_wait3A_1078] : memref<768x224x224xf32, #tpu.memory_space<hbm>> -> memref<1x224x224xf32, #tpu.memory_space<hbm>>
    %dma_wait3A_1080 = tpu.memref_squeeze %dma_wait3A_1079 : memref<1x224x224xf32, #tpu.memory_space<hbm>> -> memref<224x224xf32, #tpu.memory_space<hbm>>
    tpu.wait_dma2 semaphore(%arg8 : memref<!tpu.dma_semaphore, #tpu.memory_space<semaphore_mem>>) src(%dma_wait3A_1080 : memref<224x224xf32, #tpu.memory_space<hbm>>) dst(%arg4 : memref<224x224xf32, #tpu.memory_space<vmem>>)
    %add3A_1081 = arith.constant 640 : i32
    %add3A_1082 = arith.addi %add3A_1081, %add3A : i32
    %mul3A_1083 = arith.constant 2 : i32
    %mul3A_1084 = arith.muli %mul3A_1083, %add3A_1082 : i32
    %dma_start3A_1085 = arith.constant 0 : i32
    %dma_start3A_1086 = arith.constant 0 : i32
    %dma_start3A_1087 = tpu.memref_slice %arg3[%mul3A_1084, %dma_start3A_1085, %dma_start3A_1086] : memref<1536x224x224xf32, #tpu.memory_space<hbm>> -> memref<1x224x224xf32, #tpu.memory_space<hbm>>
    %dma_start3A_1088 = tpu.memref_squeeze %dma_start3A_1087 : memref<1x224x224xf32, #tpu.memory_space<hbm>> -> memref<224x224xf32, #tpu.memory_space<hbm>>
    %dma_start3A_1089 = arith.constant 0 : i32
    %dma_start3A_1090 = arith.constant 0 : i32
    %dma_start3A_1091 = tpu.memref_slice %arg3[%mul3A_1084, %dma_start3A_1089, %dma_start3A_1090] : memref<1536x224x224xf32, #tpu.memory_space<hbm>> -> memref<1x224x224xf32, #tpu.memory_space<hbm>>
    %dma_start3A_1092 = tpu.memref_squeeze %dma_start3A_1091 : memref<1x224x224xf32, #tpu.memory_space<hbm>> -> memref<224x224xf32, #tpu.memory_space<hbm>>
    tpu.enqueue_dma source(%arg4 : memref<224x224xf32, #tpu.memory_space<vmem>>) target(%dma_start3A_1092 : memref<224x224xf32, #tpu.memory_space<hbm>>) target_semaphore(%arg10 : memref<!tpu.dma_semaphore, #tpu.memory_space<semaphore_mem>>)
    %dma_wait3A_1093 = arith.constant 0 : i32
    %dma_wait3A_1094 = arith.constant 0 : i32
    %dma_wait3A_1095 = tpu.memref_slice %arg3[%mul3A_1084, %dma_wait3A_1093, %dma_wait3A_1094] : memref<1536x224x224xf32, #tpu.memory_space<hbm>> -> memref<1x224x224xf32, #tpu.memory_space<hbm>>
    %dma_wait3A_1096 = tpu.memref_squeeze %dma_wait3A_1095 : memref<1x224x224xf32, #tpu.memory_space<hbm>> -> memref<224x224xf32, #tpu.memory_space<hbm>>
    %dma_wait3A_1097 = arith.constant 0 : i32
    %dma_wait3A_1098 = arith.constant 0 : i32
    %dma_wait3A_1099 = tpu.memref_slice %arg3[%mul3A_1084, %dma_wait3A_1097, %dma_wait3A_1098] : memref<1536x224x224xf32, #tpu.memory_space<hbm>> -> memref<1x224x224xf32, #tpu.memory_space<hbm>>
    %dma_wait3A_1100 = tpu.memref_squeeze %dma_wait3A_1099 : memref<1x224x224xf32, #tpu.memory_space<hbm>> -> memref<224x224xf32, #tpu.memory_space<hbm>>
    tpu.wait_dma2 semaphore(%arg10 : memref<!tpu.dma_semaphore, #tpu.memory_space<semaphore_mem>>) src(%arg4 : memref<224x224xf32, #tpu.memory_space<vmem>>) dst(%dma_wait3A_1100 : memref<224x224xf32, #tpu.memory_space<hbm>>)
    %add3A_1101 = arith.constant 704 : i32
    %add3A_1102 = arith.addi %add3A_1101, %add3A : i32
    %dma_start3A_1103 = arith.constant 0 : i32
    %dma_start3A_1104 = arith.constant 0 : i32
    %dma_start3A_1105 = tpu.memref_slice %arg2[%add3A_1102, %dma_start3A_1103, %dma_start3A_1104] : memref<768x224x224xf32, #tpu.memory_space<hbm>> -> memref<1x224x224xf32, #tpu.memory_space<hbm>>
    %dma_start3A_1106 = tpu.memref_squeeze %dma_start3A_1105 : memref<1x224x224xf32, #tpu.memory_space<hbm>> -> memref<224x224xf32, #tpu.memory_space<hbm>>
    %dma_start3A_1107 = arith.constant 0 : i32
    %dma_start3A_1108 = arith.constant 0 : i32
    %dma_start3A_1109 = tpu.memref_slice %arg2[%add3A_1102, %dma_start3A_1107, %dma_start3A_1108] : memref<768x224x224xf32, #tpu.memory_space<hbm>> -> memref<1x224x224xf32, #tpu.memory_space<hbm>>
    %dma_start3A_1110 = tpu.memref_squeeze %dma_start3A_1109 : memref<1x224x224xf32, #tpu.memory_space<hbm>> -> memref<224x224xf32, #tpu.memory_space<hbm>>
    tpu.enqueue_dma source(%dma_start3A_1110 : memref<224x224xf32, #tpu.memory_space<hbm>>) target(%arg4 : memref<224x224xf32, #tpu.memory_space<vmem>>) target_semaphore(%arg8 : memref<!tpu.dma_semaphore, #tpu.memory_space<semaphore_mem>>)
    %add3A_1111 = arith.constant 704 : i32
    %add3A_1112 = arith.addi %add3A_1111, %add3A : i32
    %mul3A_1113 = arith.constant 2 : i32
    %mul3A_1114 = arith.muli %mul3A_1113, %add3A_1112 : i32
    %add3A_1115 = arith.constant 1 : i32
    %add3A_1116 = arith.addi %mul3A_1114, %add3A_1115 : i32
    %dma_start3A_1117 = arith.constant 0 : i32
    %dma_start3A_1118 = arith.constant 0 : i32
    %dma_start3A_1119 = tpu.memref_slice %arg3[%add3A_1116, %dma_start3A_1117, %dma_start3A_1118] : memref<1536x224x224xf32, #tpu.memory_space<hbm>> -> memref<1x224x224xf32, #tpu.memory_space<hbm>>
    %dma_start3A_1120 = tpu.memref_squeeze %dma_start3A_1119 : memref<1x224x224xf32, #tpu.memory_space<hbm>> -> memref<224x224xf32, #tpu.memory_space<hbm>>
    %dma_start3A_1121 = arith.constant 0 : i32
    %dma_start3A_1122 = arith.constant 0 : i32
    %dma_start3A_1123 = tpu.memref_slice %arg7[%dma_start3A_1121, %dma_start3A_1122] : memref<256x224xf32, #tpu.memory_space<vmem_shared>> -> memref<224x224xf32, #tpu.memory_space<vmem_shared>>
    tpu.enqueue_dma source(%dma_start3A_1123 : memref<224x224xf32, #tpu.memory_space<vmem_shared>>) target(%dma_start3A_1120 : memref<224x224xf32, #tpu.memory_space<hbm>>) target_semaphore(%arg12 : memref<!tpu.dma_semaphore, #tpu.memory_space<semaphore_mem>>)
    %dma_wait3A_1124 = arith.constant 0 : i32
    %dma_wait3A_1125 = arith.constant 0 : i32
    %dma_wait3A_1126 = tpu.memref_slice %arg2[%add3A_1051, %dma_wait3A_1124, %dma_wait3A_1125] : memref<768x224x224xf32, #tpu.memory_space<hbm>> -> memref<1x224x224xf32, #tpu.memory_space<hbm>>
    %dma_wait3A_1127 = tpu.memref_squeeze %dma_wait3A_1126 : memref<1x224x224xf32, #tpu.memory_space<hbm>> -> memref<224x224xf32, #tpu.memory_space<hbm>>
    %dma_wait3A_1128 = arith.constant 0 : i32
    %dma_wait3A_1129 = arith.constant 0 : i32
    %dma_wait3A_1130 = tpu.memref_slice %arg2[%add3A_1051, %dma_wait3A_1128, %dma_wait3A_1129] : memref<768x224x224xf32, #tpu.memory_space<hbm>> -> memref<1x224x224xf32, #tpu.memory_space<hbm>>
    %dma_wait3A_1131 = tpu.memref_squeeze %dma_wait3A_1130 : memref<1x224x224xf32, #tpu.memory_space<hbm>> -> memref<224x224xf32, #tpu.memory_space<hbm>>
    tpu.wait_dma2 semaphore(%arg9 : memref<!tpu.dma_semaphore, #tpu.memory_space<semaphore_mem>>) src(%dma_wait3A_1131 : memref<224x224xf32, #tpu.memory_space<hbm>>) dst(%arg5 : memref<224x224xf32, #tpu.memory_space<vmem>>)
    %add3A_1132 = arith.constant 672 : i32
    %add3A_1133 = arith.addi %add3A_1132, %add3A : i32
    %mul3A_1134 = arith.constant 2 : i32
    %mul3A_1135 = arith.muli %mul3A_1134, %add3A_1133 : i32
    %dma_start3A_1136 = arith.constant 0 : i32
    %dma_start3A_1137 = arith.constant 0 : i32
    %dma_start3A_1138 = tpu.memref_slice %arg3[%mul3A_1135, %dma_start3A_1136, %dma_start3A_1137] : memref<1536x224x224xf32, #tpu.memory_space<hbm>> -> memref<1x224x224xf32, #tpu.memory_space<hbm>>
    %dma_start3A_1139 = tpu.memref_squeeze %dma_start3A_1138 : memref<1x224x224xf32, #tpu.memory_space<hbm>> -> memref<224x224xf32, #tpu.memory_space<hbm>>
    %dma_start3A_1140 = arith.constant 0 : i32
    %dma_start3A_1141 = arith.constant 0 : i32
    %dma_start3A_1142 = tpu.memref_slice %arg3[%mul3A_1135, %dma_start3A_1140, %dma_start3A_1141] : memref<1536x224x224xf32, #tpu.memory_space<hbm>> -> memref<1x224x224xf32, #tpu.memory_space<hbm>>
    %dma_start3A_1143 = tpu.memref_squeeze %dma_start3A_1142 : memref<1x224x224xf32, #tpu.memory_space<hbm>> -> memref<224x224xf32, #tpu.memory_space<hbm>>
    tpu.enqueue_dma source(%arg5 : memref<224x224xf32, #tpu.memory_space<vmem>>) target(%dma_start3A_1143 : memref<224x224xf32, #tpu.memory_space<hbm>>) target_semaphore(%arg11 : memref<!tpu.dma_semaphore, #tpu.memory_space<semaphore_mem>>)
    %dma_wait3A_1144 = arith.constant 0 : i32
    %dma_wait3A_1145 = arith.constant 0 : i32
    %dma_wait3A_1146 = tpu.memref_slice %arg3[%mul3A_1135, %dma_wait3A_1144, %dma_wait3A_1145] : memref<1536x224x224xf32, #tpu.memory_space<hbm>> -> memref<1x224x224xf32, #tpu.memory_space<hbm>>
    %dma_wait3A_1147 = tpu.memref_squeeze %dma_wait3A_1146 : memref<1x224x224xf32, #tpu.memory_space<hbm>> -> memref<224x224xf32, #tpu.memory_space<hbm>>
    %dma_wait3A_1148 = arith.constant 0 : i32
    %dma_wait3A_1149 = arith.constant 0 : i32
    %dma_wait3A_1150 = tpu.memref_slice %arg3[%mul3A_1135, %dma_wait3A_1148, %dma_wait3A_1149] : memref<1536x224x224xf32, #tpu.memory_space<hbm>> -> memref<1x224x224xf32, #tpu.memory_space<hbm>>
    %dma_wait3A_1151 = tpu.memref_squeeze %dma_wait3A_1150 : memref<1x224x224xf32, #tpu.memory_space<hbm>> -> memref<224x224xf32, #tpu.memory_space<hbm>>
    tpu.wait_dma2 semaphore(%arg11 : memref<!tpu.dma_semaphore, #tpu.memory_space<semaphore_mem>>) src(%arg5 : memref<224x224xf32, #tpu.memory_space<vmem>>) dst(%dma_wait3A_1151 : memref<224x224xf32, #tpu.memory_space<hbm>>)
    %add3A_1152 = arith.constant 736 : i32
    %add3A_1153 = arith.addi %add3A_1152, %add3A : i32
    %dma_start3A_1154 = arith.constant 0 : i32
    %dma_start3A_1155 = arith.constant 0 : i32
    %dma_start3A_1156 = tpu.memref_slice %arg2[%add3A_1153, %dma_start3A_1154, %dma_start3A_1155] : memref<768x224x224xf32, #tpu.memory_space<hbm>> -> memref<1x224x224xf32, #tpu.memory_space<hbm>>
    %dma_start3A_1157 = tpu.memref_squeeze %dma_start3A_1156 : memref<1x224x224xf32, #tpu.memory_space<hbm>> -> memref<224x224xf32, #tpu.memory_space<hbm>>
    %dma_start3A_1158 = arith.constant 0 : i32
    %dma_start3A_1159 = arith.constant 0 : i32
    %dma_start3A_1160 = tpu.memref_slice %arg2[%add3A_1153, %dma_start3A_1158, %dma_start3A_1159] : memref<768x224x224xf32, #tpu.memory_space<hbm>> -> memref<1x224x224xf32, #tpu.memory_space<hbm>>
    %dma_start3A_1161 = tpu.memref_squeeze %dma_start3A_1160 : memref<1x224x224xf32, #tpu.memory_space<hbm>> -> memref<224x224xf32, #tpu.memory_space<hbm>>
    tpu.enqueue_dma source(%dma_start3A_1161 : memref<224x224xf32, #tpu.memory_space<hbm>>) target(%arg5 : memref<224x224xf32, #tpu.memory_space<vmem>>) target_semaphore(%arg9 : memref<!tpu.dma_semaphore, #tpu.memory_space<semaphore_mem>>)
    %add3A_1162 = arith.constant 736 : i32
    %add3A_1163 = arith.addi %add3A_1162, %add3A : i32
    %mul3A_1164 = arith.constant 2 : i32
    %mul3A_1165 = arith.muli %mul3A_1164, %add3A_1163 : i32
    %add3A_1166 = arith.constant 1 : i32
    %add3A_1167 = arith.addi %mul3A_1165, %add3A_1166 : i32
    %dma_start3A_1168 = arith.constant 0 : i32
    %dma_start3A_1169 = arith.constant 0 : i32
    %dma_start3A_1170 = tpu.memref_slice %arg3[%add3A_1167, %dma_start3A_1168, %dma_start3A_1169] : memref<1536x224x224xf32, #tpu.memory_space<hbm>> -> memref<1x224x224xf32, #tpu.memory_space<hbm>>
    %dma_start3A_1171 = tpu.memref_squeeze %dma_start3A_1170 : memref<1x224x224xf32, #tpu.memory_space<hbm>> -> memref<224x224xf32, #tpu.memory_space<hbm>>
    %dma_start3A_1172 = arith.constant 0 : i32
    %dma_start3A_1173 = arith.constant 0 : i32
    %dma_start3A_1174 = tpu.memref_slice %arg7[%dma_start3A_1172, %dma_start3A_1173] : memref<256x224xf32, #tpu.memory_space<vmem_shared>> -> memref<224x224xf32, #tpu.memory_space<vmem_shared>>
    tpu.enqueue_dma source(%dma_start3A_1174 : memref<224x224xf32, #tpu.memory_space<vmem_shared>>) target(%dma_start3A_1171 : memref<224x224xf32, #tpu.memory_space<hbm>>) target_semaphore(%arg12 : memref<!tpu.dma_semaphore, #tpu.memory_space<semaphore_mem>>)
    %dma_wait3A_1175 = arith.constant 0 : i32
    %dma_wait3A_1176 = arith.constant 0 : i32
    %dma_wait3A_1177 = tpu.memref_slice %arg2[%add3A_1102, %dma_wait3A_1175, %dma_wait3A_1176] : memref<768x224x224xf32, #tpu.memory_space<hbm>> -> memref<1x224x224xf32, #tpu.memory_space<hbm>>
    %dma_wait3A_1178 = tpu.memref_squeeze %dma_wait3A_1177 : memref<1x224x224xf32, #tpu.memory_space<hbm>> -> memref<224x224xf32, #tpu.memory_space<hbm>>
    %dma_wait3A_1179 = arith.constant 0 : i32
    %dma_wait3A_1180 = arith.constant 0 : i32
    %dma_wait3A_1181 = tpu.memref_slice %arg2[%add3A_1102, %dma_wait3A_1179, %dma_wait3A_1180] : memref<768x224x224xf32, #tpu.memory_space<hbm>> -> memref<1x224x224xf32, #tpu.memory_space<hbm>>
    %dma_wait3A_1182 = tpu.memref_squeeze %dma_wait3A_1181 : memref<1x224x224xf32, #tpu.memory_space<hbm>> -> memref<224x224xf32, #tpu.memory_space<hbm>>
    tpu.wait_dma2 semaphore(%arg8 : memref<!tpu.dma_semaphore, #tpu.memory_space<semaphore_mem>>) src(%dma_wait3A_1182 : memref<224x224xf32, #tpu.memory_space<hbm>>) dst(%arg4 : memref<224x224xf32, #tpu.memory_space<vmem>>)
    %add3A_1183 = arith.constant 704 : i32
    %add3A_1184 = arith.addi %add3A_1183, %add3A : i32
    %mul3A_1185 = arith.constant 2 : i32
    %mul3A_1186 = arith.muli %mul3A_1185, %add3A_1184 : i32
    %dma_start3A_1187 = arith.constant 0 : i32
    %dma_start3A_1188 = arith.constant 0 : i32
    %dma_start3A_1189 = tpu.memref_slice %arg3[%mul3A_1186, %dma_start3A_1187, %dma_start3A_1188] : memref<1536x224x224xf32, #tpu.memory_space<hbm>> -> memref<1x224x224xf32, #tpu.memory_space<hbm>>
    %dma_start3A_1190 = tpu.memref_squeeze %dma_start3A_1189 : memref<1x224x224xf32, #tpu.memory_space<hbm>> -> memref<224x224xf32, #tpu.memory_space<hbm>>
    %dma_start3A_1191 = arith.constant 0 : i32
    %dma_start3A_1192 = arith.constant 0 : i32
    %dma_start3A_1193 = tpu.memref_slice %arg3[%mul3A_1186, %dma_start3A_1191, %dma_start3A_1192] : memref<1536x224x224xf32, #tpu.memory_space<hbm>> -> memref<1x224x224xf32, #tpu.memory_space<hbm>>
    %dma_start3A_1194 = tpu.memref_squeeze %dma_start3A_1193 : memref<1x224x224xf32, #tpu.memory_space<hbm>> -> memref<224x224xf32, #tpu.memory_space<hbm>>
    tpu.enqueue_dma source(%arg4 : memref<224x224xf32, #tpu.memory_space<vmem>>) target(%dma_start3A_1194 : memref<224x224xf32, #tpu.memory_space<hbm>>) target_semaphore(%arg10 : memref<!tpu.dma_semaphore, #tpu.memory_space<semaphore_mem>>)
    %dma_wait3A_1195 = arith.constant 0 : i32
    %dma_wait3A_1196 = arith.constant 0 : i32
    %dma_wait3A_1197 = tpu.memref_slice %arg2[%add3A_1153, %dma_wait3A_1195, %dma_wait3A_1196] : memref<768x224x224xf32, #tpu.memory_space<hbm>> -> memref<1x224x224xf32, #tpu.memory_space<hbm>>
    %dma_wait3A_1198 = tpu.memref_squeeze %dma_wait3A_1197 : memref<1x224x224xf32, #tpu.memory_space<hbm>> -> memref<224x224xf32, #tpu.memory_space<hbm>>
    %dma_wait3A_1199 = arith.constant 0 : i32
    %dma_wait3A_1200 = arith.constant 0 : i32
    %dma_wait3A_1201 = tpu.memref_slice %arg2[%add3A_1153, %dma_wait3A_1199, %dma_wait3A_1200] : memref<768x224x224xf32, #tpu.memory_space<hbm>> -> memref<1x224x224xf32, #tpu.memory_space<hbm>>
    %dma_wait3A_1202 = tpu.memref_squeeze %dma_wait3A_1201 : memref<1x224x224xf32, #tpu.memory_space<hbm>> -> memref<224x224xf32, #tpu.memory_space<hbm>>
    tpu.wait_dma2 semaphore(%arg9 : memref<!tpu.dma_semaphore, #tpu.memory_space<semaphore_mem>>) src(%dma_wait3A_1202 : memref<224x224xf32, #tpu.memory_space<hbm>>) dst(%arg5 : memref<224x224xf32, #tpu.memory_space<vmem>>)
    %add3A_1203 = arith.constant 736 : i32
    %add3A_1204 = arith.addi %add3A_1203, %add3A : i32
    %mul3A_1205 = arith.constant 2 : i32
    %mul3A_1206 = arith.muli %mul3A_1205, %add3A_1204 : i32
    %dma_start3A_1207 = arith.constant 0 : i32
    %dma_start3A_1208 = arith.constant 0 : i32
    %dma_start3A_1209 = tpu.memref_slice %arg3[%mul3A_1206, %dma_start3A_1207, %dma_start3A_1208] : memref<1536x224x224xf32, #tpu.memory_space<hbm>> -> memref<1x224x224xf32, #tpu.memory_space<hbm>>
    %dma_start3A_1210 = tpu.memref_squeeze %dma_start3A_1209 : memref<1x224x224xf32, #tpu.memory_space<hbm>> -> memref<224x224xf32, #tpu.memory_space<hbm>>
    %dma_start3A_1211 = arith.constant 0 : i32
    %dma_start3A_1212 = arith.constant 0 : i32
    %dma_start3A_1213 = tpu.memref_slice %arg3[%mul3A_1206, %dma_start3A_1211, %dma_start3A_1212] : memref<1536x224x224xf32, #tpu.memory_space<hbm>> -> memref<1x224x224xf32, #tpu.memory_space<hbm>>
    %dma_start3A_1214 = tpu.memref_squeeze %dma_start3A_1213 : memref<1x224x224xf32, #tpu.memory_space<hbm>> -> memref<224x224xf32, #tpu.memory_space<hbm>>
    tpu.enqueue_dma source(%arg5 : memref<224x224xf32, #tpu.memory_space<vmem>>) target(%dma_start3A_1214 : memref<224x224xf32, #tpu.memory_space<hbm>>) target_semaphore(%arg11 : memref<!tpu.dma_semaphore, #tpu.memory_space<semaphore_mem>>)
    %dma_wait3A_1215 = arith.constant 0 : i32
    %dma_wait3A_1216 = arith.constant 0 : i32
    %dma_wait3A_1217 = tpu.memref_slice %arg3[%mul3A_1186, %dma_wait3A_1215, %dma_wait3A_1216] : memref<1536x224x224xf32, #tpu.memory_space<hbm>> -> memref<1x224x224xf32, #tpu.memory_space<hbm>>
    %dma_wait3A_1218 = tpu.memref_squeeze %dma_wait3A_1217 : memref<1x224x224xf32, #tpu.memory_space<hbm>> -> memref<224x224xf32, #tpu.memory_space<hbm>>
    %dma_wait3A_1219 = arith.constant 0 : i32
    %dma_wait3A_1220 = arith.constant 0 : i32
    %dma_wait3A_1221 = tpu.memref_slice %arg3[%mul3A_1186, %dma_wait3A_1219, %dma_wait3A_1220] : memref<1536x224x224xf32, #tpu.memory_space<hbm>> -> memref<1x224x224xf32, #tpu.memory_space<hbm>>
    %dma_wait3A_1222 = tpu.memref_squeeze %dma_wait3A_1221 : memref<1x224x224xf32, #tpu.memory_space<hbm>> -> memref<224x224xf32, #tpu.memory_space<hbm>>
    tpu.wait_dma2 semaphore(%arg10 : memref<!tpu.dma_semaphore, #tpu.memory_space<semaphore_mem>>) src(%arg4 : memref<224x224xf32, #tpu.memory_space<vmem>>) dst(%dma_wait3A_1222 : memref<224x224xf32, #tpu.memory_space<hbm>>)
    %dma_wait3A_1223 = arith.constant 0 : i32
    %dma_wait3A_1224 = arith.constant 0 : i32
    %dma_wait3A_1225 = tpu.memref_slice %arg3[%mul3A_1206, %dma_wait3A_1223, %dma_wait3A_1224] : memref<1536x224x224xf32, #tpu.memory_space<hbm>> -> memref<1x224x224xf32, #tpu.memory_space<hbm>>
    %dma_wait3A_1226 = tpu.memref_squeeze %dma_wait3A_1225 : memref<1x224x224xf32, #tpu.memory_space<hbm>> -> memref<224x224xf32, #tpu.memory_space<hbm>>
    %dma_wait3A_1227 = arith.constant 0 : i32
    %dma_wait3A_1228 = arith.constant 0 : i32
    %dma_wait3A_1229 = tpu.memref_slice %arg3[%mul3A_1206, %dma_wait3A_1227, %dma_wait3A_1228] : memref<1536x224x224xf32, #tpu.memory_space<hbm>> -> memref<1x224x224xf32, #tpu.memory_space<hbm>>
    %dma_wait3A_1230 = tpu.memref_squeeze %dma_wait3A_1229 : memref<1x224x224xf32, #tpu.memory_space<hbm>> -> memref<224x224xf32, #tpu.memory_space<hbm>>
    tpu.wait_dma2 semaphore(%arg11 : memref<!tpu.dma_semaphore, #tpu.memory_space<semaphore_mem>>) src(%arg5 : memref<224x224xf32, #tpu.memory_space<vmem>>) dst(%dma_wait3A_1230 : memref<224x224xf32, #tpu.memory_space<hbm>>)
    %dma_wait3A_1231 = arith.constant 0 : i32
    %dma_wait3A_1232 = arith.constant 0 : i32
    %dma_wait3A_1233 = tpu.memref_slice %arg3[%add3A_33, %dma_wait3A_1231, %dma_wait3A_1232] : memref<1536x224x224xf32, #tpu.memory_space<hbm>> -> memref<1x224x224xf32, #tpu.memory_space<hbm>>
    %dma_wait3A_1234 = tpu.memref_squeeze %dma_wait3A_1233 : memref<1x224x224xf32, #tpu.memory_space<hbm>> -> memref<224x224xf32, #tpu.memory_space<hbm>>
    %dma_wait3A_1235 = arith.constant 0 : i32
    %dma_wait3A_1236 = arith.constant 0 : i32
    %dma_wait3A_1237 = tpu.memref_slice %arg7[%dma_wait3A_1235, %dma_wait3A_1236] : memref<256x224xf32, #tpu.memory_space<vmem_shared>> -> memref<224x224xf32, #tpu.memory_space<vmem_shared>>
    tpu.wait_dma2 semaphore(%arg12 : memref<!tpu.dma_semaphore, #tpu.memory_space<semaphore_mem>>) src(%dma_wait3A_1237 : memref<224x224xf32, #tpu.memory_space<vmem_shared>>) dst(%dma_wait3A_1234 : memref<224x224xf32, #tpu.memory_space<hbm>>)
    %dma_wait3A_1238 = arith.constant 0 : i32
    %dma_wait3A_1239 = arith.constant 0 : i32
    %dma_wait3A_1240 = tpu.memref_slice %arg3[%add3A_46, %dma_wait3A_1238, %dma_wait3A_1239] : memref<1536x224x224xf32, #tpu.memory_space<hbm>> -> memref<1x224x224xf32, #tpu.memory_space<hbm>>
    %dma_wait3A_1241 = tpu.memref_squeeze %dma_wait3A_1240 : memref<1x224x224xf32, #tpu.memory_space<hbm>> -> memref<224x224xf32, #tpu.memory_space<hbm>>
    %dma_wait3A_1242 = arith.constant 0 : i32
    %dma_wait3A_1243 = arith.constant 0 : i32
    %dma_wait3A_1244 = tpu.memref_slice %arg7[%dma_wait3A_1242, %dma_wait3A_1243] : memref<256x224xf32, #tpu.memory_space<vmem_shared>> -> memref<224x224xf32, #tpu.memory_space<vmem_shared>>
    tpu.wait_dma2 semaphore(%arg12 : memref<!tpu.dma_semaphore, #tpu.memory_space<semaphore_mem>>) src(%dma_wait3A_1244 : memref<224x224xf32, #tpu.memory_space<vmem_shared>>) dst(%dma_wait3A_1241 : memref<224x224xf32, #tpu.memory_space<hbm>>)
    %dma_wait3A_1245 = arith.constant 0 : i32
    %dma_wait3A_1246 = arith.constant 0 : i32
    %dma_wait3A_1247 = tpu.memref_slice %arg3[%add3A_96, %dma_wait3A_1245, %dma_wait3A_1246] : memref<1536x224x224xf32, #tpu.memory_space<hbm>> -> memref<1x224x224xf32, #tpu.memory_space<hbm>>
    %dma_wait3A_1248 = tpu.memref_squeeze %dma_wait3A_1247 : memref<1x224x224xf32, #tpu.memory_space<hbm>> -> memref<224x224xf32, #tpu.memory_space<hbm>>
    %dma_wait3A_1249 = arith.constant 0 : i32
    %dma_wait3A_1250 = arith.constant 0 : i32
    %dma_wait3A_1251 = tpu.memref_slice %arg7[%dma_wait3A_1249, %dma_wait3A_1250] : memref<256x224xf32, #tpu.memory_space<vmem_shared>> -> memref<224x224xf32, #tpu.memory_space<vmem_shared>>
    tpu.wait_dma2 semaphore(%arg12 : memref<!tpu.dma_semaphore, #tpu.memory_space<semaphore_mem>>) src(%dma_wait3A_1251 : memref<224x224xf32, #tpu.memory_space<vmem_shared>>) dst(%dma_wait3A_1248 : memref<224x224xf32, #tpu.memory_space<hbm>>)
    %dma_wait3A_1252 = arith.constant 0 : i32
    %dma_wait3A_1253 = arith.constant 0 : i32
    %dma_wait3A_1254 = tpu.memref_slice %arg3[%add3A_147, %dma_wait3A_1252, %dma_wait3A_1253] : memref<1536x224x224xf32, #tpu.memory_space<hbm>> -> memref<1x224x224xf32, #tpu.memory_space<hbm>>
    %dma_wait3A_1255 = tpu.memref_squeeze %dma_wait3A_1254 : memref<1x224x224xf32, #tpu.memory_space<hbm>> -> memref<224x224xf32, #tpu.memory_space<hbm>>
    %dma_wait3A_1256 = arith.constant 0 : i32
    %dma_wait3A_1257 = arith.constant 0 : i32
    %dma_wait3A_1258 = tpu.memref_slice %arg7[%dma_wait3A_1256, %dma_wait3A_1257] : memref<256x224xf32, #tpu.memory_space<vmem_shared>> -> memref<224x224xf32, #tpu.memory_space<vmem_shared>>
    tpu.wait_dma2 semaphore(%arg12 : memref<!tpu.dma_semaphore, #tpu.memory_space<semaphore_mem>>) src(%dma_wait3A_1258 : memref<224x224xf32, #tpu.memory_space<vmem_shared>>) dst(%dma_wait3A_1255 : memref<224x224xf32, #tpu.memory_space<hbm>>)
    %dma_wait3A_1259 = arith.constant 0 : i32
    %dma_wait3A_1260 = arith.constant 0 : i32
    %dma_wait3A_1261 = tpu.memref_slice %arg3[%add3A_198, %dma_wait3A_1259, %dma_wait3A_1260] : memref<1536x224x224xf32, #tpu.memory_space<hbm>> -> memref<1x224x224xf32, #tpu.memory_space<hbm>>
    %dma_wait3A_1262 = tpu.memref_squeeze %dma_wait3A_1261 : memref<1x224x224xf32, #tpu.memory_space<hbm>> -> memref<224x224xf32, #tpu.memory_space<hbm>>
    %dma_wait3A_1263 = arith.constant 0 : i32
    %dma_wait3A_1264 = arith.constant 0 : i32
    %dma_wait3A_1265 = tpu.memref_slice %arg7[%dma_wait3A_1263, %dma_wait3A_1264] : memref<256x224xf32, #tpu.memory_space<vmem_shared>> -> memref<224x224xf32, #tpu.memory_space<vmem_shared>>
    tpu.wait_dma2 semaphore(%arg12 : memref<!tpu.dma_semaphore, #tpu.memory_space<semaphore_mem>>) src(%dma_wait3A_1265 : memref<224x224xf32, #tpu.memory_space<vmem_shared>>) dst(%dma_wait3A_1262 : memref<224x224xf32, #tpu.memory_space<hbm>>)
    %dma_wait3A_1266 = arith.constant 0 : i32
    %dma_wait3A_1267 = arith.constant 0 : i32
    %dma_wait3A_1268 = tpu.memref_slice %arg3[%add3A_249, %dma_wait3A_1266, %dma_wait3A_1267] : memref<1536x224x224xf32, #tpu.memory_space<hbm>> -> memref<1x224x224xf32, #tpu.memory_space<hbm>>
    %dma_wait3A_1269 = tpu.memref_squeeze %dma_wait3A_1268 : memref<1x224x224xf32, #tpu.memory_space<hbm>> -> memref<224x224xf32, #tpu.memory_space<hbm>>
    %dma_wait3A_1270 = arith.constant 0 : i32
    %dma_wait3A_1271 = arith.constant 0 : i32
    %dma_wait3A_1272 = tpu.memref_slice %arg7[%dma_wait3A_1270, %dma_wait3A_1271] : memref<256x224xf32, #tpu.memory_space<vmem_shared>> -> memref<224x224xf32, #tpu.memory_space<vmem_shared>>
    tpu.wait_dma2 semaphore(%arg12 : memref<!tpu.dma_semaphore, #tpu.memory_space<semaphore_mem>>) src(%dma_wait3A_1272 : memref<224x224xf32, #tpu.memory_space<vmem_shared>>) dst(%dma_wait3A_1269 : memref<224x224xf32, #tpu.memory_space<hbm>>)
    %dma_wait3A_1273 = arith.constant 0 : i32
    %dma_wait3A_1274 = arith.constant 0 : i32
    %dma_wait3A_1275 = tpu.memref_slice %arg3[%add3A_300, %dma_wait3A_1273, %dma_wait3A_1274] : memref<1536x224x224xf32, #tpu.memory_space<hbm>> -> memref<1x224x224xf32, #tpu.memory_space<hbm>>
    %dma_wait3A_1276 = tpu.memref_squeeze %dma_wait3A_1275 : memref<1x224x224xf32, #tpu.memory_space<hbm>> -> memref<224x224xf32, #tpu.memory_space<hbm>>
    %dma_wait3A_1277 = arith.constant 0 : i32
    %dma_wait3A_1278 = arith.constant 0 : i32
    %dma_wait3A_1279 = tpu.memref_slice %arg7[%dma_wait3A_1277, %dma_wait3A_1278] : memref<256x224xf32, #tpu.memory_space<vmem_shared>> -> memref<224x224xf32, #tpu.memory_space<vmem_shared>>
    tpu.wait_dma2 semaphore(%arg12 : memref<!tpu.dma_semaphore, #tpu.memory_space<semaphore_mem>>) src(%dma_wait3A_1279 : memref<224x224xf32, #tpu.memory_space<vmem_shared>>) dst(%dma_wait3A_1276 : memref<224x224xf32, #tpu.memory_space<hbm>>)
    %dma_wait3A_1280 = arith.constant 0 : i32
    %dma_wait3A_1281 = arith.constant 0 : i32
    %dma_wait3A_1282 = tpu.memref_slice %arg3[%add3A_351, %dma_wait3A_1280, %dma_wait3A_1281] : memref<1536x224x224xf32, #tpu.memory_space<hbm>> -> memref<1x224x224xf32, #tpu.memory_space<hbm>>
    %dma_wait3A_1283 = tpu.memref_squeeze %dma_wait3A_1282 : memref<1x224x224xf32, #tpu.memory_space<hbm>> -> memref<224x224xf32, #tpu.memory_space<hbm>>
    %dma_wait3A_1284 = arith.constant 0 : i32
    %dma_wait3A_1285 = arith.constant 0 : i32
    %dma_wait3A_1286 = tpu.memref_slice %arg7[%dma_wait3A_1284, %dma_wait3A_1285] : memref<256x224xf32, #tpu.memory_space<vmem_shared>> -> memref<224x224xf32, #tpu.memory_space<vmem_shared>>
    tpu.wait_dma2 semaphore(%arg12 : memref<!tpu.dma_semaphore, #tpu.memory_space<semaphore_mem>>) src(%dma_wait3A_1286 : memref<224x224xf32, #tpu.memory_space<vmem_shared>>) dst(%dma_wait3A_1283 : memref<224x224xf32, #tpu.memory_space<hbm>>)
    %dma_wait3A_1287 = arith.constant 0 : i32
    %dma_wait3A_1288 = arith.constant 0 : i32
    %dma_wait3A_1289 = tpu.memref_slice %arg3[%add3A_402, %dma_wait3A_1287, %dma_wait3A_1288] : memref<1536x224x224xf32, #tpu.memory_space<hbm>> -> memref<1x224x224xf32, #tpu.memory_space<hbm>>
    %dma_wait3A_1290 = tpu.memref_squeeze %dma_wait3A_1289 : memref<1x224x224xf32, #tpu.memory_space<hbm>> -> memref<224x224xf32, #tpu.memory_space<hbm>>
    %dma_wait3A_1291 = arith.constant 0 : i32
    %dma_wait3A_1292 = arith.constant 0 : i32
    %dma_wait3A_1293 = tpu.memref_slice %arg7[%dma_wait3A_1291, %dma_wait3A_1292] : memref<256x224xf32, #tpu.memory_space<vmem_shared>> -> memref<224x224xf32, #tpu.memory_space<vmem_shared>>
    tpu.wait_dma2 semaphore(%arg12 : memref<!tpu.dma_semaphore, #tpu.memory_space<semaphore_mem>>) src(%dma_wait3A_1293 : memref<224x224xf32, #tpu.memory_space<vmem_shared>>) dst(%dma_wait3A_1290 : memref<224x224xf32, #tpu.memory_space<hbm>>)
    %dma_wait3A_1294 = arith.constant 0 : i32
    %dma_wait3A_1295 = arith.constant 0 : i32
    %dma_wait3A_1296 = tpu.memref_slice %arg3[%add3A_453, %dma_wait3A_1294, %dma_wait3A_1295] : memref<1536x224x224xf32, #tpu.memory_space<hbm>> -> memref<1x224x224xf32, #tpu.memory_space<hbm>>
    %dma_wait3A_1297 = tpu.memref_squeeze %dma_wait3A_1296 : memref<1x224x224xf32, #tpu.memory_space<hbm>> -> memref<224x224xf32, #tpu.memory_space<hbm>>
    %dma_wait3A_1298 = arith.constant 0 : i32
    %dma_wait3A_1299 = arith.constant 0 : i32
    %dma_wait3A_1300 = tpu.memref_slice %arg7[%dma_wait3A_1298, %dma_wait3A_1299] : memref<256x224xf32, #tpu.memory_space<vmem_shared>> -> memref<224x224xf32, #tpu.memory_space<vmem_shared>>
    tpu.wait_dma2 semaphore(%arg12 : memref<!tpu.dma_semaphore, #tpu.memory_space<semaphore_mem>>) src(%dma_wait3A_1300 : memref<224x224xf32, #tpu.memory_space<vmem_shared>>) dst(%dma_wait3A_1297 : memref<224x224xf32, #tpu.memory_space<hbm>>)
    %dma_wait3A_1301 = arith.constant 0 : i32
    %dma_wait3A_1302 = arith.constant 0 : i32
    %dma_wait3A_1303 = tpu.memref_slice %arg3[%add3A_504, %dma_wait3A_1301, %dma_wait3A_1302] : memref<1536x224x224xf32, #tpu.memory_space<hbm>> -> memref<1x224x224xf32, #tpu.memory_space<hbm>>
    %dma_wait3A_1304 = tpu.memref_squeeze %dma_wait3A_1303 : memref<1x224x224xf32, #tpu.memory_space<hbm>> -> memref<224x224xf32, #tpu.memory_space<hbm>>
    %dma_wait3A_1305 = arith.constant 0 : i32
    %dma_wait3A_1306 = arith.constant 0 : i32
    %dma_wait3A_1307 = tpu.memref_slice %arg7[%dma_wait3A_1305, %dma_wait3A_1306] : memref<256x224xf32, #tpu.memory_space<vmem_shared>> -> memref<224x224xf32, #tpu.memory_space<vmem_shared>>
    tpu.wait_dma2 semaphore(%arg12 : memref<!tpu.dma_semaphore, #tpu.memory_space<semaphore_mem>>) src(%dma_wait3A_1307 : memref<224x224xf32, #tpu.memory_space<vmem_shared>>) dst(%dma_wait3A_1304 : memref<224x224xf32, #tpu.memory_space<hbm>>)
    %dma_wait3A_1308 = arith.constant 0 : i32
    %dma_wait3A_1309 = arith.constant 0 : i32
    %dma_wait3A_1310 = tpu.memref_slice %arg3[%add3A_555, %dma_wait3A_1308, %dma_wait3A_1309] : memref<1536x224x224xf32, #tpu.memory_space<hbm>> -> memref<1x224x224xf32, #tpu.memory_space<hbm>>
    %dma_wait3A_1311 = tpu.memref_squeeze %dma_wait3A_1310 : memref<1x224x224xf32, #tpu.memory_space<hbm>> -> memref<224x224xf32, #tpu.memory_space<hbm>>
    %dma_wait3A_1312 = arith.constant 0 : i32
    %dma_wait3A_1313 = arith.constant 0 : i32
    %dma_wait3A_1314 = tpu.memref_slice %arg7[%dma_wait3A_1312, %dma_wait3A_1313] : memref<256x224xf32, #tpu.memory_space<vmem_shared>> -> memref<224x224xf32, #tpu.memory_space<vmem_shared>>
    tpu.wait_dma2 semaphore(%arg12 : memref<!tpu.dma_semaphore, #tpu.memory_space<semaphore_mem>>) src(%dma_wait3A_1314 : memref<224x224xf32, #tpu.memory_space<vmem_shared>>) dst(%dma_wait3A_1311 : memref<224x224xf32, #tpu.memory_space<hbm>>)
    %dma_wait3A_1315 = arith.constant 0 : i32
    %dma_wait3A_1316 = arith.constant 0 : i32
    %dma_wait3A_1317 = tpu.memref_slice %arg3[%add3A_606, %dma_wait3A_1315, %dma_wait3A_1316] : memref<1536x224x224xf32, #tpu.memory_space<hbm>> -> memref<1x224x224xf32, #tpu.memory_space<hbm>>
    %dma_wait3A_1318 = tpu.memref_squeeze %dma_wait3A_1317 : memref<1x224x224xf32, #tpu.memory_space<hbm>> -> memref<224x224xf32, #tpu.memory_space<hbm>>
    %dma_wait3A_1319 = arith.constant 0 : i32
    %dma_wait3A_1320 = arith.constant 0 : i32
    %dma_wait3A_1321 = tpu.memref_slice %arg7[%dma_wait3A_1319, %dma_wait3A_1320] : memref<256x224xf32, #tpu.memory_space<vmem_shared>> -> memref<224x224xf32, #tpu.memory_space<vmem_shared>>
    tpu.wait_dma2 semaphore(%arg12 : memref<!tpu.dma_semaphore, #tpu.memory_space<semaphore_mem>>) src(%dma_wait3A_1321 : memref<224x224xf32, #tpu.memory_space<vmem_shared>>) dst(%dma_wait3A_1318 : memref<224x224xf32, #tpu.memory_space<hbm>>)
    %dma_wait3A_1322 = arith.constant 0 : i32
    %dma_wait3A_1323 = arith.constant 0 : i32
    %dma_wait3A_1324 = tpu.memref_slice %arg3[%add3A_657, %dma_wait3A_1322, %dma_wait3A_1323] : memref<1536x224x224xf32, #tpu.memory_space<hbm>> -> memref<1x224x224xf32, #tpu.memory_space<hbm>>
    %dma_wait3A_1325 = tpu.memref_squeeze %dma_wait3A_1324 : memref<1x224x224xf32, #tpu.memory_space<hbm>> -> memref<224x224xf32, #tpu.memory_space<hbm>>
    %dma_wait3A_1326 = arith.constant 0 : i32
    %dma_wait3A_1327 = arith.constant 0 : i32
    %dma_wait3A_1328 = tpu.memref_slice %arg7[%dma_wait3A_1326, %dma_wait3A_1327] : memref<256x224xf32, #tpu.memory_space<vmem_shared>> -> memref<224x224xf32, #tpu.memory_space<vmem_shared>>
    tpu.wait_dma2 semaphore(%arg12 : memref<!tpu.dma_semaphore, #tpu.memory_space<semaphore_mem>>) src(%dma_wait3A_1328 : memref<224x224xf32, #tpu.memory_space<vmem_shared>>) dst(%dma_wait3A_1325 : memref<224x224xf32, #tpu.memory_space<hbm>>)
    %dma_wait3A_1329 = arith.constant 0 : i32
    %dma_wait3A_1330 = arith.constant 0 : i32
    %dma_wait3A_1331 = tpu.memref_slice %arg3[%add3A_708, %dma_wait3A_1329, %dma_wait3A_1330] : memref<1536x224x224xf32, #tpu.memory_space<hbm>> -> memref<1x224x224xf32, #tpu.memory_space<hbm>>
    %dma_wait3A_1332 = tpu.memref_squeeze %dma_wait3A_1331 : memref<1x224x224xf32, #tpu.memory_space<hbm>> -> memref<224x224xf32, #tpu.memory_space<hbm>>
    %dma_wait3A_1333 = arith.constant 0 : i32
    %dma_wait3A_1334 = arith.constant 0 : i32
    %dma_wait3A_1335 = tpu.memref_slice %arg7[%dma_wait3A_1333, %dma_wait3A_1334] : memref<256x224xf32, #tpu.memory_space<vmem_shared>> -> memref<224x224xf32, #tpu.memory_space<vmem_shared>>
    tpu.wait_dma2 semaphore(%arg12 : memref<!tpu.dma_semaphore, #tpu.memory_space<semaphore_mem>>) src(%dma_wait3A_1335 : memref<224x224xf32, #tpu.memory_space<vmem_shared>>) dst(%dma_wait3A_1332 : memref<224x224xf32, #tpu.memory_space<hbm>>)
    %dma_wait3A_1336 = arith.constant 0 : i32
    %dma_wait3A_1337 = arith.constant 0 : i32
    %dma_wait3A_1338 = tpu.memref_slice %arg3[%add3A_759, %dma_wait3A_1336, %dma_wait3A_1337] : memref<1536x224x224xf32, #tpu.memory_space<hbm>> -> memref<1x224x224xf32, #tpu.memory_space<hbm>>
    %dma_wait3A_1339 = tpu.memref_squeeze %dma_wait3A_1338 : memref<1x224x224xf32, #tpu.memory_space<hbm>> -> memref<224x224xf32, #tpu.memory_space<hbm>>
    %dma_wait3A_1340 = arith.constant 0 : i32
    %dma_wait3A_1341 = arith.constant 0 : i32
    %dma_wait3A_1342 = tpu.memref_slice %arg7[%dma_wait3A_1340, %dma_wait3A_1341] : memref<256x224xf32, #tpu.memory_space<vmem_shared>> -> memref<224x224xf32, #tpu.memory_space<vmem_shared>>
    tpu.wait_dma2 semaphore(%arg12 : memref<!tpu.dma_semaphore, #tpu.memory_space<semaphore_mem>>) src(%dma_wait3A_1342 : memref<224x224xf32, #tpu.memory_space<vmem_shared>>) dst(%dma_wait3A_1339 : memref<224x224xf32, #tpu.memory_space<hbm>>)
    %dma_wait3A_1343 = arith.constant 0 : i32
    %dma_wait3A_1344 = arith.constant 0 : i32
    %dma_wait3A_1345 = tpu.memref_slice %arg3[%add3A_810, %dma_wait3A_1343, %dma_wait3A_1344] : memref<1536x224x224xf32, #tpu.memory_space<hbm>> -> memref<1x224x224xf32, #tpu.memory_space<hbm>>
    %dma_wait3A_1346 = tpu.memref_squeeze %dma_wait3A_1345 : memref<1x224x224xf32, #tpu.memory_space<hbm>> -> memref<224x224xf32, #tpu.memory_space<hbm>>
    %dma_wait3A_1347 = arith.constant 0 : i32
    %dma_wait3A_1348 = arith.constant 0 : i32
    %dma_wait3A_1349 = tpu.memref_slice %arg7[%dma_wait3A_1347, %dma_wait3A_1348] : memref<256x224xf32, #tpu.memory_space<vmem_shared>> -> memref<224x224xf32, #tpu.memory_space<vmem_shared>>
    tpu.wait_dma2 semaphore(%arg12 : memref<!tpu.dma_semaphore, #tpu.memory_space<semaphore_mem>>) src(%dma_wait3A_1349 : memref<224x224xf32, #tpu.memory_space<vmem_shared>>) dst(%dma_wait3A_1346 : memref<224x224xf32, #tpu.memory_space<hbm>>)
    %dma_wait3A_1350 = arith.constant 0 : i32
    %dma_wait3A_1351 = arith.constant 0 : i32
    %dma_wait3A_1352 = tpu.memref_slice %arg3[%add3A_861, %dma_wait3A_1350, %dma_wait3A_1351] : memref<1536x224x224xf32, #tpu.memory_space<hbm>> -> memref<1x224x224xf32, #tpu.memory_space<hbm>>
    %dma_wait3A_1353 = tpu.memref_squeeze %dma_wait3A_1352 : memref<1x224x224xf32, #tpu.memory_space<hbm>> -> memref<224x224xf32, #tpu.memory_space<hbm>>
    %dma_wait3A_1354 = arith.constant 0 : i32
    %dma_wait3A_1355 = arith.constant 0 : i32
    %dma_wait3A_1356 = tpu.memref_slice %arg7[%dma_wait3A_1354, %dma_wait3A_1355] : memref<256x224xf32, #tpu.memory_space<vmem_shared>> -> memref<224x224xf32, #tpu.memory_space<vmem_shared>>
    tpu.wait_dma2 semaphore(%arg12 : memref<!tpu.dma_semaphore, #tpu.memory_space<semaphore_mem>>) src(%dma_wait3A_1356 : memref<224x224xf32, #tpu.memory_space<vmem_shared>>) dst(%dma_wait3A_1353 : memref<224x224xf32, #tpu.memory_space<hbm>>)
    %dma_wait3A_1357 = arith.constant 0 : i32
    %dma_wait3A_1358 = arith.constant 0 : i32
    %dma_wait3A_1359 = tpu.memref_slice %arg3[%add3A_912, %dma_wait3A_1357, %dma_wait3A_1358] : memref<1536x224x224xf32, #tpu.memory_space<hbm>> -> memref<1x224x224xf32, #tpu.memory_space<hbm>>
    %dma_wait3A_1360 = tpu.memref_squeeze %dma_wait3A_1359 : memref<1x224x224xf32, #tpu.memory_space<hbm>> -> memref<224x224xf32, #tpu.memory_space<hbm>>
    %dma_wait3A_1361 = arith.constant 0 : i32
    %dma_wait3A_1362 = arith.constant 0 : i32
    %dma_wait3A_1363 = tpu.memref_slice %arg7[%dma_wait3A_1361, %dma_wait3A_1362] : memref<256x224xf32, #tpu.memory_space<vmem_shared>> -> memref<224x224xf32, #tpu.memory_space<vmem_shared>>
    tpu.wait_dma2 semaphore(%arg12 : memref<!tpu.dma_semaphore, #tpu.memory_space<semaphore_mem>>) src(%dma_wait3A_1363 : memref<224x224xf32, #tpu.memory_space<vmem_shared>>) dst(%dma_wait3A_1360 : memref<224x224xf32, #tpu.memory_space<hbm>>)
    %dma_wait3A_1364 = arith.constant 0 : i32
    %dma_wait3A_1365 = arith.constant 0 : i32
    %dma_wait3A_1366 = tpu.memref_slice %arg3[%add3A_963, %dma_wait3A_1364, %dma_wait3A_1365] : memref<1536x224x224xf32, #tpu.memory_space<hbm>> -> memref<1x224x224xf32, #tpu.memory_space<hbm>>
    %dma_wait3A_1367 = tpu.memref_squeeze %dma_wait3A_1366 : memref<1x224x224xf32, #tpu.memory_space<hbm>> -> memref<224x224xf32, #tpu.memory_space<hbm>>
    %dma_wait3A_1368 = arith.constant 0 : i32
    %dma_wait3A_1369 = arith.constant 0 : i32
    %dma_wait3A_1370 = tpu.memref_slice %arg7[%dma_wait3A_1368, %dma_wait3A_1369] : memref<256x224xf32, #tpu.memory_space<vmem_shared>> -> memref<224x224xf32, #tpu.memory_space<vmem_shared>>
    tpu.wait_dma2 semaphore(%arg12 : memref<!tpu.dma_semaphore, #tpu.memory_space<semaphore_mem>>) src(%dma_wait3A_1370 : memref<224x224xf32, #tpu.memory_space<vmem_shared>>) dst(%dma_wait3A_1367 : memref<224x224xf32, #tpu.memory_space<hbm>>)
    %dma_wait3A_1371 = arith.constant 0 : i32
    %dma_wait3A_1372 = arith.constant 0 : i32
    %dma_wait3A_1373 = tpu.memref_slice %arg3[%add3A_1014, %dma_wait3A_1371, %dma_wait3A_1372] : memref<1536x224x224xf32, #tpu.memory_space<hbm>> -> memref<1x224x224xf32, #tpu.memory_space<hbm>>
    %dma_wait3A_1374 = tpu.memref_squeeze %dma_wait3A_1373 : memref<1x224x224xf32, #tpu.memory_space<hbm>> -> memref<224x224xf32, #tpu.memory_space<hbm>>
    %dma_wait3A_1375 = arith.constant 0 : i32
    %dma_wait3A_1376 = arith.constant 0 : i32
    %dma_wait3A_1377 = tpu.memref_slice %arg7[%dma_wait3A_1375, %dma_wait3A_1376] : memref<256x224xf32, #tpu.memory_space<vmem_shared>> -> memref<224x224xf32, #tpu.memory_space<vmem_shared>>
    tpu.wait_dma2 semaphore(%arg12 : memref<!tpu.dma_semaphore, #tpu.memory_space<semaphore_mem>>) src(%dma_wait3A_1377 : memref<224x224xf32, #tpu.memory_space<vmem_shared>>) dst(%dma_wait3A_1374 : memref<224x224xf32, #tpu.memory_space<hbm>>)
    %dma_wait3A_1378 = arith.constant 0 : i32
    %dma_wait3A_1379 = arith.constant 0 : i32
    %dma_wait3A_1380 = tpu.memref_slice %arg3[%add3A_1065, %dma_wait3A_1378, %dma_wait3A_1379] : memref<1536x224x224xf32, #tpu.memory_space<hbm>> -> memref<1x224x224xf32, #tpu.memory_space<hbm>>
    %dma_wait3A_1381 = tpu.memref_squeeze %dma_wait3A_1380 : memref<1x224x224xf32, #tpu.memory_space<hbm>> -> memref<224x224xf32, #tpu.memory_space<hbm>>
    %dma_wait3A_1382 = arith.constant 0 : i32
    %dma_wait3A_1383 = arith.constant 0 : i32
    %dma_wait3A_1384 = tpu.memref_slice %arg7[%dma_wait3A_1382, %dma_wait3A_1383] : memref<256x224xf32, #tpu.memory_space<vmem_shared>> -> memref<224x224xf32, #tpu.memory_space<vmem_shared>>
    tpu.wait_dma2 semaphore(%arg12 : memref<!tpu.dma_semaphore, #tpu.memory_space<semaphore_mem>>) src(%dma_wait3A_1384 : memref<224x224xf32, #tpu.memory_space<vmem_shared>>) dst(%dma_wait3A_1381 : memref<224x224xf32, #tpu.memory_space<hbm>>)
    %dma_wait3A_1385 = arith.constant 0 : i32
    %dma_wait3A_1386 = arith.constant 0 : i32
    %dma_wait3A_1387 = tpu.memref_slice %arg3[%add3A_1116, %dma_wait3A_1385, %dma_wait3A_1386] : memref<1536x224x224xf32, #tpu.memory_space<hbm>> -> memref<1x224x224xf32, #tpu.memory_space<hbm>>
    %dma_wait3A_1388 = tpu.memref_squeeze %dma_wait3A_1387 : memref<1x224x224xf32, #tpu.memory_space<hbm>> -> memref<224x224xf32, #tpu.memory_space<hbm>>
    %dma_wait3A_1389 = arith.constant 0 : i32
    %dma_wait3A_1390 = arith.constant 0 : i32
    %dma_wait3A_1391 = tpu.memref_slice %arg7[%dma_wait3A_1389, %dma_wait3A_1390] : memref<256x224xf32, #tpu.memory_space<vmem_shared>> -> memref<224x224xf32, #tpu.memory_space<vmem_shared>>
    tpu.wait_dma2 semaphore(%arg12 : memref<!tpu.dma_semaphore, #tpu.memory_space<semaphore_mem>>) src(%dma_wait3A_1391 : memref<224x224xf32, #tpu.memory_space<vmem_shared>>) dst(%dma_wait3A_1388 : memref<224x224xf32, #tpu.memory_space<hbm>>)
    %dma_wait3A_1392 = arith.constant 0 : i32
    %dma_wait3A_1393 = arith.constant 0 : i32
    %dma_wait3A_1394 = tpu.memref_slice %arg3[%add3A_1167, %dma_wait3A_1392, %dma_wait3A_1393] : memref<1536x224x224xf32, #tpu.memory_space<hbm>> -> memref<1x224x224xf32, #tpu.memory_space<hbm>>
    %dma_wait3A_1395 = tpu.memref_squeeze %dma_wait3A_1394 : memref<1x224x224xf32, #tpu.memory_space<hbm>> -> memref<224x224xf32, #tpu.memory_space<hbm>>
    %dma_wait3A_1396 = arith.constant 0 : i32
    %dma_wait3A_1397 = arith.constant 0 : i32
    %dma_wait3A_1398 = tpu.memref_slice %arg7[%dma_wait3A_1396, %dma_wait3A_1397] : memref<256x224xf32, #tpu.memory_space<vmem_shared>> -> memref<224x224xf32, #tpu.memory_space<vmem_shared>>
    tpu.wait_dma2 semaphore(%arg12 : memref<!tpu.dma_semaphore, #tpu.memory_space<semaphore_mem>>) src(%dma_wait3A_1398 : memref<224x224xf32, #tpu.memory_space<vmem_shared>>) dst(%dma_wait3A_1395 : memref<224x224xf32, #tpu.memory_space<hbm>>)
    return
  }
}

</mosaic_0001>

<sc_bundles>
// kernel: kernel.3.cloned.1.call-start
scs
__scs_entry_jumppad:
0x0: {  	(pc) =	sbr.rel $0x88, $3  }
0x1: {  	(tag) =	ssettag $0x0;
	lr =	simm.s32 $0x1  }
0x2: {  	[smem:$0x3FA0] =	sst lr;
	_ =	strace $0xD0000000  }
0x3: {  	_ = 	snop  }
0x4: {  	_ = 	snop  }
0x5: {  	_ = 	snop  }
0x6: {  	_ = 	snop  }
0x7: {  	_ = 	snop  }
__scs_overlays_trampoline_lowered:
0x8: {  	[smem:$0x3FAF] =	sst s0  }
0x9: {  	[smem:$0x3FB0] =	sst s1  }
0xa: {  	[smem:$0x3FB1] =	sst s2  }
0xb: {  	[smem:$0x3FB2] =	sst s3  }
0xc: {  	[smem:$0x3FB3] =	sst s4  }
0xd: {  	[smem:$0x3FB4] =	sst s5  }
0xe: {  	[smem:$0x3FB5] =	sst s6  }
0xf: {  	[smem:$0x3FB6] =	sst s7  }
0x10: {  	[smem:$0x3FB7] =	sst s8  }
0x11: {  	[smem:$0x3FB8] =	sst s9;
	s0 =	simm.s32 @!p0 $0x0  }
0x12: {  	s1 =	sld [smem:$0x3F9E];
	s0 =	simm.s32 @p0 $0x1  }
0x13: {  	[smem:$0x3FB9] =	sst s0;
	s0 =	simm.s32 @!p1 $0x0  }
0x14: {  	s2 =	sld [smem:$0x3F9D];
	s0 =	simm.s32 @p1 $0x1  }
0x15: {  	[smem:$0x3FBA] =	sst s0;
	s0 =	simm.s32 @!p2 $0x0  }
0x16: {  	s3 =	sld [smem:$0x3FDB];
	s0 =	simm.s32 @p2 $0x1  }
0x17: {  	s4 =	simm.s32 $0x1BF5;
	[smem:$0x3FBC] =	sst s0  }
0x18: {  	s0 =	sld [smem:$0x3F9F];
	_ =	swait.ge [sflag:s4], $0x0  }
0x19: {  	s7 =	sld [smem:$0x3FA0]  }
0x1a: {  	s8 =	sadd.s32 $0xFFFFE003, lr  }
0x1b: {  	s9 =	sadd.s32 $0xFFFFFEF7, lr;
	s5 =	simm.s32 $0xFFFFFFFF;
	p2 =	slt.u32 s8, $0xFFFFF086  }
0x1c: {  	p1 =	slt.u32 s9, $0xF7A;
	s5 =	simm.s32 @!p2 $0x0  }
0x1d: {  	s5 =	simm.s32 @p1 $0x1;
	p0 =	seq.s32 s7, s2  }
0x1e: {  	s7 =	smul.u32 @!p0 $0xF7A, s2;
	p2 =	seq.s32 @!p0 s5, $0x0  }
0x1f: {  	s9 =	smul.u32 $0xF7A, s1;
	s8 =	simm.s32 @!p0 $0x1BF5;
	p2 =	por !p2, p0  }
0x20: {  	[sflag:s8] =	ssyncset.s32 @!p0 $0xFFFFF086;
	s6 =	sadd.s32 @!p0 s3, s7;
	s7 =	simm.s32 @!p0 $0x108  }
0x21: {  	s3 =	sadd.s32 s3, s9;
	s6 =	sadd.s32 @!p0 $0x88, s6;
	s7 =	simm.s32 @p2 $0x1082  }
0x22: {  	[simem:s7], [sflag:s8] =	dma.local @!p0 [hbm:s6], $0xF7A  }
0x23: {  	s9 =	sor.u32 $0xD0000000, s2;
	s6 =	simm.s32 $0x108;
	_ =	swait.ge @!p0 [sflag:s8], $0x0  }
0x24: {  	s3 =	sadd.s32 $0x88, s3;
	s6 =	simm.s32 @!p1 $0x1082;
	[sflag:s4] =	ssyncset.s32 $0xFFFFF086  }
0x25: {  	[simem:s6], [sflag:s4] =	dma.local [hbm:s3], $0xF7A  }
0x26: {  	[smem:$0x3FA0] =	sst s1;
	(tag) =	ssettag s2;
	_ =	strace s9  }
0x27: {  	s1 =	sld [smem:$0x3FB0]  }
0x28: {  	s2 =	sld [smem:$0x3FB1]  }
0x29: {  	s4 =	sld [smem:$0x3FB3]  }
0x2a: {  	p0 =	seq.s32 s5, $0x0;
	s5 =	sld [smem:$0x3FB4]  }
0x2b: {  	s6 =	sld [smem:$0x3FB5]  }
0x2c: {  	s7 =	sld [smem:$0x3FB6]  }
0x2d: {  	s3 =	simm.s32 $0x108;
	s8 =	sld [smem:$0x3FB7]  }
0x2e: {  	s3 =	simm.s32 @!p0 $0x1082;
	s9 =	sld [smem:$0x3FB8]  }
0x2f: {  	lr =	sadd.s32 s0, s3;
	s0 =	sld [smem:$0x3FAF]  }
0x30: {  	s3 =	sld [smem:$0x3FB2]  }
0x31: {  	[smem:$0x3FBB] =	sst s10  }
0x32: {  	s10 =	sld [smem:$0x3FB9];
	_ =	sdelay $0x3  }
0x33: {  	p0 =	seq.s32 s10, $0x1;
	s10 =	sld [smem:$0x3FBB];
	_ =	sdelay $0x3  }
0x34: {  	[smem:$0x3FBB] =	sst s10  }
0x35: {  	s10 =	sld [smem:$0x3FBA];
	_ =	sdelay $0x3  }
0x36: {  	p1 =	seq.s32 s10, $0x1;
	s10 =	sld [smem:$0x3FBB];
	_ =	sdelay $0x3  }
0x37: {  	[smem:$0x3FBB] =	sst s10  }
0x38: {  	s10 =	sld [smem:$0x3FBC]  }
0x39: {  	_ = 	snop;
	(pc) =	sbr.ind lr, $3  }
0x3a: {  	_ = 	snop  }
0x3b: {  	_ = 	snop  }
0x3c: {  	p2 =	seq.s32 s10, $0x1;
	s10 =	sld [smem:$0x3FBB]  }
0x3d: {  	_ =	shalt  }
0x3e: {  	_ =	shalt  }
0x3f: {  	_ =	shalt  }
0x40: {  	_ =	shalt  }
0x41: {  	_ =	shalt  }
0x42: {  	_ =	shalt  }
0x43: {  	_ =	shalt  }
0x44: {  	_ =	shalt  }
0x45: {  	_ =	shalt  }
0x46: {  	_ =	shalt  }
0x47: {  	_ =	shalt  }
0x48: {  	_ =	shalt  }
0x49: {  	_ =	shalt  }
0x4a: {  	_ =	shalt  }
0x4b: {  	_ =	shalt  }
0x4c: {  	_ =	shalt  }
0x4d: {  	_ =	shalt  }
0x4e: {  	_ =	shalt  }
0x4f: {  	_ =	shalt  }
0x50: {  	_ =	shalt  }
0x51: {  	_ =	shalt  }
0x52: {  	_ =	shalt  }
0x53: {  	_ =	shalt  }
0x54: {  	_ =	shalt  }
0x55: {  	_ =	shalt  }
0x56: {  	_ =	shalt  }
0x57: {  	_ =	shalt  }
0x58: {  	_ =	shalt  }
0x59: {  	_ =	shalt  }
0x5a: {  	_ =	shalt  }
0x5b: {  	_ =	shalt  }
0x5c: {  	_ =	shalt  }
0x5d: {  	_ =	shalt  }
0x5e: {  	_ =	shalt  }
0x5f: {  	_ =	shalt  }
0x60: {  	_ =	shalt  }
0x61: {  	_ =	shalt  }
0x62: {  	_ =	shalt  }
0x63: {  	_ =	shalt  }
0x64: {  	_ =	shalt  }
0x65: {  	_ =	shalt  }
0x66: {  	_ =	shalt  }
0x67: {  	_ =	shalt  }
0x68: {  	_ =	shalt  }
0x69: {  	_ =	shalt  }
0x6a: {  	_ =	shalt  }
0x6b: {  	_ =	shalt  }
0x6c: {  	_ =	shalt  }
0x6d: {  	_ =	shalt  }
0x6e: {  	_ =	shalt  }
0x6f: {  	_ =	shalt  }
0x70: {  	_ =	shalt  }
0x71: {  	_ =	shalt  }
0x72: {  	_ =	shalt  }
0x73: {  	_ =	shalt  }
0x74: {  	_ =	shalt  }
0x75: {  	_ =	shalt  }
0x76: {  	_ =	shalt  }
0x77: {  	_ =	shalt  }
0x78: {  	_ =	shalt  }
0x79: {  	_ =	shalt  }
0x7a: {  	_ =	shalt  }
0x7b: {  	_ =	shalt  }
0x7c: {  	_ =	shalt  }
0x7d: {  	_ =	shalt  }
0x7e: {  	_ =	shalt  }
0x7f: {  	_ =	shalt  }
0x80: {  	_ =	shalt  }
0x81: {  	_ =	shalt  }
0x82: {  	_ =	shalt  }
0x83: {  	_ =	shalt  }
0x84: {  	_ =	shalt  }
0x85: {  	_ =	shalt  }
0x86: {  	_ =	shalt  }
0x87: {  	_ =	shalt  }
.Lfunc_end0:
.L_simem_size_0:
called_computation_lowered:
.L_overlay_start_0:
0x88: {  	s2 =	sld [smem:$0x3FD9]  }
0x89: {  	s3 =	sld [smem:$0x3FFE];
	_ =	sdelay $0x1  }
0x8a: {  	s1 =	srdreg.scid  }
0x8b: {  	s0 =	sand.u32 $0x1, s1  }
0x8c: {  	s18 =	sshll.u32 s0, $0xA;
	s2 =	sadd.s32 s3, s2  }
0x8d: {  	s2 =	sadd.s32 s2, s18  }
0x8e: {  	[smem:$0x3FC7] =	sst s2  }
0x8f: {  	_ = 	snop  }
0x90: {  	s2 =	sld [smem:$0x3FC9]  }
0x91: {  	s19 =	sld [smem:$0x3FD0];
	(tm) =	ssettm $0x1  }
0x92: {  	s4 =	sld [smem:$0x3FFB];
	_ =	sdelay $0x3  }
0x93: {  	_ =	strace s4  }
0x94: {  	s4 =	sld [smem:$0x3FFC];
	_ =	sdelay $0x3  }
0x95: {  	_ =	strace s4  }
0x96: {  	s4 =	sld [smem:$0x3FFD];
	_ =	sdelay $0x3  }
0x97: {  	_ =	strace s4  }
0x98: {  	_ =	strace $0x8FFFFFFF  }
0x99: {  	s20 =	sld [smem:$0x3FDB];
	_ =	sdelay $0x1  }
0x9a: {  	s5 =	simm.s32 $_scs_section_size  }
0x9b: {  	s6 =	simm.s32 $_size__tile_overlayer_lowered;
	s7 =	simm.s32 $_tile_overlayer_lowered  }
0x9c: {  	s23 =	simm.s32 $0x1BFF;
	s22 =	sshll.u32 s7, $0x1;
	s4 =	sadd.s32 s5, s20  }
0x9d: {  	s8 =	simm.s32 $0x0;
	s21 =	sshll.u32 s6, $0x1;
	s6 =	sadd.s32 s22, s4  }
0x9e: {  	[timem:s8], [sflag:s23] =	dma.local [hbm:s6], s21  }
0x9f: {  	_ =	swait.ge [sflag:s23], s21  }
0xa0: {  	s5 =	ssub.s32 $0x0, s21;
	[sflag:s23] =	ssyncset.done $0x0  }
0xa1: {  	[sflag:s23] =	ssyncadd.s32 s5;
	_ =	sdelay $0x1  }
0xa2: {  	s24 =	simm.s32 $0x1B8B  }
0xa3: {  	_ =	swait.ge [sflag:s24], $0x1  }
0xa4: {  	[sflag:s24] =	ssyncset.done $0x0  }
0xa5: {  	s25 =	simm.s32 $0x1B8E;
	[sflag:s24] =	ssyncadd.s32 $0xFFFFFFFF  }
0xa6: {  	s26 =	simm.s32 $execute0_lowered;
	[smem:$0x3FD2] =	sst s25  }
0xa7: {  	s5 =	sshll.u32 s26, $0x1;
	_ =	strace $0x80000046;
	[dreg:$0x1] =	wrdreg $0xFFFFFFFF  }
0xa8: {  	s28 =	simm.s32 $_size_execute0_lowered;
	s4 =	sadd.s32 s4, s5;
	[dreg:$0x0] =	wrdreg $0x0  }
0xa9: {  	s5 =	sshll.u32 s28, $0x1;
	[dreg:$0x2] =	wrdreg s4  }
0xaa: {  	[dreg:$0x3] =	wrdreg s5  }
0xab: {  	[dreg:$0x4] =	wrdreg $0xC0  }
0xac: {  	_ =	task [dreg:s8], $0x5FFFF  }
0xad: {  	[dreg:$0x1] =	wrdreg $0xFFFFFFFF  }
0xae: {  	[dreg:$0x0] =	wrdreg $0x60  }
0xaf: {  	[dreg:$0x2] =	wrdreg s2  }
0xb0: {  	[dreg:$0x3] =	wrdreg s19  }
0xb1: {  	[dreg:$0x4] =	wrdreg $0x1D0000  }
0xb2: {  	[dreg:$0x5] =	wrdreg $0x9  }
0xb3: {  	_ =	task.clear_ibuf [dreg:s8], $0x6FFFF;
	_ =	strace $0x90000046  }
0xb4: {  	s29 =	simm.s32 $0x9;
	_ =	strace $0x80000048  }
0xb5: {  	_ =	swait.ge [sflag:s29], $0x1  }
0xb6: {  	[sflag:s29] =	ssyncadd.s32 $0xFFFFFFFF  }
0xb7: {  	_ =	strace $0x90000048  }
0xb8: {  	_ =	sfence  }
0xb9: {  	s30 =	sld [smem:$0x0];
	_ =	sdelay $0x2  }
0xba: {  	s31 =	sshll.u32 s1, $0xD;
	s1 =	sshrl.u32 s1, $0x2  }
0xbb: {  	s3 =	sand.u32 $0x4000, s31;
	s1 =	sadd.s32 s1, s30  }
0xbc: {  	s0 =	sor.u32 s3, s0;
	s1 =	sshll.u32 s1, $0x11  }
0xbd: {  	s0 =	sor.u32 s1, s0  }
0xbe: {  	s0 =	sadd.s32 $0x8F2B, s0  }
0xbf: {  	[sflag:s0] =	ssyncadd.remote.s32 $0x1  }
0xc0: {  	_ =	sfence.sel $0xFFFF  }
0xc1: {  	[dreg:$0x0] =	wrdreg $0xFFFFFFFF;
	(pc) =	sbr.abs _section_cstart, $3  }
0xc2: {  	[dreg:$0x1] =	wrdreg $0xFFFFFFFF  }
0xc3: {  	_ =	task.clear_ibuf [dreg:s8], $0x2FFFF;
	_ =	strace $0x9FFFFFFF  }
0xc4: {  	(tm) =	ssettm $0x7FFFFFFF  }
0xc5: {  	_ =	shalt  }
tec
execute0_lowered:
.L_overlay_start_1:
0x0: {  	(tag) =	ssettag $0x1  }
0x1: {  	s0 =	srdreg.scid;
	s2 =	stileid.u32  }
0x2: {  	s1 =	sand.u32 $0x1, s0;
	s21 =	sshll.u32 s2, $0x1  }
0x3: {  	s0 =	sor.u32 s1, s21  }
0x4: {  	s22 =	smul.u32 $0x1C00, s0  }
0x5: {  	s3 =	sor.u32 $0x20, s0;
	s23 =	smul.u32 $0x3800, s0  }
0x6: {  	s4 =	smul.u32 $0x1C00, s3  }
0x7: {  	s24 =	sor.u32 $0x40, s0;
	s5 =	smul.u32 $0x1C000, s3  }
0x8: {  	s7 =	smul.u32 $0x1C00, s24  }
0x9: {  	s20 =	smul.u32 $0x1C000, s24  }
0xa: {  	s25 =	sor.u32 $0x60, s0;
	s3 =	smul.u32 $0x3800, s3  }
0xb: {  	s8 =	smul.u32 $0x1C00, s25  }
0xc: {  	s10 =	sor.u32 $0x80, s0;
	s6 =	smul.u32 $0x1C000, s25  }
0xd: {  	s12 =	smul.u32 $0x1C00, s10  }
0xe: {  	s1 =	ssub.s32 $0x2, s1;
	s26 =	sor.u32 $0xA0, s0;
	s18 =	smul.u32 $0x1C000, s10  }
0xf: {  	s16 =	sshrl.u32 s1, $0x1;
	s15 =	smul.u32 $0x1C00, s26  }
0x10: {  	s21 =	smul.u32 $0x1C000, s26;
	s1 =	ssub.s32 s1, s16;
	[smem:$0x7D8] =	sst s23  }
0x11: {  	s9 =	sor.u32 $0xE0, s0;
	s16 =	smul.u32 $0x3800, s10;
	[smem:$0x7FD] =	sst s1  }
0x12: {  	s13 =	smul.u32 $0x1C00, s9;
	[smem:$0x7D7] =	sst s5  }
0x13: {  	s31 =	sor.u32 $0x100, s0;
	[smem:$0x7D9] =	sst s3;
	s5 =	smul.u32 $0x3800, s24  }
0x14: {  	s30 =	sor.u32 $0x120, s0;
	s19 =	smul.u32 $0x1C00, s31;
	[smem:$0x7DA] =	sst s6  }
0x15: {  	s3 =	smul.u32 $0x3800, s25;
	s6 =	sor.u32 $0xC0, s0;
	[smem:$0x7DB] =	sst s5  }
0x16: {  	s24 =	smul.u32 $0x1C00, s30;
	s25 =	sor.u32 $0x1A0, s0;
	s5 =	rddreg [dreg:$0x0]  }
0x17: {  	s2 =	smul.u32 $0x1C00, s6;
	[smem:$0x7DC] =	sst s3;
	s28 =	sadd.s32 s5, s22  }
0x18: {  	s29 =	sadd.s32 s5, s4;
	s10 =	sadd.s32 s5, s7;
	[dreg:$0x4] =	wrdreg s28  }
0x19: {  	s22 =	smul.u32 $0x3800, s26;
	s11 =	sadd.s32 s5, s8;
	[dreg:$0x5] =	wrdreg s29  }
0x1a: {  	s14 =	sadd.s32 s5, s12;
	s23 =	sadd.s32 s5, s15;
	[dreg:$0x6] =	wrdreg s10  }
0x1b: {  	s3 =	sadd.s32 s5, s13;
	s26 =	sor.u32 $0x180, s0;
	[dreg:$0x7] =	wrdreg s11  }
0x1c: {  	s13 =	sadd.s32 s5, s24;
	s15 =	sor.u32 $0x200, s0;
	[dreg:$0x8] =	wrdreg s14  }
0x1d: {  	s8 =	sor.u32 $0x260, s0;
	s7 =	sor.u32 $0x280, s0;
	[dreg:$0x9] =	wrdreg s23  }
0x1e: {  	s29 =	sor.u32 $0x140, s0;
	s28 =	sadd.s32 s5, s2;
	[dreg:$0xb] =	wrdreg s3  }
0x1f: {  	s11 =	sadd.s32 s5, s19;
	s12 =	smul.u32 $0x1C00, s26;
	[dreg:$0xd] =	wrdreg s13  }
0x20: {  	s14 =	smul.u32 $0x1C00, s25;
	s23 =	sor.u32 $0x1C0, s0;
	s19 =	sor.u32 $0x1E0, s0  }
0x21: {  	[dreg:$0xa] =	wrdreg s28;
	s2 =	smul.u32 $0x1C00, s29;
	s28 =	sor.u32 $0x160, s0  }
0x22: {  	[dreg:$0xc] =	wrdreg s11;
	s10 =	smul.u32 $0x1C00, s28;
	s11 =	sadd.s32 s5, s14  }
0x23: {  	s24 =	sadd.s32 s5, s2;
	s2 =	smul.u32 $0x1C00, s23;
	[dreg:$0x11] =	wrdreg s11  }
0x24: {  	s11 =	sor.u32 $0x2A0, s0;
	[dreg:$0xe] =	wrdreg s24;
	s3 =	sadd.s32 s5, s10  }
0x25: {  	s10 =	sadd.s32 s5, s12;
	s24 =	smul.u32 $0x1C00, s15;
	[dreg:$0xf] =	wrdreg s3  }
0x26: {  	s12 =	sor.u32 $0x220, s0;
	s3 =	smul.u32 $0x1C00, s19;
	[dreg:$0x10] =	wrdreg s10  }
0x27: {  	s1 =	smul.u32 $0x1C00, s12;
	s10 =	sor.u32 $0x240, s0;
	s13 =	sadd.s32 s5, s2  }
0x28: {  	[dreg:$0x12] =	wrdreg s13;
	s14 =	smul.u32 $0x1C00, s10;
	s24 =	sadd.s32 s5, s24  }
0x29: {  	s13 =	sor.u32 $0x2C0, s0;
	s3 =	sadd.s32 s5, s3;
	[dreg:$0x14] =	wrdreg s24  }
0x2a: {  	s1 =	sadd.s32 s5, s1;
	[dreg:$0x13] =	wrdreg s3;
	s3 =	smul.u32 $0x1C00, s8  }
0x2b: {  	s24 =	smul.u32 $0x1C00, s7;
	[dreg:$0x15] =	wrdreg s1;
	s2 =	sadd.s32 s5, s14  }
0x2c: {  	s1 =	smul.u32 $0x1C00, s11;
	[dreg:$0x16] =	wrdreg s2;
	s4 =	sadd.s32 s5, s3  }
0x2d: {  	s2 =	smul.u32 $0x1C00, s13;
	s3 =	sadd.s32 s5, s24;
	[dreg:$0x17] =	wrdreg s4  }
0x2e: {  	[dreg:$0x18] =	wrdreg s3;
	s4 =	sadd.s32 s5, s1  }
0x2f: {  	s14 =	sor.u32 $0x2E0, s0;
	s24 =	sadd.s32 s5, s2;
	[dreg:$0x19] =	wrdreg s4  }
0x30: {  	s3 =	smul.u32 $0x1C00, s14;
	[dreg:$0x1a] =	wrdreg s24;
	s24 =	simm.s32 $0x0  }
0x31: {  	s17 =	smul.u32 $0x1C000, s0;
	[smem:$0x7FF] =	sst s24  }
0x32: {  	s1 =	sadd.s32 s5, s3;
	s5 =	rddreg [dreg:$0x1]  }
0x33: {  	s2 =	sshrl.u32 s17, $0x3;
	s4 =	smul.u32 $0x3800, s6;
	[dreg:$0x1b] =	wrdreg s1  }
0x34: {  	s3 =	smul.u32 $0x1C000, s6;
	s17 =	sadd.s32 s5, s2;
	s1 =	sld [smem:$0x7D7]  }
0x35: {  	s6 =	sshrl.u32 s20, $0x3;
	s20 =	smul.u32 $0x3800, s9;
	[smem:$0x7F2] =	sst s17  }
0x36: {  	s16 =	sadd.s32 s5, s16;
	s17 =	smul.u32 $0x1C000, s9;
	s9 =	sld [smem:$0x7D8]  }
0x37: {  	s22 =	sadd.s32 s5, s22;
	[smem:$0x7DD] =	sst s16  }
0x38: {  	s4 =	sadd.s32 s5, s4;
	[smem:$0x7DE] =	sst s22  }
0x39: {  	s21 =	sshrl.u32 s21, $0x3;
	s3 =	sshrl.u32 s3, $0x3;
	[smem:$0x7DF] =	sst s4  }
0x3a: {  	s20 =	sadd.s32 s5, s20;
	s16 =	sadd.s32 s5, s3;
	s3 =	smul.u32 $0x1C000, s28  }
0x3b: {  	s28 =	smul.u32 $0x3800, s28;
	[smem:$0x7E0] =	sst s20;
	s2 =	sshrl.u32 s1, $0x3  }
0x3c: {  	s1 =	sadd.s32 s5, s6;
	s6 =	sld [smem:$0x7DA];
	s17 =	sshrl.u32 s17, $0x3  }
0x3d: {  	s16 =	sadd.s32 $0x1C00, s16;
	s0 =	sadd.s32 s5, s2;
	[smem:$0x7F6] =	sst s1  }
0x3e: {  	s2 =	sld [smem:$0x7D9];
	s1 =	sshrl.u32 s18, $0x3;
	s18 =	smul.u32 $0x1C000, s30  }
0x3f: {  	s17 =	sadd.s32 s5, s17;
	s22 =	sshrl.u32 s3, $0x3;
	s3 =	smul.u32 $0x3800, s23  }
0x40: {  	[smem:$0x7F4] =	sst s0;
	s0 =	sadd.s32 s5, s9;
	s9 =	smul.u32 $0x1C000, s31  }
0x41: {  	s22 =	sadd.s32 s5, s22;
	[dreg:$0x1c] =	wrdreg s0;
	s18 =	sshrl.u32 s18, $0x3  }
0x42: {  	s3 =	sadd.s32 s5, s3;
	s0 =	sadd.s32 s5, s2;
	s2 =	smul.u32 $0x3800, s31  }
0x43: {  	s20 =	sadd.s32 s5, s18;
	s18 =	smul.u32 $0x3800, s25;
	[smem:$0x7E7] =	sst s3  }
0x44: {  	s9 =	sshrl.u32 s9, $0x3;
	s3 =	smul.u32 $0x3800, s10;
	[dreg:$0x1d] =	wrdreg s0  }
0x45: {  	s0 =	sshrl.u32 s6, $0x3;
	s6 =	sld [smem:$0x7DB];
	s2 =	sadd.s32 s5, s2  }
0x46: {  	s4 =	sadd.s32 s5, s9;
	s18 =	sadd.s32 s5, s18;
	[smem:$0x7E1] =	sst s2  }
0x47: {  	s9 =	smul.u32 $0x3800, s26;
	s3 =	sadd.s32 s5, s3;
	[smem:$0x7E6] =	sst s18  }
0x48: {  	s31 =	sadd.s32 s5, s0;
	s2 =	smul.u32 $0x1C000, s23;
	[smem:$0x7EB] =	sst s3  }
0x49: {  	s0 =	sadd.s32 s5, s6;
	s6 =	sadd.s32 s5, s1;
	s1 =	smul.u32 $0x3800, s30  }
0x4a: {  	s30 =	sadd.s32 s5, s21;
	s21 =	smul.u32 $0x1C000, s26;
	[dreg:$0x1e] =	wrdreg s0  }
0x4b: {  	s26 =	smul.u32 $0x1C000, s25;
	s0 =	sld [smem:$0x7DC];
	s1 =	sadd.s32 s5, s1  }
0x4c: {  	s25 =	sshrl.u32 s21, $0x3;
	s21 =	smul.u32 $0x1C000, s19;
	[smem:$0x7E2] =	sst s1  }
0x4d: {  	s23 =	sadd.s32 s5, s25;
	s1 =	smul.u32 $0x3800, s19;
	s25 =	sadd.s32 s5, s28  }
0x4e: {  	s28 =	sshrl.u32 s26, $0x3;
	s26 =	smul.u32 $0x3800, s15;
	s0 =	sadd.s32 s5, s0  }
0x4f: {  	s9 =	sadd.s32 s5, s9;
	[dreg:$0x1f] =	wrdreg s0;
	s0 =	smul.u32 $0x1C000, s29  }
0x50: {  	[smem:$0x7E5] =	sst s9;
	s2 =	sshrl.u32 s2, $0x3;
	s29 =	smul.u32 $0x3800, s29  }
0x51: {  	[smem:$0x7E4] =	sst s25;
	s19 =	sadd.s32 s5, s28;
	s21 =	sshrl.u32 s21, $0x3  }
0x52: {  	s9 =	sadd.s32 s5, s21;
	s1 =	sadd.s32 s5, s1;
	s29 =	sadd.s32 s5, s29  }
0x53: {  	s0 =	sshrl.u32 s0, $0x3;
	[smem:$0x7E3] =	sst s29;
	s29 =	smul.u32 $0x1C000, s15  }
0x54: {  	s0 =	sadd.s32 s5, s0;
	s15 =	sadd.s32 s5, s2;
	s2 =	smul.u32 $0x1C000, s12  }
0x55: {  	[smem:$0x7E8] =	sst s1;
	s12 =	smul.u32 $0x3800, s12;
	s0 =	sadd.s32 $0x1C00, s0  }
0x56: {  	s28 =	sshrl.u32 s29, $0x3;
	s29 =	smul.u32 $0x1C000, s10;
	s25 =	sshrl.u32 s2, $0x3  }
0x57: {  	s12 =	sadd.s32 s5, s12;
	s18 =	sadd.s32 s5, s28;
	s28 =	smul.u32 $0x1C000, s8  }
0x58: {  	s10 =	sadd.s32 s5, s25;
	s8 =	smul.u32 $0x3800, s8;
	s25 =	sadd.s32 s5, s26  }
0x59: {  	s26 =	smul.u32 $0x1C000, s7;
	[smem:$0x7EA] =	sst s12;
	s29 =	sshrl.u32 s29, $0x3  }
0x5a: {  	s7 =	smul.u32 $0x3800, s7;
	[smem:$0x7E9] =	sst s25;
	s21 =	sadd.s32 s5, s29  }
0x5b: {  	s2 =	sshrl.u32 s28, $0x3;
	s1 =	sshrl.u32 s26, $0x3;
	s28 =	smul.u32 $0x1C000, s11  }
0x5c: {  	s29 =	smul.u32 $0x1C000, s13;
	s26 =	sadd.s32 s5, s8;
	s7 =	sadd.s32 s5, s7  }
0x5d: {  	s8 =	smul.u32 $0x3800, s14;
	s12 =	sadd.s32 s5, s2;
	[smem:$0x7EC] =	sst s26  }
0x5e: {  	s25 =	sadd.s32 s5, s1;
	[smem:$0x7ED] =	sst s7;
	s7 =	smul.u32 $0x3800, s13  }
0x5f: {  	s2 =	sshrl.u32 s28, $0x3;
	s28 =	smul.u32 $0x3800, s11;
	s1 =	sshrl.u32 s29, $0x3  }
0x60: {  	s29 =	smul.u32 $0x1C000, s14;
	s14 =	rddreg [dreg:$0x2];
	s11 =	sadd.s32 s5, s2  }
0x61: {  	s26 =	sadd.s32 s5, s1;
	s1 =	sadd.s32 s5, s7;
	s7 =	sadd.s32 $0x1C00, s31  }
0x62: {  	s31 =	sadd.s32 $0x1C00, s20;
	s3 =	sadd.s32 s5, s28;
	[smem:$0x7EF] =	sst s1  }
0x63: {  	s20 =	simm.s32 $0x4;
	s28 =	sadd.s32 s5, s8;
	[smem:$0x7EE] =	sst s3  }
0x64: {  	s2 =	sshrl.u32 s29, $0x3;
	s29 =	stileid.u32;
	[smem:$0x7F0] =	sst s28  }
0x65: {  	s8 =	sadd.s32 $0x1C00, s6;
	_ =	strace $0x80000047;
	[smem:$0x7F8] =	sst s7  }
0x66: {  	s6 =	sadd.s32 $0x1C00, s18;
	s11 =	sadd.s32 $0x1C00, s11;
	[smem:$0x7F9] =	sst s8  }
0x67: {  	s1 =	sshll.u32 s29, $0xC;
	s28 =	sadd.s32 $0x1C00, s17;
	[smem:$0x7FB] =	sst s16  }
0x68: {  	s18 =	simm.s32 $0x3;
	s1 =	sadd.s32 s1, s14;
	[smem:$0x7FC] =	sst s28  }
0x69: {  	s13 =	sadd.s32 s5, s2;
	s17 =	simm.s32 $0x1;
	[smem:$0x7F1] =	sst s1  }
0x6a: {  	s14 =	sadd.s32 $0x1C00, s30;
	s30 =	sadd.s32 $0x1C00, s4;
	s2 =	sld [smem:$0x7F2]  }
0x6b: {  	s4 =	sadd.s32 $0x1C00, s15;
	s7 =	sadd.s32 $0x1C00, s10;
	s3 =	sld [smem:$0x7F4]  }
0x6c: {  	s8 =	sadd.s32 $0x1C00, s21;
	s10 =	sadd.s32 $0x1C00, s25;
	s29 =	sld [smem:$0x7FD]  }
0x6d: {  	s13 =	sadd.s32 $0x1C00, s13;
	s15 =	simm.s32 $0xE000;
	s5 =	sld [smem:$0x7F6]  }
0x6e: {  	s16 =	simm.s32 $0x6;
	s21 =	simm.s32 $0x5;
	[smem:$0x7FA] =	sst s14  }
0x6f: {  	s1 =	sadd.s32 $0x1C00, s2;
	s2 =	sadd.s32 $0x1C00, s23;
	s14 =	smax.u32 s29, $0x1  }
0x70: {  	[smem:$0x7F3] =	sst s1;
	s1 =	sadd.s32 $0x1C00, s3;
	s3 =	sadd.s32 $0x1C00, s19  }
0x71: {  	s19 =	simm.s32 $0x2;
	[smem:$0x7F5] =	sst s1;
	s1 =	sadd.s32 $0x1C00, s5  }
0x72: {  	s5 =	sadd.s32 $0x1C00, s9;
	s9 =	sadd.s32 $0x1C00, s12;
	s12 =	sadd.s32 $0x1C00, s26  }
0x73: {  	v0 =	vimm.f32 $0.0e+00;
	[smem:$0x7F7] =	sst s1;
	s1 =	sadd.s32 $0x1C00, s22;
	s22 =	simm.s32 $0x0  }
.LBB2_1:
0x74: {  	s23 =	rddreg [dreg:$0x4]  }
0x75: {  	[tilespmem:s24], [sflag:$0x1] =	stream.linear.gather [hbm4b:s23+s24], $0xE000, $0x38;
	[tilespmem:$0x1DE00] =	vst v63  }
0x76: {  	s25 =	rddreg [dreg:$0x5]  }
0x77: {  	[tilespmem:s15], [sflag:$0x2] =	stream.linear.gather [hbm4b:s25+s24], $0xE000, $0x38;
	[tilespmem:$0x1DE00] =	vst v63  }
0x78: {  	s26 =	sand.u32 $0x800, s24;
	s25 =	sand.u32 $0x380, s24  }
0x79: {  	s23 =	sor.u32 s25, s26  }
0x7a: {  	[tilespmem:s23+$0x1C450] =	vst v0  }
0x7b: {  	[tilespmem:s23+$0x1C000] =	vst v0  }
0x7c: {  	[tilespmem:s23+$0x1C010] =	vst v0  }
0x7d: {  	[tilespmem:s23+$0x1C020] =	vst v0  }
0x7e: {  	[tilespmem:s23+$0x1C030] =	vst v0  }
0x7f: {  	[tilespmem:s23+$0x1C040] =	vst v0  }
0x80: {  	[tilespmem:s23+$0x1C050] =	vst v0  }
0x81: {  	[tilespmem:s23+$0x1C060] =	vst v0  }
0x82: {  	[tilespmem:s23+$0x1C070] =	vst v0  }
0x83: {  	[tilespmem:s23+$0x1C400] =	vst v0  }
0x84: {  	[tilespmem:s23+$0x1C410] =	vst v0  }
0x85: {  	s26 =	simm.s32 $0x100;
	s25 =	simm.s32 $0x80;
	[tilespmem:s23+$0x1C420] =	vst v0  }
0x86: {  	s28 =	sand.u32 $0x800, s26;
	s29 =	sand.u32 $0x380, s25;
	s26 =	simm.s32 $0x200;
	[tilespmem:s23+$0x1C430] =	vst v0  }
.LBB2_2:
0x87: {  	p0 =	sne.s32 s26, $0xF00;
	[tilespmem:s23+$0x1C440] =	vst v0;
	s23 =	sor.u32 s29, s28  }
0x88: {  	[tilespmem:s23+$0x1C450] =	vst v0  }
0x89: {  	[tilespmem:s23+$0x1C000] =	vst v0  }
0x8a: {  	[tilespmem:s23+$0x1C010] =	vst v0  }
0x8b: {  	[tilespmem:s23+$0x1C020] =	vst v0  }
0x8c: {  	[tilespmem:s23+$0x1C030] =	vst v0  }
0x8d: {  	[tilespmem:s23+$0x1C040] =	vst v0  }
0x8e: {  	[tilespmem:s23+$0x1C050] =	vst v0  }
0x8f: {  	[tilespmem:s23+$0x1C060] =	vst v0  }
.Ltmp0:
0x90: {  	[tilespmem:s23+$0x1C070] =	vst v0;
	(pc) =	sbr.rel @p0 .LBB2_2-.Ltmp0, $4  }
0x91: {  	[tilespmem:s23+$0x1C400] =	vst v0  }
0x92: {  	[tilespmem:s23+$0x1C410] =	vst v0  }
0x93: {  	s25 =	sadd.s32 $0x80, s25;
	[tilespmem:s23+$0x1C420] =	vst v0  }
0x94: {  	s28 =	sand.u32 $0x800, s26;
	s26 =	sadd.s32 $0x100, s26;
	s29 =	sand.u32 $0x380, s25;
	[tilespmem:s23+$0x1C430] =	vst v0  }
0x95: {  	s25 =	sor.u32 s29, s28;
	[tilespmem:s23+$0x1C440] =	vst v0  }
0x96: {  	[tilespmem:s25+$0x1C450] =	vst v0  }
0x97: {  	[tilespmem:s25+$0x1C000] =	vst v0  }
0x98: {  	[tilespmem:s25+$0x1C010] =	vst v0  }
0x99: {  	[tilespmem:s25+$0x1C020] =	vst v0  }
0x9a: {  	[tilespmem:s25+$0x1C030] =	vst v0  }
0x9b: {  	[tilespmem:s25+$0x1C040] =	vst v0  }
0x9c: {  	[tilespmem:s25+$0x1C050] =	vst v0  }
0x9d: {  	[tilespmem:s25+$0x1C060] =	vst v0  }
0x9e: {  	[tilespmem:s25+$0x1C070] =	vst v0  }
0x9f: {  	[tilespmem:s25+$0x1C400] =	vst v0  }
0xa0: {  	[tilespmem:s25+$0x1C410] =	vst v0  }
0xa1: {  	s28 =	sld [smem:$0x7F1];
	[tilespmem:s25+$0x1C420] =	vst v0  }
0xa2: {  	[tilespmem:s25+$0x1C430] =	vst v0  }
0xa3: {  	s29 =	simm.s32 $0x1C000;
	[tilespmem:s25+$0x1C440] =	vst v0  }
0xa4: {  	[spmem:s28] =	stream.linear.scatter [tilespmem:s29], [sflag:$0x6], $0x1000, $0x38;
	[tilespmem:$0x1DE00] =	vst v63  }
0xa5: {  	_ =	swait.ge [sflag:s16], $0x1000  }
0xa6: {  	[sflag:s16] =	ssyncset.done $0x0  }
0xa7: {  	[sflag:s16] =	ssyncadd.s32 $0xFFFFF000  }
0xa8: {  	[bflag:$0x0] =	sbarrier.arrive $0xFFFF  }
0xa9: {  	s25 =	stileid.u32;
	s26 =	rddreg [dreg:$0x2]  }
0xaa: {  	s23 =	sshll.u32 s25, $0x6;
	s25 =	sshrl.u32 s26, $0x3;
	s26 =	sld [smem:$0x7F3]  }
0xab: {  	_ = 	snop  }
0xac: {  	s23 =	sor.u32 $0x1C05, s23  }
0xad: {  	[hbm:s26], [sflag:s23] =	dma.local [spmem:s25], $0x1C00  }
0xae: {  	s26 =	sld [smem:$0x7F5];
	_ =	sdelay $0x2  }
0xaf: {  	[hbm:s26], [sflag:s23] =	dma.local [spmem:s25], $0x1C00  }
0xb0: {  	_ =	swait.ge [sflag:s17], $0xE000  }
0xb1: {  	[sflag:s17] =	ssyncset.done $0x0  }
0xb2: {  	s28 =	rddreg [dreg:$0x1c];
	[sflag:s17] =	ssyncadd.s32 $0xFFFF2000  }
0xb3: {  	[hbm4b:s28+s24] =	stream.linear.scatter [tilespmem:s24], [sflag:$0x3], $0xE000, $0x38;
	[tilespmem:$0x1DE00] =	vst v63  }
0xb4: {  	_ =	swait.ge [sflag:s18], $0xE000  }
0xb5: {  	[sflag:s18] =	ssyncset.done $0x0;
	s28 =	sld [smem:$0x7F7]  }
0xb6: {  	s29 =	rddreg [dreg:$0x6];
	[sflag:s18] =	ssyncadd.s32 $0xFFFF2000  }
0xb7: {  	[tilespmem:s24], [sflag:$0x1] =	stream.linear.gather [hbm4b:s29+s24], $0xE000, $0x38;
	[tilespmem:$0x1DE00] =	vst v63  }
0xb8: {  	[hbm:s28], [sflag:s23] =	dma.local [spmem:s25], $0x1C00  }
0xb9: {  	_ =	swait.ge [sflag:s19], $0xE000  }
0xba: {  	[sflag:s19] =	ssyncset.done $0x0  }
0xbb: {  	s29 =	rddreg [dreg:$0x1d];
	[sflag:s19] =	ssyncadd.s32 $0xFFFF2000  }
0xbc: {  	[hbm4b:s29+s24] =	stream.linear.scatter [tilespmem:s15], [sflag:$0x4], $0xE000, $0x38;
	[tilespmem:$0x1DE00] =	vst v63  }
0xbd: {  	_ =	swait.ge [sflag:s20], $0xE000  }
0xbe: {  	[sflag:s20] =	ssyncset.done $0x0;
	s29 =	sld [smem:$0x7F8]  }
0xbf: {  	s28 =	rddreg [dreg:$0x7];
	[sflag:s20] =	ssyncadd.s32 $0xFFFF2000  }
0xc0: {  	[tilespmem:s15], [sflag:$0x2] =	stream.linear.gather [hbm4b:s28+s24], $0xE000, $0x38;
	[tilespmem:$0x1DE00] =	vst v63  }
0xc1: {  	[hbm:s29], [sflag:s23] =	dma.local [spmem:s25], $0x1C00  }
0xc2: {  	_ =	swait.ge [sflag:s17], $0xE000  }
0xc3: {  	[sflag:s17] =	ssyncset.done $0x0  }
0xc4: {  	s28 =	rddreg [dreg:$0x1e];
	[sflag:s17] =	ssyncadd.s32 $0xFFFF2000  }
0xc5: {  	[hbm4b:s28+s24] =	stream.linear.scatter [tilespmem:s24], [sflag:$0x3], $0xE000, $0x38;
	[tilespmem:$0x1DE00] =	vst v63  }
0xc6: {  	_ =	swait.ge [sflag:s18], $0xE000  }
0xc7: {  	[sflag:s18] =	ssyncset.done $0x0;
	s28 =	sld [smem:$0x7F9]  }
0xc8: {  	s29 =	rddreg [dreg:$0x8];
	[sflag:s18] =	ssyncadd.s32 $0xFFFF2000  }
0xc9: {  	[tilespmem:s24], [sflag:$0x1] =	stream.linear.gather [hbm4b:s29+s24], $0xE000, $0x38;
	[tilespmem:$0x1DE00] =	vst v63  }
0xca: {  	[hbm:s28], [sflag:s23] =	dma.local [spmem:s25], $0x1C00  }
0xcb: {  	_ =	swait.ge [sflag:s19], $0xE000  }
0xcc: {  	[sflag:s19] =	ssyncset.done $0x0  }
0xcd: {  	s29 =	rddreg [dreg:$0x1f];
	[sflag:s19] =	ssyncadd.s32 $0xFFFF2000  }
0xce: {  	[hbm4b:s29+s24] =	stream.linear.scatter [tilespmem:s15], [sflag:$0x4], $0xE000, $0x38;
	[tilespmem:$0x1DE00] =	vst v63  }
0xcf: {  	_ =	swait.ge [sflag:s20], $0xE000  }
0xd0: {  	[sflag:s20] =	ssyncset.done $0x0;
	s29 =	sld [smem:$0x7FA]  }
0xd1: {  	s28 =	rddreg [dreg:$0x9];
	[sflag:s20] =	ssyncadd.s32 $0xFFFF2000  }
0xd2: {  	[tilespmem:s15], [sflag:$0x2] =	stream.linear.gather [hbm4b:s28+s24], $0xE000, $0x38;
	[tilespmem:$0x1DE00] =	vst v63  }
0xd3: {  	[hbm:s29], [sflag:s23] =	dma.local [spmem:s25], $0x1C00  }
0xd4: {  	_ =	swait.ge [sflag:s17], $0xE000  }
0xd5: {  	s28 =	sld [smem:$0x7DD]  }
0xd6: {  	[sflag:s17] =	ssyncset.done $0x0  }
0xd7: {  	[sflag:s17] =	ssyncadd.s32 $0xFFFF2000  }
0xd8: {  	[hbm4b:s28+s24] =	stream.linear.scatter [tilespmem:s24], [sflag:$0x3], $0xE000, $0x38;
	[tilespmem:$0x1DE00] =	vst v63  }
0xd9: {  	_ =	swait.ge [sflag:s18], $0xE000  }
0xda: {  	[sflag:s18] =	ssyncset.done $0x0;
	s28 =	sld [smem:$0x7FB]  }
0xdb: {  	s29 =	rddreg [dreg:$0xa];
	[sflag:s18] =	ssyncadd.s32 $0xFFFF2000  }
0xdc: {  	[tilespmem:s24], [sflag:$0x1] =	stream.linear.gather [hbm4b:s29+s24], $0xE000, $0x38;
	[tilespmem:$0x1DE00] =	vst v63  }
0xdd: {  	[hbm:s28], [sflag:s23] =	dma.local [spmem:s25], $0x1C00  }
0xde: {  	_ =	swait.ge [sflag:s19], $0xE000  }
0xdf: {  	s29 =	sld [smem:$0x7DE]  }
0xe0: {  	[sflag:s19] =	ssyncset.done $0x0  }
0xe1: {  	[sflag:s19] =	ssyncadd.s32 $0xFFFF2000  }
0xe2: {  	[hbm4b:s29+s24] =	stream.linear.scatter [tilespmem:s15], [sflag:$0x4], $0xE000, $0x38;
	[tilespmem:$0x1DE00] =	vst v63  }
0xe3: {  	_ =	swait.ge [sflag:s20], $0xE000  }
0xe4: {  	[sflag:s20] =	ssyncset.done $0x0;
	s29 =	sld [smem:$0x7FC]  }
0xe5: {  	s28 =	rddreg [dreg:$0xb];
	[sflag:s20] =	ssyncadd.s32 $0xFFFF2000  }
0xe6: {  	[tilespmem:s15], [sflag:$0x2] =	stream.linear.gather [hbm4b:s28+s24], $0xE000, $0x38;
	[tilespmem:$0x1DE00] =	vst v63  }
0xe7: {  	[hbm:s29], [sflag:s23] =	dma.local [spmem:s25], $0x1C00  }
0xe8: {  	_ =	swait.ge [sflag:s17], $0xE000  }
0xe9: {  	s28 =	sld [smem:$0x7DF]  }
0xea: {  	[sflag:s17] =	ssyncset.done $0x0  }
0xeb: {  	[sflag:s17] =	ssyncadd.s32 $0xFFFF2000  }
0xec: {  	[hbm4b:s28+s24] =	stream.linear.scatter [tilespmem:s24], [sflag:$0x3], $0xE000, $0x38;
	[tilespmem:$0x1DE00] =	vst v63  }
0xed: {  	_ =	swait.ge [sflag:s18], $0xE000  }
0xee: {  	[sflag:s18] =	ssyncset.done $0x0  }
0xef: {  	s29 =	rddreg [dreg:$0xc];
	[sflag:s18] =	ssyncadd.s32 $0xFFFF2000  }
0xf0: {  	[tilespmem:s24], [sflag:$0x1] =	stream.linear.gather [hbm4b:s29+s24], $0xE000, $0x38;
	[tilespmem:$0x1DE00] =	vst v63  }
0xf1: {  	[hbm:s30], [sflag:s23] =	dma.local [spmem:s25], $0x1C00  }
0xf2: {  	_ =	swait.ge [sflag:s19], $0xE000  }
0xf3: {  	s28 =	sld [smem:$0x7E0]  }
0xf4: {  	[sflag:s19] =	ssyncset.done $0x0  }
0xf5: {  	[sflag:s19] =	ssyncadd.s32 $0xFFFF2000  }
0xf6: {  	[hbm4b:s28+s24] =	stream.linear.scatter [tilespmem:s15], [sflag:$0x4], $0xE000, $0x38;
	[tilespmem:$0x1DE00] =	vst v63  }
0xf7: {  	_ =	swait.ge [sflag:s20], $0xE000  }
0xf8: {  	[sflag:s20] =	ssyncset.done $0x0  }
0xf9: {  	s29 =	rddreg [dreg:$0xd];
	[sflag:s20] =	ssyncadd.s32 $0xFFFF2000  }
0xfa: {  	[tilespmem:s15], [sflag:$0x2] =	stream.linear.gather [hbm4b:s29+s24], $0xE000, $0x38;
	[tilespmem:$0x1DE00] =	vst v63  }
0xfb: {  	[hbm:s31], [sflag:s23] =	dma.local [spmem:s25], $0x1C00  }
0xfc: {  	_ =	swait.ge [sflag:s17], $0xE000  }
0xfd: {  	s28 =	sld [smem:$0x7E1]  }
0xfe: {  	[sflag:s17] =	ssyncset.done $0x0  }
0xff: {  	[sflag:s17] =	ssyncadd.s32 $0xFFFF2000  }
0x100: {  	[hbm4b:s28+s24] =	stream.linear.scatter [tilespmem:s24], [sflag:$0x3], $0xE000, $0x38;
	[tilespmem:$0x1DE00] =	vst v63  }
0x101: {  	_ =	swait.ge [sflag:s18], $0xE000  }
0x102: {  	[sflag:s18] =	ssyncset.done $0x0  }
0x103: {  	s29 =	rddreg [dreg:$0xe];
	[sflag:s18] =	ssyncadd.s32 $0xFFFF2000  }
0x104: {  	[tilespmem:s24], [sflag:$0x1] =	stream.linear.gather [hbm4b:s29+s24], $0xE000, $0x38;
	[tilespmem:$0x1DE00] =	vst v63  }
0x105: {  	[hbm:s0], [sflag:s23] =	dma.local [spmem:s25], $0x1C00  }
0x106: {  	_ =	swait.ge [sflag:s19], $0xE000  }
0x107: {  	s28 =	sld [smem:$0x7E2]  }
0x108: {  	[sflag:s19] =	ssyncset.done $0x0  }
0x109: {  	[sflag:s19] =	ssyncadd.s32 $0xFFFF2000  }
0x10a: {  	[hbm4b:s28+s24] =	stream.linear.scatter [tilespmem:s15], [sflag:$0x4], $0xE000, $0x38;
	[tilespmem:$0x1DE00] =	vst v63  }
0x10b: {  	_ =	swait.ge [sflag:s20], $0xE000  }
0x10c: {  	[sflag:s20] =	ssyncset.done $0x0  }
0x10d: {  	s29 =	rddreg [dreg:$0xf];
	[sflag:s20] =	ssyncadd.s32 $0xFFFF2000  }
0x10e: {  	[tilespmem:s15], [sflag:$0x2] =	stream.linear.gather [hbm4b:s29+s24], $0xE000, $0x38;
	[tilespmem:$0x1DE00] =	vst v63  }
0x10f: {  	[hbm:s1], [sflag:s23] =	dma.local [spmem:s25], $0x1C00  }
0x110: {  	_ =	swait.ge [sflag:s17], $0xE000  }
0x111: {  	s28 =	sld [smem:$0x7E3]  }
0x112: {  	[sflag:s17] =	ssyncset.done $0x0  }
0x113: {  	[sflag:s17] =	ssyncadd.s32 $0xFFFF2000  }
0x114: {  	[hbm4b:s28+s24] =	stream.linear.scatter [tilespmem:s24], [sflag:$0x3], $0xE000, $0x38;
	[tilespmem:$0x1DE00] =	vst v63  }
0x115: {  	_ =	swait.ge [sflag:s18], $0xE000  }
0x116: {  	[sflag:s18] =	ssyncset.done $0x0  }
0x117: {  	s29 =	rddreg [dreg:$0x10];
	[sflag:s18] =	ssyncadd.s32 $0xFFFF2000  }
0x118: {  	[tilespmem:s24], [sflag:$0x1] =	stream.linear.gather [hbm4b:s29+s24], $0xE000, $0x38;
	[tilespmem:$0x1DE00] =	vst v63  }
0x119: {  	[hbm:s2], [sflag:s23] =	dma.local [spmem:s25], $0x1C00  }
0x11a: {  	_ =	swait.ge [sflag:s19], $0xE000  }
0x11b: {  	s28 =	sld [smem:$0x7E4]  }
0x11c: {  	[sflag:s19] =	ssyncset.done $0x0  }
0x11d: {  	[sflag:s19] =	ssyncadd.s32 $0xFFFF2000  }
0x11e: {  	[hbm4b:s28+s24] =	stream.linear.scatter [tilespmem:s15], [sflag:$0x4], $0xE000, $0x38;
	[tilespmem:$0x1DE00] =	vst v63  }
0x11f: {  	_ =	swait.ge [sflag:s20], $0xE000  }
0x120: {  	[sflag:s20] =	ssyncset.done $0x0  }
0x121: {  	s29 =	rddreg [dreg:$0x11];
	[sflag:s20] =	ssyncadd.s32 $0xFFFF2000  }
0x122: {  	[tilespmem:s15], [sflag:$0x2] =	stream.linear.gather [hbm4b:s29+s24], $0xE000, $0x38;
	[tilespmem:$0x1DE00] =	vst v63  }
0x123: {  	[hbm:s3], [sflag:s23] =	dma.local [spmem:s25], $0x1C00  }
0x124: {  	_ =	swait.ge [sflag:s17], $0xE000  }
0x125: {  	s28 =	sld [smem:$0x7E5]  }
0x126: {  	[sflag:s17] =	ssyncset.done $0x0  }
0x127: {  	[sflag:s17] =	ssyncadd.s32 $0xFFFF2000  }
0x128: {  	[hbm4b:s28+s24] =	stream.linear.scatter [tilespmem:s24], [sflag:$0x3], $0xE000, $0x38;
	[tilespmem:$0x1DE00] =	vst v63  }
0x129: {  	_ =	swait.ge [sflag:s18], $0xE000  }
0x12a: {  	[sflag:s18] =	ssyncset.done $0x0  }
0x12b: {  	s29 =	rddreg [dreg:$0x12];
	[sflag:s18] =	ssyncadd.s32 $0xFFFF2000  }
0x12c: {  	[tilespmem:s24], [sflag:$0x1] =	stream.linear.gather [hbm4b:s29+s24], $0xE000, $0x38;
	[tilespmem:$0x1DE00] =	vst v63  }
0x12d: {  	[hbm:s4], [sflag:s23] =	dma.local [spmem:s25], $0x1C00  }
0x12e: {  	_ =	swait.ge [sflag:s19], $0xE000  }
0x12f: {  	s28 =	sld [smem:$0x7E6]  }
0x130: {  	[sflag:s19] =	ssyncset.done $0x0  }
0x131: {  	[sflag:s19] =	ssyncadd.s32 $0xFFFF2000  }
0x132: {  	[hbm4b:s28+s24] =	stream.linear.scatter [tilespmem:s15], [sflag:$0x4], $0xE000, $0x38;
	[tilespmem:$0x1DE00] =	vst v63  }
0x133: {  	_ =	swait.ge [sflag:s20], $0xE000  }
0x134: {  	[sflag:s20] =	ssyncset.done $0x0  }
0x135: {  	s29 =	rddreg [dreg:$0x13];
	[sflag:s20] =	ssyncadd.s32 $0xFFFF2000  }
0x136: {  	[tilespmem:s15], [sflag:$0x2] =	stream.linear.gather [hbm4b:s29+s24], $0xE000, $0x38;
	[tilespmem:$0x1DE00] =	vst v63  }
0x137: {  	[hbm:s5], [sflag:s23] =	dma.local [spmem:s25], $0x1C00  }
0x138: {  	_ =	swait.ge [sflag:s17], $0xE000  }
0x139: {  	s28 =	sld [smem:$0x7E7]  }
0x13a: {  	[sflag:s17] =	ssyncset.done $0x0  }
0x13b: {  	[sflag:s17] =	ssyncadd.s32 $0xFFFF2000  }
0x13c: {  	[hbm4b:s28+s24] =	stream.linear.scatter [tilespmem:s24], [sflag:$0x3], $0xE000, $0x38;
	[tilespmem:$0x1DE00] =	vst v63  }
0x13d: {  	_ =	swait.ge [sflag:s18], $0xE000  }
0x13e: {  	[sflag:s18] =	ssyncset.done $0x0  }
0x13f: {  	s29 =	rddreg [dreg:$0x14];
	[sflag:s18] =	ssyncadd.s32 $0xFFFF2000  }
0x140: {  	[tilespmem:s24], [sflag:$0x1] =	stream.linear.gather [hbm4b:s29+s24], $0xE000, $0x38;
	[tilespmem:$0x1DE00] =	vst v63  }
0x141: {  	[hbm:s6], [sflag:s23] =	dma.local [spmem:s25], $0x1C00  }
0x142: {  	_ =	swait.ge [sflag:s19], $0xE000  }
0x143: {  	s28 =	sld [smem:$0x7E8]  }
0x144: {  	[sflag:s19] =	ssyncset.done $0x0  }
0x145: {  	[sflag:s19] =	ssyncadd.s32 $0xFFFF2000  }
0x146: {  	[hbm4b:s28+s24] =	stream.linear.scatter [tilespmem:s15], [sflag:$0x4], $0xE000, $0x38;
	[tilespmem:$0x1DE00] =	vst v63  }
0x147: {  	_ =	swait.ge [sflag:s20], $0xE000  }
0x148: {  	[sflag:s20] =	ssyncset.done $0x0  }
0x149: {  	s29 =	rddreg [dreg:$0x15];
	[sflag:s20] =	ssyncadd.s32 $0xFFFF2000  }
0x14a: {  	[tilespmem:s15], [sflag:$0x2] =	stream.linear.gather [hbm4b:s29+s24], $0xE000, $0x38;
	[tilespmem:$0x1DE00] =	vst v63  }
0x14b: {  	[hbm:s7], [sflag:s23] =	dma.local [spmem:s25], $0x1C00  }
0x14c: {  	_ =	swait.ge [sflag:s17], $0xE000  }
0x14d: {  	s28 =	sld [smem:$0x7E9]  }
0x14e: {  	[sflag:s17] =	ssyncset.done $0x0  }
0x14f: {  	[sflag:s17] =	ssyncadd.s32 $0xFFFF2000  }
0x150: {  	[hbm4b:s28+s24] =	stream.linear.scatter [tilespmem:s24], [sflag:$0x3], $0xE000, $0x38;
	[tilespmem:$0x1DE00] =	vst v63  }
0x151: {  	_ =	swait.ge [sflag:s18], $0xE000  }
0x152: {  	[sflag:s18] =	ssyncset.done $0x0  }
0x153: {  	s29 =	rddreg [dreg:$0x16];
	[sflag:s18] =	ssyncadd.s32 $0xFFFF2000  }
0x154: {  	[tilespmem:s24], [sflag:$0x1] =	stream.linear.gather [hbm4b:s29+s24], $0xE000, $0x38;
	[tilespmem:$0x1DE00] =	vst v63  }
0x155: {  	[hbm:s8], [sflag:s23] =	dma.local [spmem:s25], $0x1C00  }
0x156: {  	_ =	swait.ge [sflag:s19], $0xE000  }
0x157: {  	s28 =	sld [smem:$0x7EA]  }
0x158: {  	[sflag:s19] =	ssyncset.done $0x0  }
0x159: {  	[sflag:s19] =	ssyncadd.s32 $0xFFFF2000  }
0x15a: {  	[hbm4b:s28+s24] =	stream.linear.scatter [tilespmem:s15], [sflag:$0x4], $0xE000, $0x38;
	[tilespmem:$0x1DE00] =	vst v63  }
0x15b: {  	_ =	swait.ge [sflag:s20], $0xE000  }
0x15c: {  	[sflag:s20] =	ssyncset.done $0x0  }
0x15d: {  	s29 =	rddreg [dreg:$0x17];
	[sflag:s20] =	ssyncadd.s32 $0xFFFF2000  }
0x15e: {  	[tilespmem:s15], [sflag:$0x2] =	stream.linear.gather [hbm4b:s29+s24], $0xE000, $0x38;
	[tilespmem:$0x1DE00] =	vst v63  }
0x15f: {  	[hbm:s9], [sflag:s23] =	dma.local [spmem:s25], $0x1C00  }
0x160: {  	_ =	swait.ge [sflag:s17], $0xE000  }
0x161: {  	s28 =	sld [smem:$0x7EB]  }
0x162: {  	[sflag:s17] =	ssyncset.done $0x0  }
0x163: {  	[sflag:s17] =	ssyncadd.s32 $0xFFFF2000  }
0x164: {  	[hbm4b:s28+s24] =	stream.linear.scatter [tilespmem:s24], [sflag:$0x3], $0xE000, $0x38;
	[tilespmem:$0x1DE00] =	vst v63  }
0x165: {  	_ =	swait.ge [sflag:s18], $0xE000  }
0x166: {  	[sflag:s18] =	ssyncset.done $0x0  }
0x167: {  	s29 =	rddreg [dreg:$0x18];
	[sflag:s18] =	ssyncadd.s32 $0xFFFF2000  }
0x168: {  	[tilespmem:s24], [sflag:$0x1] =	stream.linear.gather [hbm4b:s29+s24], $0xE000, $0x38;
	[tilespmem:$0x1DE00] =	vst v63  }
0x169: {  	[hbm:s10], [sflag:s23] =	dma.local [spmem:s25], $0x1C00  }
0x16a: {  	_ =	swait.ge [sflag:s19], $0xE000  }
0x16b: {  	s28 =	sld [smem:$0x7EC]  }
0x16c: {  	[sflag:s19] =	ssyncset.done $0x0  }
0x16d: {  	[sflag:s19] =	ssyncadd.s32 $0xFFFF2000  }
0x16e: {  	[hbm4b:s28+s24] =	stream.linear.scatter [tilespmem:s15], [sflag:$0x4], $0xE000, $0x38;
	[tilespmem:$0x1DE00] =	vst v63  }
0x16f: {  	_ =	swait.ge [sflag:s20], $0xE000  }
0x170: {  	[sflag:s20] =	ssyncset.done $0x0  }
0x171: {  	s29 =	rddreg [dreg:$0x19];
	[sflag:s20] =	ssyncadd.s32 $0xFFFF2000  }
0x172: {  	[tilespmem:s15], [sflag:$0x2] =	stream.linear.gather [hbm4b:s29+s24], $0xE000, $0x38;
	[tilespmem:$0x1DE00] =	vst v63  }
0x173: {  	[hbm:s11], [sflag:s23] =	dma.local [spmem:s25], $0x1C00  }
0x174: {  	_ =	swait.ge [sflag:s17], $0xE000  }
0x175: {  	s28 =	sld [smem:$0x7ED]  }
0x176: {  	[sflag:s17] =	ssyncset.done $0x0  }
0x177: {  	[sflag:s17] =	ssyncadd.s32 $0xFFFF2000  }
0x178: {  	[hbm4b:s28+s24] =	stream.linear.scatter [tilespmem:s24], [sflag:$0x3], $0xE000, $0x38;
	[tilespmem:$0x1DE00] =	vst v63  }
0x179: {  	_ =	swait.ge [sflag:s18], $0xE000  }
0x17a: {  	[sflag:s18] =	ssyncset.done $0x0  }
0x17b: {  	s29 =	rddreg [dreg:$0x1a];
	[sflag:s18] =	ssyncadd.s32 $0xFFFF2000  }
0x17c: {  	[tilespmem:s24], [sflag:$0x1] =	stream.linear.gather [hbm4b:s29+s24], $0xE000, $0x38;
	[tilespmem:$0x1DE00] =	vst v63  }
0x17d: {  	[hbm:s12], [sflag:s23] =	dma.local [spmem:s25], $0x1C00  }
0x17e: {  	_ =	swait.ge [sflag:s19], $0xE000  }
0x17f: {  	s28 =	sld [smem:$0x7EE]  }
0x180: {  	[sflag:s19] =	ssyncset.done $0x0  }
0x181: {  	[sflag:s19] =	ssyncadd.s32 $0xFFFF2000  }
0x182: {  	[hbm4b:s28+s24] =	stream.linear.scatter [tilespmem:s15], [sflag:$0x4], $0xE000, $0x38;
	[tilespmem:$0x1DE00] =	vst v63  }
0x183: {  	_ =	swait.ge [sflag:s20], $0xE000  }
0x184: {  	[sflag:s20] =	ssyncset.done $0x0  }
0x185: {  	s29 =	rddreg [dreg:$0x1b];
	[sflag:s20] =	ssyncadd.s32 $0xFFFF2000  }
0x186: {  	[tilespmem:s15], [sflag:$0x2] =	stream.linear.gather [hbm4b:s29+s24], $0xE000, $0x38;
	[tilespmem:$0x1DE00] =	vst v63  }
0x187: {  	[hbm:s13], [sflag:s23] =	dma.local [spmem:s25], $0x1C00  }
0x188: {  	_ =	swait.ge [sflag:s17], $0xE000  }
0x189: {  	s28 =	sld [smem:$0x7EF]  }
0x18a: {  	[sflag:s17] =	ssyncset.done $0x0  }
0x18b: {  	[sflag:s17] =	ssyncadd.s32 $0xFFFF2000  }
0x18c: {  	[hbm4b:s28+s24] =	stream.linear.scatter [tilespmem:s24], [sflag:$0x3], $0xE000, $0x38;
	[tilespmem:$0x1DE00] =	vst v63  }
0x18d: {  	_ =	swait.ge [sflag:s19], $0xE000  }
0x18e: {  	s29 =	sld [smem:$0x7F0]  }
0x18f: {  	[sflag:s19] =	ssyncset.done $0x0  }
0x190: {  	[sflag:s19] =	ssyncadd.s32 $0xFFFF2000  }
0x191: {  	[hbm4b:s29+s24] =	stream.linear.scatter [tilespmem:s15], [sflag:$0x4], $0xE000, $0x38;
	[tilespmem:$0x1DE00] =	vst v63  }
0x192: {  	_ =	swait.ge [sflag:s18], $0xE000  }
0x193: {  	[sflag:s18] =	ssyncset.done $0x0  }
0x194: {  	[sflag:s18] =	ssyncadd.s32 $0xFFFF2000  }
0x195: {  	_ =	swait.ge [sflag:s20], $0xE000  }
0x196: {  	[sflag:s20] =	ssyncset.done $0x0  }
0x197: {  	[sflag:s20] =	ssyncadd.s32 $0xFFFF2000  }
0x198: {  	_ =	swait.ge [sflag:s21], $0x1C00  }
0x199: {  	[sflag:s21] =	ssyncset.done $0x0  }
0x19a: {  	[sflag:s21] =	ssyncadd.s32 $0xFFFFE400  }
0x19b: {  	_ =	swait.ge [sflag:s21], $0x1C00  }
0x19c: {  	[sflag:s21] =	ssyncset.done $0x0  }
0x19d: {  	[sflag:s21] =	ssyncadd.s32 $0xFFFFE400  }
0x19e: {  	_ =	swait.ge [sflag:s21], $0x1C00  }
0x19f: {  	[sflag:s21] =	ssyncset.done $0x0  }
0x1a0: {  	[sflag:s21] =	ssyncadd.s32 $0xFFFFE400  }
0x1a1: {  	_ =	swait.ge [sflag:s21], $0x1C00  }
0x1a2: {  	[sflag:s21] =	ssyncset.done $0x0  }
0x1a3: {  	[sflag:s21] =	ssyncadd.s32 $0xFFFFE400  }
0x1a4: {  	_ =	swait.ge [sflag:s21], $0x1C00  }
0x1a5: {  	[sflag:s21] =	ssyncset.done $0x0  }
0x1a6: {  	[sflag:s21] =	ssyncadd.s32 $0xFFFFE400  }
0x1a7: {  	_ =	swait.ge [sflag:s21], $0x1C00  }
0x1a8: {  	[sflag:s21] =	ssyncset.done $0x0  }
0x1a9: {  	[sflag:s21] =	ssyncadd.s32 $0xFFFFE400  }
0x1aa: {  	_ =	swait.ge [sflag:s21], $0x1C00  }
0x1ab: {  	[sflag:s21] =	ssyncset.done $0x0  }
0x1ac: {  	[sflag:s21] =	ssyncadd.s32 $0xFFFFE400  }
0x1ad: {  	_ =	swait.ge [sflag:s21], $0x1C00  }
0x1ae: {  	[sflag:s21] =	ssyncset.done $0x0  }
0x1af: {  	[sflag:s21] =	ssyncadd.s32 $0xFFFFE400  }
0x1b0: {  	_ =	swait.ge [sflag:s21], $0x1C00  }
0x1b1: {  	[sflag:s21] =	ssyncset.done $0x0  }
0x1b2: {  	[sflag:s21] =	ssyncadd.s32 $0xFFFFE400  }
0x1b3: {  	_ =	swait.ge [sflag:s21], $0x1C00  }
0x1b4: {  	[sflag:s21] =	ssyncset.done $0x0  }
0x1b5: {  	[sflag:s21] =	ssyncadd.s32 $0xFFFFE400  }
0x1b6: {  	_ =	swait.ge [sflag:s21], $0x1C00  }
0x1b7: {  	[sflag:s21] =	ssyncset.done $0x0  }
0x1b8: {  	[sflag:s21] =	ssyncadd.s32 $0xFFFFE400  }
0x1b9: {  	_ =	swait.ge [sflag:s21], $0x1C00  }
0x1ba: {  	[sflag:s21] =	ssyncset.done $0x0  }
0x1bb: {  	[sflag:s21] =	ssyncadd.s32 $0xFFFFE400  }
0x1bc: {  	_ =	swait.ge [sflag:s21], $0x1C00  }
0x1bd: {  	[sflag:s21] =	ssyncset.done $0x0  }
0x1be: {  	[sflag:s21] =	ssyncadd.s32 $0xFFFFE400  }
0x1bf: {  	_ =	swait.ge [sflag:s21], $0x1C00  }
0x1c0: {  	[sflag:s21] =	ssyncset.done $0x0  }
0x1c1: {  	[sflag:s21] =	ssyncadd.s32 $0xFFFFE400  }
0x1c2: {  	_ =	swait.ge [sflag:s21], $0x1C00  }
0x1c3: {  	[sflag:s21] =	ssyncset.done $0x0  }
0x1c4: {  	[sflag:s21] =	ssyncadd.s32 $0xFFFFE400  }
0x1c5: {  	_ =	swait.ge [sflag:s21], $0x1C00  }
0x1c6: {  	[sflag:s21] =	ssyncset.done $0x0  }
0x1c7: {  	[sflag:s21] =	ssyncadd.s32 $0xFFFFE400  }
0x1c8: {  	_ =	swait.ge [sflag:s21], $0x1C00  }
0x1c9: {  	[sflag:s21] =	ssyncset.done $0x0  }
0x1ca: {  	[sflag:s21] =	ssyncadd.s32 $0xFFFFE400  }
0x1cb: {  	_ =	swait.ge [sflag:s21], $0x1C00  }
0x1cc: {  	[sflag:s21] =	ssyncset.done $0x0  }
0x1cd: {  	[sflag:s21] =	ssyncadd.s32 $0xFFFFE400  }
0x1ce: {  	_ =	swait.ge [sflag:s21], $0x1C00  }
0x1cf: {  	[sflag:s21] =	ssyncset.done $0x0  }
0x1d0: {  	[sflag:s21] =	ssyncadd.s32 $0xFFFFE400  }
0x1d1: {  	_ =	swait.ge [sflag:s21], $0x1C00  }
0x1d2: {  	[sflag:s21] =	ssyncset.done $0x0  }
0x1d3: {  	[sflag:s21] =	ssyncadd.s32 $0xFFFFE400  }
0x1d4: {  	_ =	swait.ge [sflag:s21], $0x1C00  }
0x1d5: {  	[sflag:s21] =	ssyncset.done $0x0  }
0x1d6: {  	[sflag:s21] =	ssyncadd.s32 $0xFFFFE400  }
0x1d7: {  	_ =	swait.ge [sflag:s21], $0x1C00  }
0x1d8: {  	[sflag:s21] =	ssyncset.done $0x0  }
0x1d9: {  	s22 =	sadd.s32 $0x1, s22;
	[sflag:s21] =	ssyncadd.s32 $0xFFFFE400  }
0x1da: {  	p0 =	sne.s32 s22, s14;
	_ =	swait.ge [sflag:s21], $0x1C00  }
.Ltmp1:
0x1db: {  	[sflag:s21] =	ssyncset.done $0x0;
	(pc) =	sbr.rel @p0 .LBB2_1-.Ltmp1, $4  }
0x1dc: {  	[sflag:s21] =	ssyncadd.s32 $0xFFFFE400  }
0x1dd: {  	_ =	swait.ge [sflag:s21], $0x1C00  }
0x1de: {  	[sflag:s21] =	ssyncset.done $0x0  }
0x1df: {  	[sflag:s21] =	ssyncadd.s32 $0xFFFFE400  }
0x1e0: {  	_ =	sfence.sel $0x180000  }
0x1e1: {  	[bflag:$0x0] =	sbarrier.arrive $0xFFFF  }
0x1e2: {  	_ =	strace $0x90000047  }
0x1e3: {  	s0 =	stileid.u32;
	[bflag:$0x2] =	sbarrier.arrive $0xFFFF  }
0x1e4: {  	p0 =	sne.s32 s0, $0x0;
	s0 =	rddreg [dreg:$0x3]  }
0x1e5: {  	s0 =	sadd.s32 @!p0 $0x100000, s0  }
0x1e6: {  	[sflag:s0] =	ssyncadd.tile.s32 @!p0 $0x1;
	_ =	shalt  }
.Lfunc_end2:
_tile_overlayer_lowered:
.L_overlay_start_2:
0x1e7: {  	(tag) =	ssettag $0x2  }
0x1e8: {  	s0 =	rddreg [dreg:$0x0];
	s2 =	stileid.u32  }
0x1e9: {  	s1 =	rddreg [dreg:$0x1];
	p0 =	sne.s32 s2, $0x0  }
0x1ea: {  	s3 =	rddreg [dreg:$0x2];
	[bflag:$0x3] =	sbarrier.arrive $0xFFFF;
	s2 =	simm.s32 @!p0 $0x1C06  }
0x1eb: {  	[timem:s3], [sflag:s2] =	dma.local @!p0 [hbm:s0], s1  }
0x1ec: {  	s0 =	simm.s32 @!p0 $0x6  }
0x1ed: {  	_ =	swait.ge @!p0 [sflag:s0], s1  }
0x1ee: {  	s1 =	ssub.s32 @!p0 $0x0, s1;
	[sflag:s0] =	ssyncset.done @!p0 $0x0  }
0x1ef: {  	[sflag:s0] =	ssyncadd.s32 @!p0 s1  }
0x1f0: {  	[bflag:$0x3] =	sbarrier.arrive $0xFFFF  }
0x1f1: {  	_ =	shalt  }

</sc_bundles>
